<compile_context>
chip_gen: v7x
topology: tpu7x:2x2x1
jax: 0.10.2.dev20260603
libtpu: 0.0.44.dev20260713+nightly
codegen_flags: <defaults>
</compile_context>

<pallas_src>
import functools

import jax
import jax.numpy as jnp
from jax import lax
from jax.experimental import pallas as pl
from jax.experimental.pallas import tpu as pltpu
from jax.experimental.pallas import tpu_sc as plsc

_N = 10000
_E = 160000
_DIM = 256
_HALF = 128
_WL = _HALF // 16
_NS = 16
_EPT = _E // _NS
_K = 125
_NCH = _EPT // _K
_SG = 16
_CB = 16
_NA = 10240
_RPT = _NA // _NS
_RB = 1000


def _sc_agg_body(src_hbm, dst_hbm, h0_hbm, h1_hbm, zrs_hbm, ons_hbm,
                 fin0, fin1, fout0, fout1, cin, cout,
                 abuf, gring, rows, acc, sem, sem2, sem3):
    c = lax.axis_index("c")
    s = lax.axis_index("s")
    row0 = s * _RPT

    def _zero_slice():
        pltpu.sync_copy(zrs_hbm, acc.at[pl.ds(row0, _RPT)])

    def _feature_pass(g_hbm, a_hbm, h_hbm):
        pltpu.sync_copy(g_hbm.at[s, 0], gring.at[0])
        pltpu.async_copy(h_hbm.at[gring.at[0]], rows.at[0], sem)
        pltpu.async_copy(g_hbm.at[s, 1], gring.at[1], sem2)

        def _chunk(j, carry):
            p = lax.rem(j, 2)
            jj = lax.rem(j, _SG)
            pltpu.make_async_copy(h_hbm.at[gring.at[p]], rows.at[p], sem).wait()

            @pl.when(j >= 1)
            def _():
                pltpu.make_async_copy(rows.at[1 - p], acc.at[abuf.at[jj]],
                                      sem3).wait()

            @pl.when(jj == 0)
            def _():
                pltpu.sync_copy(
                    a_hbm.at[s, pl.ds(pl.multiple_of(j, _SG), _SG)], abuf)

            @pl.when(j + 1 < _NCH)
            def _():
                pltpu.make_async_copy(g_hbm.at[s, j + 1], gring.at[1 - p],
                                      sem2).wait()
                pltpu.async_copy(h_hbm.at[gring.at[1 - p]], rows.at[1 - p], sem)

            pltpu.async_copy(rows.at[p], acc.at[abuf.at[jj]], sem3, add=True)

            @pl.when(j + 2 < _NCH)
            def _():
                pltpu.async_copy(g_hbm.at[s, j + 2], gring.at[p], sem2)

            return carry

        lax.fori_loop(0, _NCH, _chunk, 0)
        pltpu.make_async_copy(rows.at[(_NCH - 1) % 2],
                              acc.at[abuf.at[(_NCH - 1) % _SG]], sem3).wait()

    def _count_pass(a_hbm):
        ones = rows.at[0]

        def _outer(t, carry):
            pltpu.sync_copy(
                a_hbm.at[s, pl.ds(pl.multiple_of(t * _CB, _CB), _CB)], abuf)
            for b in range(_CB):
                pltpu.async_copy(ones, acc.at[abuf.at[b]], sem2, add=True)
            for b in range(_CB):
                pltpu.make_async_copy(ones, acc.at[abuf.at[b]], sem2).wait()
            return carry

        lax.fori_loop(0, _NCH // _CB, _outer, 0)

    def _writeout(o0, o1):
        @pl.when(c == 0)
        def _():
            pltpu.sync_copy(acc.at[pl.ds(row0, _RPT)], o0.at[pl.ds(row0, _RPT)])

        @pl.when(c == 1)
        def _():
            pltpu.sync_copy(acc.at[pl.ds(row0, _RPT)], o1.at[pl.ds(row0, _RPT)])

    _zero_slice()
    plsc.subcore_barrier()

    @pl.when(c == 0)
    def _():
        _feature_pass(src_hbm, dst_hbm, h0_hbm)

    @pl.when(c == 1)
    def _():
        _feature_pass(src_hbm, dst_hbm, h1_hbm)

    plsc.subcore_barrier()
    _writeout(fin0, fin1)
    _zero_slice()
    plsc.subcore_barrier()

    @pl.when(c == 0)
    def _():
        _feature_pass(dst_hbm, src_hbm, h0_hbm)

    @pl.when(c == 1)
    def _():
        _feature_pass(dst_hbm, src_hbm, h1_hbm)

    plsc.subcore_barrier()
    _writeout(fout0, fout1)
    _zero_slice()
    pltpu.sync_copy(ons_hbm, rows.at[0])
    plsc.subcore_barrier()

    @pl.when(c == 0)
    def _():
        _count_pass(dst_hbm)

    @pl.when(c == 1)
    def _():
        _count_pass(src_hbm)

    plsc.subcore_barrier()
    _writeout(cin, cout)


@functools.cache
def _sc_agg_call():
    return functools.partial(
        pl.kernel,
        out_type=[jax.ShapeDtypeStruct((_NA, _HALF), jnp.float32)] * 6,
        mesh=plsc.VectorSubcoreMesh(core_axis_name="c", subcore_axis_name="s"),
        scratch_types=[
            pltpu.VMEM((_SG, _K), jnp.int32),
            pltpu.VMEM((2, _K), jnp.int32),
            pltpu.VMEM((2, _K, _HALF), jnp.float32),
            pltpu.VMEM_SHARED((_NA, _HALF), jnp.float32),
            pltpu.SemaphoreType.DMA,
            pltpu.SemaphoreType.DMA,
            pltpu.SemaphoreType.DMA,
        ],
    )(_sc_agg_body)


def _gru_body(h_ref, si0_ref, si1_ref, so0_ref, so1_ref, ci_ref, co_ref,
              win_ref, wout_ref, wii_ref, wio_ref, whh_ref,
              bin_ref, bout_ref, bih_ref, bhh_ref, out_ref):
    ci = ci_ref[:, 0:1]
    co = co_ref[:, 0:1]
    si = jnp.concatenate([si0_ref[...], si1_ref[...]], axis=1)
    so = jnp.concatenate([so0_ref[...], so1_ref[...]], axis=1)
    h = h_ref[...]
    mi = jnp.where(ci > 0.0, 1.0, 0.0)
    mo = jnp.where(co > 0.0, 1.0, 0.0)
    x_in = (jnp.dot(si * (1.0 / jnp.maximum(ci, 1.0)), win_ref[...],
                    preferred_element_type=jnp.float32) + mi * bin_ref[...])
    x_out = (jnp.dot(so * (1.0 / jnp.maximum(co, 1.0)), wout_ref[...],
                     preferred_element_type=jnp.float32) + mo * bout_ref[...])
    gi = (jnp.dot(x_in, wii_ref[...], preferred_element_type=jnp.float32)
          + jnp.dot(x_out, wio_ref[...], preferred_element_type=jnp.float32)
          + bih_ref[...])
    gh = jnp.dot(h, whh_ref[...], preferred_element_type=jnp.float32) + bhh_ref[...]
    r = jax.nn.sigmoid(gi[:, :_DIM] + gh[:, :_DIM])
    z = jax.nn.sigmoid(gi[:, _DIM:2 * _DIM] + gh[:, _DIM:2 * _DIM])
    ng = jnp.tanh(gi[:, 2 * _DIM:] + r * gh[:, 2 * _DIM:])
    out_ref[...] = (1.0 - z) * h + z * ng


def _row_spec(shape):
    return pl.BlockSpec(shape, lambda i: (i, 0))


def _full_spec(shape):
    return pl.BlockSpec(shape, lambda i: (0, 0))


_gru_call = pl.pallas_call(
    _gru_body,
    grid=(_N // _RB,),
    in_specs=[
        _row_spec((_RB, _DIM)),
        _row_spec((_RB, _HALF)),
        _row_spec((_RB, _HALF)),
        _row_spec((_RB, _HALF)),
        _row_spec((_RB, _HALF)),
        _row_spec((_RB, _HALF)),
        _row_spec((_RB, _HALF)),
        _full_spec((_DIM, _DIM)),
        _full_spec((_DIM, _DIM)),
        _full_spec((_DIM, 3 * _DIM)),
        _full_spec((_DIM, 3 * _DIM)),
        _full_spec((_DIM, 3 * _DIM)),
        _full_spec((1, _DIM)),
        _full_spec((1, _DIM)),
        _full_spec((1, 3 * _DIM)),
        _full_spec((1, 3 * _DIM)),
    ],
    out_specs=_row_spec((_RB, _DIM)),
    out_shape=jax.ShapeDtypeStruct((_N, _DIM), jnp.float32),
)


def kernel(hidden, edge_index, W_in, b_in, W_out, b_out, W_ih, b_ih, W_hh, b_hh):
    src = edge_index[0].reshape(_NS, _NCH, _K)
    dst = edge_index[1].reshape(_NS, _NCH, _K)
    h0 = hidden[:, :_HALF]
    h1 = hidden[:, _HALF:]
    zrs = jnp.zeros((_RPT, _HALF), jnp.float32)
    ons = jnp.ones((_K, _HALF), jnp.float32)

    fin0, fin1, fout0, fout1, cin, cout = _sc_agg_call()(
        src, dst, h0, h1, zrs, ons)

    return _gru_call(
        hidden, fin0, fin1, fout0, fout1, cin, cout,
        W_in.T, W_out.T, W_ih[:, :_DIM].T, W_ih[:, _DIM:].T, W_hh.T,
        b_in[None, :], b_out[None, :], b_ih[None, :], b_hh[None, :],
    )

# --- scband reference (transcript-rebuilt; emitter-appended) ---
"""Pipeline reference for scband-srgnncell-944892805260 (READ-ONLY COPY).

The authoritative reference and input builder live on the scoring server;
editing this copy changes nothing except your own understanding.
"""

import jax, jax.numpy as jnp
import numpy as np

N = 10000
E = 160000
DIM = 256


def setup_inputs(seed: int = 0) -> dict:
    key = jax.random.key(seed)
    ks = jax.random.split(key, 12)
    stdv = 1.0 / np.sqrt(DIM)

    def u(k, shape):
        return jax.random.uniform(k, shape, jnp.float32, -stdv, stdv)

    return {
        "hidden": jax.random.normal(ks[0], (N, DIM), dtype=jnp.float32),
        "edge_index": jax.random.randint(ks[1], (2, E), 0, N, dtype=jnp.int32),
        "W_in": u(ks[2], (DIM, DIM)),
        "b_in": u(ks[3], (DIM,)),
        "W_out": u(ks[4], (DIM, DIM)),
        "b_out": u(ks[5], (DIM,)),
        "W_ih": u(ks[6], (3 * DIM, 2 * DIM)),
        "b_ih": u(ks[7], (3 * DIM,)),
        "W_hh": u(ks[8], (3 * DIM, DIM)),
        "b_hh": u(ks[9], (3 * DIM,)),
    }


def _srgnn_conv(x, W, b, src, dst):
    # SRGNNConv: linear then mean-aggregate messages x_j (source) at dst nodes.
    h = x @ W.T + b
    msg = jnp.take(h, src, axis=0)
    summed = jax.ops.segment_sum(msg, dst, num_segments=N)
    cnt = jax.ops.segment_sum(jnp.ones((src.shape[0],), dtype=h.dtype), dst, num_segments=N)
    return summed / jnp.clip(cnt, 1.0)[:, None]


def reference(hidden, edge_index, W_in, b_in, W_out, b_out, W_ih, b_ih, W_hh, b_hh):
    src, dst = edge_index[0], edge_index[1]
    # incoming conv: propagate along (src -> dst)
    input_in = _srgnn_conv(hidden, W_in, b_in, src, dst)
    # outgoing conv: reversed edge_index (flip rows) => propagate along (dst -> src)
    input_out = _srgnn_conv(hidden, W_out, b_out, dst, src)
    inputs = jnp.concatenate([input_in, input_out], axis=-1)
    gi = inputs @ W_ih.T + b_ih
    gh = hidden @ W_hh.T + b_hh
    i_r, i_i, i_n = jnp.split(gi, 3, axis=-1)
    h_r, h_i, h_n = jnp.split(gh, 3, axis=-1)
    reset_gate = jax.nn.sigmoid(i_r + h_r)
    input_gate = jax.nn.sigmoid(i_i + h_i)
    new_gate = jnp.tanh(i_n + reset_gate * h_n)
    hy = (1 - input_gate) * hidden + input_gate * new_gate
    return hy

if __name__ == "__main__":
    import jax
    _d = setup_inputs()
    print(jax.jit(kernel)(*tuple(_d.values())))

</pallas_src>

<mosaic_0001>
#map = affine_map<(d0, d1) -> (0, 0, 0)>
#map1 = affine_map<(d0, d1) -> (0, 0)>
module attributes {stable_mosaic.version = 14 : i64} {
  func.func @_sc_agg_body(%arg0: i32, %arg1: i32, %arg2: memref<16x80x125xi32, #tpu.memory_space<hbm>>, %arg3: memref<16x80x125xi32, #tpu.memory_space<hbm>>, %arg4: memref<10000x128xf32, #tpu.memory_space<hbm>>, %arg5: memref<10000x128xf32, #tpu.memory_space<hbm>>, %arg6: memref<640x128xf32, #tpu.memory_space<hbm>>, %arg7: memref<125x128xf32, #tpu.memory_space<hbm>>, %arg8: memref<10240x128xf32, #tpu.memory_space<hbm>>, %arg9: memref<10240x128xf32, #tpu.memory_space<hbm>>, %arg10: memref<10240x128xf32, #tpu.memory_space<hbm>>, %arg11: memref<10240x128xf32, #tpu.memory_space<hbm>>, %arg12: memref<10240x128xf32, #tpu.memory_space<hbm>>, %arg13: memref<10240x128xf32, #tpu.memory_space<hbm>>, %arg14: memref<16x125xi32, #tpu.memory_space<vmem>>, %arg15: memref<2x125xi32, #tpu.memory_space<vmem>>, %arg16: memref<2x125x128xf32, #tpu.memory_space<vmem>>, %arg17: memref<10240x128xf32, #tpu.memory_space<vmem_shared>>, %arg18: memref<!tpu.dma_semaphore, #tpu.memory_space<semaphore_mem>>, %arg19: memref<!tpu.dma_semaphore, #tpu.memory_space<semaphore_mem>>, %arg20: memref<!tpu.dma_semaphore, #tpu.memory_space<semaphore_mem>>) attributes {dimension_semantics = [#tpu.dimension_semantics<core_parallel>, #tpu.dimension_semantics<subcore_parallel>], iteration_bounds = array<i64: 2, 16>, scalar_prefetch = 0 : i64, scratch_operands = 7 : i64, tpu.core_type = #tpu.core_type<sc_vector_subcore>, window_params = [{transform_indices = #map}, {transform_indices = #map}, {transform_indices = #map1}, {transform_indices = #map1}, {transform_indices = #map1}, {transform_indices = #map1}, {transform_indices = #map1}, {transform_indices = #map1}, {transform_indices = #map1}, {transform_indices = #map1}, {transform_indices = #map1}, {transform_indices = #map1}]} {
    %mul3A = arith.constant 640 : i32
    %mul3A_0 = arith.muli %arg1, %mul3A : i32
    "tpu.region"() ({
      %run_scoped3A_63 = tpu.sem_alloc : memref<!tpu.dma_semaphore, #tpu.memory_space<semaphore_mem>>
      %dma_start3A = arith.constant 0 : i32
      %dma_start3A_64 = tpu.memref_slice %arg17[%mul3A_0, %dma_start3A] : memref<10240x128xf32, #tpu.memory_space<vmem_shared>> -> memref<640x128xf32, #tpu.memory_space<vmem_shared>>
      tpu.enqueue_dma source(%arg6 : memref<640x128xf32, #tpu.memory_space<hbm>>) target(%dma_start3A_64 : memref<640x128xf32, #tpu.memory_space<vmem_shared>>) target_semaphore(%run_scoped3A_63 : memref<!tpu.dma_semaphore, #tpu.memory_space<semaphore_mem>>)
      %dma_wait3A = arith.constant 0 : i32
      %dma_wait3A_65 = tpu.memref_slice %arg17[%mul3A_0, %dma_wait3A] : memref<10240x128xf32, #tpu.memory_space<vmem_shared>> -> memref<640x128xf32, #tpu.memory_space<vmem_shared>>
      tpu.wait_dma2 semaphore(%run_scoped3A_63 : memref<!tpu.dma_semaphore, #tpu.memory_space<semaphore_mem>>) src(%arg6 : memref<640x128xf32, #tpu.memory_space<hbm>>) dst(%dma_wait3A_65 : memref<640x128xf32, #tpu.memory_space<vmem_shared>>)
      tpu.yield
    }) : () -> ()
    %barrier3A = arith.constant 0 : index
    tpu.barrier barrier_id(%barrier3A)
    %eq3A = arith.constant 0 : i32
    %eq3A_1 = arith.cmpi eq, %arg0, %eq3A : i32
    %convert_element_type3A = arith.extui %eq3A_1 : i1 to i32
    %cond3A = arith.constant 0 : i32
    %cond3A_2 = arith.cmpi ne, %convert_element_type3A, %cond3A : i32
    scf.if %cond3A_2 {
      %run_scoped3A_63 = arith.constant 0 : i32
      %run_scoped3A_64 = arith.constant 0 : i32
      "tpu.region"() ({
        %run_scoped3A_106 = tpu.sem_alloc : memref<!tpu.dma_semaphore, #tpu.memory_space<semaphore_mem>>
        %dma_start3A_107 = arith.constant 0 : i32
        %dma_start3A_108 = tpu.memref_slice %arg15[%run_scoped3A_64, %dma_start3A_107] : memref<2x125xi32, #tpu.memory_space<vmem>> -> memref<1x125xi32, #tpu.memory_space<vmem>>
        %dma_start3A_109 = tpu.memref_squeeze %dma_start3A_108 : memref<1x125xi32, #tpu.memory_space<vmem>> -> memref<125xi32, #tpu.memory_space<vmem>>
        %dma_start3A_110 = arith.constant 0 : i32
        %dma_start3A_111 = tpu.memref_slice %arg2[%arg1, %run_scoped3A_63, %dma_start3A_110] : memref<16x80x125xi32, #tpu.memory_space<hbm>> -> memref<1x1x125xi32, #tpu.memory_space<hbm>>
        %dma_start3A_112 = tpu.memref_squeeze %dma_start3A_111 : memref<1x1x125xi32, #tpu.memory_space<hbm>> -> memref<125xi32, #tpu.memory_space<hbm>>
        %dma_start3A_113 = arith.constant 0 : i32
        %dma_start3A_114 = tpu.memref_slice %arg15[%run_scoped3A_64, %dma_start3A_113] : memref<2x125xi32, #tpu.memory_space<vmem>> -> memref<1x125xi32, #tpu.memory_space<vmem>>
        %dma_start3A_115 = tpu.memref_squeeze %dma_start3A_114 : memref<1x125xi32, #tpu.memory_space<vmem>> -> memref<125xi32, #tpu.memory_space<vmem>>
        %dma_start3A_116 = arith.constant 0 : i32
        %dma_start3A_117 = tpu.memref_slice %arg2[%arg1, %run_scoped3A_63, %dma_start3A_116] : memref<16x80x125xi32, #tpu.memory_space<hbm>> -> memref<1x1x125xi32, #tpu.memory_space<hbm>>
        %dma_start3A_118 = tpu.memref_squeeze %dma_start3A_117 : memref<1x1x125xi32, #tpu.memory_space<hbm>> -> memref<125xi32, #tpu.memory_space<hbm>>
        tpu.enqueue_dma source(%dma_start3A_118 : memref<125xi32, #tpu.memory_space<hbm>>) target(%dma_start3A_115 : memref<125xi32, #tpu.memory_space<vmem>>) target_semaphore(%run_scoped3A_106 : memref<!tpu.dma_semaphore, #tpu.memory_space<semaphore_mem>>)
        %dma_wait3A_119 = arith.constant 0 : i32
        %dma_wait3A_120 = tpu.memref_slice %arg15[%run_scoped3A_64, %dma_wait3A_119] : memref<2x125xi32, #tpu.memory_space<vmem>> -> memref<1x125xi32, #tpu.memory_space<vmem>>
        %dma_wait3A_121 = tpu.memref_squeeze %dma_wait3A_120 : memref<1x125xi32, #tpu.memory_space<vmem>> -> memref<125xi32, #tpu.memory_space<vmem>>
        %dma_wait3A_122 = arith.constant 0 : i32
        %dma_wait3A_123 = tpu.memref_slice %arg2[%arg1, %run_scoped3A_63, %dma_wait3A_122] : memref<16x80x125xi32, #tpu.memory_space<hbm>> -> memref<1x1x125xi32, #tpu.memory_space<hbm>>
        %dma_wait3A_124 = tpu.memref_squeeze %dma_wait3A_123 : memref<1x1x125xi32, #tpu.memory_space<hbm>> -> memref<125xi32, #tpu.memory_space<hbm>>
        %dma_wait3A_125 = arith.constant 0 : i32
        %dma_wait3A_126 = tpu.memref_slice %arg15[%run_scoped3A_64, %dma_wait3A_125] : memref<2x125xi32, #tpu.memory_space<vmem>> -> memref<1x125xi32, #tpu.memory_space<vmem>>
        %dma_wait3A_127 = tpu.memref_squeeze %dma_wait3A_126 : memref<1x125xi32, #tpu.memory_space<vmem>> -> memref<125xi32, #tpu.memory_space<vmem>>
        %dma_wait3A_128 = arith.constant 0 : i32
        %dma_wait3A_129 = tpu.memref_slice %arg2[%arg1, %run_scoped3A_63, %dma_wait3A_128] : memref<16x80x125xi32, #tpu.memory_space<hbm>> -> memref<1x1x125xi32, #tpu.memory_space<hbm>>
        %dma_wait3A_130 = tpu.memref_squeeze %dma_wait3A_129 : memref<1x1x125xi32, #tpu.memory_space<hbm>> -> memref<125xi32, #tpu.memory_space<hbm>>
        tpu.wait_dma2 semaphore(%run_scoped3A_106 : memref<!tpu.dma_semaphore, #tpu.memory_space<semaphore_mem>>) src(%dma_wait3A_130 : memref<125xi32, #tpu.memory_space<hbm>>) dst(%dma_wait3A_127 : memref<125xi32, #tpu.memory_space<vmem>>)
        tpu.yield
      }) : () -> ()
      %dma_start3A = arith.constant 0 : i32
      %dma_start3A_65 = arith.constant 0 : i32
      %dma_start3A_66 = arith.constant 0 : i32
      %dma_start3A_67 = arith.constant 0 : i32
      %dma_start3A_68 = tpu.memref_slice %arg16[%dma_start3A_65, %dma_start3A_66, %dma_start3A_67] : memref<2x125x128xf32, #tpu.memory_space<vmem>> -> memref<1x125x128xf32, #tpu.memory_space<vmem>>
      %dma_start3A_69 = tpu.memref_squeeze %dma_start3A_68 : memref<1x125x128xf32, #tpu.memory_space<vmem>> -> memref<125x128xf32, #tpu.memory_space<vmem>>
      %dma_start3A_70 = arith.constant 0 : i32
      %dma_start3A_71 = tpu.memref_slice %arg15[%dma_start3A, %dma_start3A_70] : memref<2x125xi32, #tpu.memory_space<vmem>> -> memref<1x125xi32, #tpu.memory_space<vmem>>
      %dma_start3A_72 = tpu.memref_squeeze %dma_start3A_71 : memref<1x125xi32, #tpu.memory_space<vmem>> -> memref<125xi32, #tpu.memory_space<vmem>>
      %dma_start3A_73 = arith.constant 0 : i32
      %dma_start3A_74 = arith.constant 0 : i32
      %dma_start3A_75 = tpu.memref_slice %arg4[%dma_start3A_73, %dma_start3A_74] : memref<10000x128xf32, #tpu.memory_space<hbm>> -> memref<10000x128xf32, #tpu.memory_space<hbm>>
      tpu.enqueue_indirect_dma source(%dma_start3A_75 : memref<10000x128xf32, #tpu.memory_space<hbm>>) target(%dma_start3A_69 : memref<125x128xf32, #tpu.memory_space<vmem>>) offsets(%dma_start3A_72 : memref<125xi32, #tpu.memory_space<vmem>>) semaphore(%arg18 : memref<!tpu.dma_semaphore, #tpu.memory_space<semaphore_mem>>)
      %dma_start3A_76 = arith.constant 1 : i32
      %dma_start3A_77 = arith.constant 1 : i32
      %dma_start3A_78 = arith.constant 0 : i32
      %dma_start3A_79 = tpu.memref_slice %arg15[%dma_start3A_77, %dma_start3A_78] : memref<2x125xi32, #tpu.memory_space<vmem>> -> memref<1x125xi32, #tpu.memory_space<vmem>>
      %dma_start3A_80 = tpu.memref_squeeze %dma_start3A_79 : memref<1x125xi32, #tpu.memory_space<vmem>> -> memref<125xi32, #tpu.memory_space<vmem>>
      %dma_start3A_81 = arith.constant 0 : i32
      %dma_start3A_82 = tpu.memref_slice %arg2[%arg1, %dma_start3A_76, %dma_start3A_81] : memref<16x80x125xi32, #tpu.memory_space<hbm>> -> memref<1x1x125xi32, #tpu.memory_space<hbm>>
      %dma_start3A_83 = tpu.memref_squeeze %dma_start3A_82 : memref<1x1x125xi32, #tpu.memory_space<hbm>> -> memref<125xi32, #tpu.memory_space<hbm>>
      %dma_start3A_84 = arith.constant 0 : i32
      %dma_start3A_85 = tpu.memref_slice %arg15[%dma_start3A_77, %dma_start3A_84] : memref<2x125xi32, #tpu.memory_space<vmem>> -> memref<1x125xi32, #tpu.memory_space<vmem>>
      %dma_start3A_86 = tpu.memref_squeeze %dma_start3A_85 : memref<1x125xi32, #tpu.memory_space<vmem>> -> memref<125xi32, #tpu.memory_space<vmem>>
      %dma_start3A_87 = arith.constant 0 : i32
      %dma_start3A_88 = tpu.memref_slice %arg2[%arg1, %dma_start3A_76, %dma_start3A_87] : memref<16x80x125xi32, #tpu.memory_space<hbm>> -> memref<1x1x125xi32, #tpu.memory_space<hbm>>
      %dma_start3A_89 = tpu.memref_squeeze %dma_start3A_88 : memref<1x1x125xi32, #tpu.memory_space<hbm>> -> memref<125xi32, #tpu.memory_space<hbm>>
      tpu.enqueue_dma source(%dma_start3A_89 : memref<125xi32, #tpu.memory_space<hbm>>) target(%dma_start3A_86 : memref<125xi32, #tpu.memory_space<vmem>>) target_semaphore(%arg19 : memref<!tpu.dma_semaphore, #tpu.memory_space<semaphore_mem>>)
      %scan3A = arith.constant 0 : i32
      %scan3A_90 = arith.constant 0 : i32
      %scan3A_91 = arith.constant 80 : i32
      %scan3A_92 = arith.addi %scan3A_90, %scan3A_91 : i32
      %scan3A_93 = arith.constant 1 : i32
      scf.for %scan3A_106 = %scan3A_90 to %scan3A_92 step %scan3A_93  : i32 {
        %rem3A = arith.constant 2 : i32
        %rem3A_107 = arith.remsi %scan3A_106, %rem3A : i32
        %rem3A_108 = arith.constant 16 : i32
        %rem3A_109 = arith.remsi %scan3A_106, %rem3A_108 : i32
        %dma_wait3A_110 = arith.constant 0 : i32
        %dma_wait3A_111 = arith.constant 0 : i32
        %dma_wait3A_112 = tpu.memref_slice %arg16[%rem3A_107, %dma_wait3A_110, %dma_wait3A_111] : memref<2x125x128xf32, #tpu.memory_space<vmem>> -> memref<1x125x128xf32, #tpu.memory_space<vmem>>
        %dma_wait3A_113 = tpu.memref_squeeze %dma_wait3A_112 : memref<1x125x128xf32, #tpu.memory_space<vmem>> -> memref<125x128xf32, #tpu.memory_space<vmem>>
        %dma_wait3A_114 = arith.constant 0 : i32
        %dma_wait3A_115 = tpu.memref_slice %arg15[%rem3A_107, %dma_wait3A_114] : memref<2x125xi32, #tpu.memory_space<vmem>> -> memref<1x125xi32, #tpu.memory_space<vmem>>
        %dma_wait3A_116 = tpu.memref_squeeze %dma_wait3A_115 : memref<1x125xi32, #tpu.memory_space<vmem>> -> memref<125xi32, #tpu.memory_space<vmem>>
        %dma_wait3A_117 = arith.constant 0 : i32
        %dma_wait3A_118 = arith.constant 0 : i32
        %dma_wait3A_119 = tpu.memref_slice %arg4[%dma_wait3A_117, %dma_wait3A_118] : memref<10000x128xf32, #tpu.memory_space<hbm>> -> memref<10000x128xf32, #tpu.memory_space<hbm>>
        tpu.wait_indirect_dma semaphore(%arg18 : memref<!tpu.dma_semaphore, #tpu.memory_space<semaphore_mem>>) src(%dma_wait3A_119 : memref<10000x128xf32, #tpu.memory_space<hbm>>) dst(%dma_wait3A_113 : memref<125x128xf32, #tpu.memory_space<vmem>>)
        %ge3A = arith.constant 1 : i32
        %ge3A_120 = arith.cmpi sge, %scan3A_106, %ge3A : i32
        %convert_element_type3A_121 = arith.extui %ge3A_120 : i1 to i32
        %cond3A_122 = arith.constant 0 : i32
        %cond3A_123 = arith.cmpi ne, %convert_element_type3A_121, %cond3A_122 : i32
        scf.if %cond3A_123 {
          %sub3A = arith.constant 1 : i32
          %sub3A_151 = arith.subi %sub3A, %rem3A_107 : i32
          %dma_wait3A_152 = arith.constant 0 : i32
          %dma_wait3A_153 = arith.constant 0 : i32
          %dma_wait3A_154 = tpu.memref_slice %arg16[%sub3A_151, %dma_wait3A_152, %dma_wait3A_153] : memref<2x125x128xf32, #tpu.memory_space<vmem>> -> memref<1x125x128xf32, #tpu.memory_space<vmem>>
          %dma_wait3A_155 = tpu.memref_squeeze %dma_wait3A_154 : memref<1x125x128xf32, #tpu.memory_space<vmem>> -> memref<125x128xf32, #tpu.memory_space<vmem>>
          %dma_wait3A_156 = arith.constant 0 : i32
          %dma_wait3A_157 = tpu.memref_slice %arg14[%rem3A_109, %dma_wait3A_156] : memref<16x125xi32, #tpu.memory_space<vmem>> -> memref<1x125xi32, #tpu.memory_space<vmem>>
          %dma_wait3A_158 = tpu.memref_squeeze %dma_wait3A_157 : memref<1x125xi32, #tpu.memory_space<vmem>> -> memref<125xi32, #tpu.memory_space<vmem>>
          %dma_wait3A_159 = arith.constant 0 : i32
          %dma_wait3A_160 = arith.constant 0 : i32
          %dma_wait3A_161 = tpu.memref_slice %arg17[%dma_wait3A_159, %dma_wait3A_160] : memref<10240x128xf32, #tpu.memory_space<vmem_shared>> -> memref<10240x128xf32, #tpu.memory_space<vmem_shared>>
          tpu.wait_indirect_dma semaphore(%arg20 : memref<!tpu.dma_semaphore, #tpu.memory_space<semaphore_mem>>) src(%dma_wait3A_155 : memref<125x128xf32, #tpu.memory_space<vmem>>) dst(%dma_wait3A_161 : memref<10240x128xf32, #tpu.memory_space<vmem_shared>>)
        } else {
        }
        %eq3A_124 = arith.constant 0 : i32
        %eq3A_125 = arith.cmpi eq, %rem3A_109, %eq3A_124 : i32
        %convert_element_type3A_126 = arith.extui %eq3A_125 : i1 to i32
        %cond3A_127 = arith.constant 0 : i32
        %cond3A_128 = arith.cmpi ne, %convert_element_type3A_126, %cond3A_127 : i32
        scf.if %cond3A_128 {
          %multiple_of3A = tpu.assume_multiple %scan3A_106, 16 : i32
          "tpu.region"() ({
            %run_scoped3A_151 = tpu.sem_alloc : memref<!tpu.dma_semaphore, #tpu.memory_space<semaphore_mem>>
            %dma_start3A_152 = arith.constant 0 : i32
            %dma_start3A_153 = tpu.memref_slice %arg3[%arg1, %multiple_of3A, %dma_start3A_152] : memref<16x80x125xi32, #tpu.memory_space<hbm>> -> memref<1x16x125xi32, #tpu.memory_space<hbm>>
            %dma_start3A_154 = tpu.memref_squeeze %dma_start3A_153 : memref<1x16x125xi32, #tpu.memory_space<hbm>> -> memref<16x125xi32, #tpu.memory_space<hbm>>
            %dma_start3A_155 = arith.constant 0 : i32
            %dma_start3A_156 = tpu.memref_slice %arg3[%arg1, %multiple_of3A, %dma_start3A_155] : memref<16x80x125xi32, #tpu.memory_space<hbm>> -> memref<1x16x125xi32, #tpu.memory_space<hbm>>
            %dma_start3A_157 = tpu.memref_squeeze %dma_start3A_156 : memref<1x16x125xi32, #tpu.memory_space<hbm>> -> memref<16x125xi32, #tpu.memory_space<hbm>>
            tpu.enqueue_dma source(%dma_start3A_157 : memref<16x125xi32, #tpu.memory_space<hbm>>) target(%arg14 : memref<16x125xi32, #tpu.memory_space<vmem>>) target_semaphore(%run_scoped3A_151 : memref<!tpu.dma_semaphore, #tpu.memory_space<semaphore_mem>>)
            %dma_wait3A_158 = arith.constant 0 : i32
            %dma_wait3A_159 = tpu.memref_slice %arg3[%arg1, %multiple_of3A, %dma_wait3A_158] : memref<16x80x125xi32, #tpu.memory_space<hbm>> -> memref<1x16x125xi32, #tpu.memory_space<hbm>>
            %dma_wait3A_160 = tpu.memref_squeeze %dma_wait3A_159 : memref<1x16x125xi32, #tpu.memory_space<hbm>> -> memref<16x125xi32, #tpu.memory_space<hbm>>
            %dma_wait3A_161 = arith.constant 0 : i32
            %dma_wait3A_162 = tpu.memref_slice %arg3[%arg1, %multiple_of3A, %dma_wait3A_161] : memref<16x80x125xi32, #tpu.memory_space<hbm>> -> memref<1x16x125xi32, #tpu.memory_space<hbm>>
            %dma_wait3A_163 = tpu.memref_squeeze %dma_wait3A_162 : memref<1x16x125xi32, #tpu.memory_space<hbm>> -> memref<16x125xi32, #tpu.memory_space<hbm>>
            tpu.wait_dma2 semaphore(%run_scoped3A_151 : memref<!tpu.dma_semaphore, #tpu.memory_space<semaphore_mem>>) src(%dma_wait3A_163 : memref<16x125xi32, #tpu.memory_space<hbm>>) dst(%arg14 : memref<16x125xi32, #tpu.memory_space<vmem>>)
            tpu.yield
          }) : () -> ()
        } else {
        }
        %add3A = arith.constant 1 : i32
        %add3A_129 = arith.addi %scan3A_106, %add3A : i32
        %lt3A = arith.constant 80 : i32
        %lt3A_130 = arith.cmpi slt, %add3A_129, %lt3A : i32
        %convert_element_type3A_131 = arith.extui %lt3A_130 : i1 to i32
        %cond3A_132 = arith.constant 0 : i32
        %cond3A_133 = arith.cmpi ne, %convert_element_type3A_131, %cond3A_132 : i32
        scf.if %cond3A_133 {
          %add3A_151 = arith.constant 1 : i32
          %add3A_152 = arith.addi %scan3A_106, %add3A_151 : i32
          %sub3A = arith.constant 1 : i32
          %sub3A_153 = arith.subi %sub3A, %rem3A_107 : i32
          %dma_wait3A_154 = arith.constant 0 : i32
          %dma_wait3A_155 = tpu.memref_slice %arg15[%sub3A_153, %dma_wait3A_154] : memref<2x125xi32, #tpu.memory_space<vmem>> -> memref<1x125xi32, #tpu.memory_space<vmem>>
          %dma_wait3A_156 = tpu.memref_squeeze %dma_wait3A_155 : memref<1x125xi32, #tpu.memory_space<vmem>> -> memref<125xi32, #tpu.memory_space<vmem>>
          %dma_wait3A_157 = arith.constant 0 : i32
          %dma_wait3A_158 = tpu.memref_slice %arg2[%arg1, %add3A_152, %dma_wait3A_157] : memref<16x80x125xi32, #tpu.memory_space<hbm>> -> memref<1x1x125xi32, #tpu.memory_space<hbm>>
          %dma_wait3A_159 = tpu.memref_squeeze %dma_wait3A_158 : memref<1x1x125xi32, #tpu.memory_space<hbm>> -> memref<125xi32, #tpu.memory_space<hbm>>
          %dma_wait3A_160 = arith.constant 0 : i32
          %dma_wait3A_161 = tpu.memref_slice %arg15[%sub3A_153, %dma_wait3A_160] : memref<2x125xi32, #tpu.memory_space<vmem>> -> memref<1x125xi32, #tpu.memory_space<vmem>>
          %dma_wait3A_162 = tpu.memref_squeeze %dma_wait3A_161 : memref<1x125xi32, #tpu.memory_space<vmem>> -> memref<125xi32, #tpu.memory_space<vmem>>
          %dma_wait3A_163 = arith.constant 0 : i32
          %dma_wait3A_164 = tpu.memref_slice %arg2[%arg1, %add3A_152, %dma_wait3A_163] : memref<16x80x125xi32, #tpu.memory_space<hbm>> -> memref<1x1x125xi32, #tpu.memory_space<hbm>>
          %dma_wait3A_165 = tpu.memref_squeeze %dma_wait3A_164 : memref<1x1x125xi32, #tpu.memory_space<hbm>> -> memref<125xi32, #tpu.memory_space<hbm>>
          tpu.wait_dma2 semaphore(%arg19 : memref<!tpu.dma_semaphore, #tpu.memory_space<semaphore_mem>>) src(%dma_wait3A_165 : memref<125xi32, #tpu.memory_space<hbm>>) dst(%dma_wait3A_162 : memref<125xi32, #tpu.memory_space<vmem>>)
          %sub3A_166 = arith.constant 1 : i32
          %sub3A_167 = arith.subi %sub3A_166, %rem3A_107 : i32
          %sub3A_168 = arith.constant 1 : i32
          %sub3A_169 = arith.subi %sub3A_168, %rem3A_107 : i32
          %dma_start3A_170 = arith.constant 0 : i32
          %dma_start3A_171 = arith.constant 0 : i32
          %dma_start3A_172 = tpu.memref_slice %arg16[%sub3A_169, %dma_start3A_170, %dma_start3A_171] : memref<2x125x128xf32, #tpu.memory_space<vmem>> -> memref<1x125x128xf32, #tpu.memory_space<vmem>>
          %dma_start3A_173 = tpu.memref_squeeze %dma_start3A_172 : memref<1x125x128xf32, #tpu.memory_space<vmem>> -> memref<125x128xf32, #tpu.memory_space<vmem>>
          %dma_start3A_174 = arith.constant 0 : i32
          %dma_start3A_175 = tpu.memref_slice %arg15[%sub3A_167, %dma_start3A_174] : memref<2x125xi32, #tpu.memory_space<vmem>> -> memref<1x125xi32, #tpu.memory_space<vmem>>
          %dma_start3A_176 = tpu.memref_squeeze %dma_start3A_175 : memref<1x125xi32, #tpu.memory_space<vmem>> -> memref<125xi32, #tpu.memory_space<vmem>>
          %dma_start3A_177 = arith.constant 0 : i32
          %dma_start3A_178 = arith.constant 0 : i32
          %dma_start3A_179 = tpu.memref_slice %arg4[%dma_start3A_177, %dma_start3A_178] : memref<10000x128xf32, #tpu.memory_space<hbm>> -> memref<10000x128xf32, #tpu.memory_space<hbm>>
          tpu.enqueue_indirect_dma source(%dma_start3A_179 : memref<10000x128xf32, #tpu.memory_space<hbm>>) target(%dma_start3A_173 : memref<125x128xf32, #tpu.memory_space<vmem>>) offsets(%dma_start3A_176 : memref<125xi32, #tpu.memory_space<vmem>>) semaphore(%arg18 : memref<!tpu.dma_semaphore, #tpu.memory_space<semaphore_mem>>)
        } else {
        }
        %dma_start3A_134 = arith.constant 0 : i32
        %dma_start3A_135 = arith.constant 0 : i32
        %dma_start3A_136 = tpu.memref_slice %arg16[%rem3A_107, %dma_start3A_134, %dma_start3A_135] : memref<2x125x128xf32, #tpu.memory_space<vmem>> -> memref<1x125x128xf32, #tpu.memory_space<vmem>>
        %dma_start3A_137 = tpu.memref_squeeze %dma_start3A_136 : memref<1x125x128xf32, #tpu.memory_space<vmem>> -> memref<125x128xf32, #tpu.memory_space<vmem>>
        %dma_start3A_138 = arith.constant 0 : i32
        %dma_start3A_139 = tpu.memref_slice %arg14[%rem3A_109, %dma_start3A_138] : memref<16x125xi32, #tpu.memory_space<vmem>> -> memref<1x125xi32, #tpu.memory_space<vmem>>
        %dma_start3A_140 = tpu.memref_squeeze %dma_start3A_139 : memref<1x125xi32, #tpu.memory_space<vmem>> -> memref<125xi32, #tpu.memory_space<vmem>>
        %dma_start3A_141 = arith.constant 0 : i32
        %dma_start3A_142 = arith.constant 0 : i32
        %dma_start3A_143 = tpu.memref_slice %arg17[%dma_start3A_141, %dma_start3A_142] : memref<10240x128xf32, #tpu.memory_space<vmem_shared>> -> memref<10240x128xf32, #tpu.memory_space<vmem_shared>>
        tpu.enqueue_indirect_dma source(%dma_start3A_137 : memref<125x128xf32, #tpu.memory_space<vmem>>) target(%dma_start3A_143 : memref<10240x128xf32, #tpu.memory_space<vmem_shared>>) offsets(%dma_start3A_140 : memref<125xi32, #tpu.memory_space<vmem>>) semaphore(%arg20 : memref<!tpu.dma_semaphore, #tpu.memory_space<semaphore_mem>>) {add = true}
        %add3A_144 = arith.constant 2 : i32
        %add3A_145 = arith.addi %scan3A_106, %add3A_144 : i32
        %lt3A_146 = arith.constant 80 : i32
        %lt3A_147 = arith.cmpi slt, %add3A_145, %lt3A_146 : i32
        %convert_element_type3A_148 = arith.extui %lt3A_147 : i1 to i32
        %cond3A_149 = arith.constant 0 : i32
        %cond3A_150 = arith.cmpi ne, %convert_element_type3A_148, %cond3A_149 : i32
        scf.if %cond3A_150 {
          %add3A_151 = arith.constant 2 : i32
          %add3A_152 = arith.addi %scan3A_106, %add3A_151 : i32
          %dma_start3A_153 = arith.constant 0 : i32
          %dma_start3A_154 = tpu.memref_slice %arg15[%rem3A_107, %dma_start3A_153] : memref<2x125xi32, #tpu.memory_space<vmem>> -> memref<1x125xi32, #tpu.memory_space<vmem>>
          %dma_start3A_155 = tpu.memref_squeeze %dma_start3A_154 : memref<1x125xi32, #tpu.memory_space<vmem>> -> memref<125xi32, #tpu.memory_space<vmem>>
          %dma_start3A_156 = arith.constant 0 : i32
          %dma_start3A_157 = tpu.memref_slice %arg2[%arg1, %add3A_152, %dma_start3A_156] : memref<16x80x125xi32, #tpu.memory_space<hbm>> -> memref<1x1x125xi32, #tpu.memory_space<hbm>>
          %dma_start3A_158 = tpu.memref_squeeze %dma_start3A_157 : memref<1x1x125xi32, #tpu.memory_space<hbm>> -> memref<125xi32, #tpu.memory_space<hbm>>
          %dma_start3A_159 = arith.constant 0 : i32
          %dma_start3A_160 = tpu.memref_slice %arg15[%rem3A_107, %dma_start3A_159] : memref<2x125xi32, #tpu.memory_space<vmem>> -> memref<1x125xi32, #tpu.memory_space<vmem>>
          %dma_start3A_161 = tpu.memref_squeeze %dma_start3A_160 : memref<1x125xi32, #tpu.memory_space<vmem>> -> memref<125xi32, #tpu.memory_space<vmem>>
          %dma_start3A_162 = arith.constant 0 : i32
          %dma_start3A_163 = tpu.memref_slice %arg2[%arg1, %add3A_152, %dma_start3A_162] : memref<16x80x125xi32, #tpu.memory_space<hbm>> -> memref<1x1x125xi32, #tpu.memory_space<hbm>>
          %dma_start3A_164 = tpu.memref_squeeze %dma_start3A_163 : memref<1x1x125xi32, #tpu.memory_space<hbm>> -> memref<125xi32, #tpu.memory_space<hbm>>
          tpu.enqueue_dma source(%dma_start3A_164 : memref<125xi32, #tpu.memory_space<hbm>>) target(%dma_start3A_161 : memref<125xi32, #tpu.memory_space<vmem>>) target_semaphore(%arg19 : memref<!tpu.dma_semaphore, #tpu.memory_space<semaphore_mem>>)
        } else {
        }
      }
      %scan3A_94 = arith.constant 80 : i32
      %dma_wait3A = arith.constant 1 : i32
      %dma_wait3A_95 = arith.constant 15 : i32
      %dma_wait3A_96 = arith.constant 0 : i32
      %dma_wait3A_97 = arith.constant 0 : i32
      %dma_wait3A_98 = tpu.memref_slice %arg16[%dma_wait3A, %dma_wait3A_96, %dma_wait3A_97] : memref<2x125x128xf32, #tpu.memory_space<vmem>> -> memref<1x125x128xf32, #tpu.memory_space<vmem>>
      %dma_wait3A_99 = tpu.memref_squeeze %dma_wait3A_98 : memref<1x125x128xf32, #tpu.memory_space<vmem>> -> memref<125x128xf32, #tpu.memory_space<vmem>>
      %dma_wait3A_100 = arith.constant 0 : i32
      %dma_wait3A_101 = tpu.memref_slice %arg14[%dma_wait3A_95, %dma_wait3A_100] : memref<16x125xi32, #tpu.memory_space<vmem>> -> memref<1x125xi32, #tpu.memory_space<vmem>>
      %dma_wait3A_102 = tpu.memref_squeeze %dma_wait3A_101 : memref<1x125xi32, #tpu.memory_space<vmem>> -> memref<125xi32, #tpu.memory_space<vmem>>
      %dma_wait3A_103 = arith.constant 0 : i32
      %dma_wait3A_104 = arith.constant 0 : i32
      %dma_wait3A_105 = tpu.memref_slice %arg17[%dma_wait3A_103, %dma_wait3A_104] : memref<10240x128xf32, #tpu.memory_space<vmem_shared>> -> memref<10240x128xf32, #tpu.memory_space<vmem_shared>>
      tpu.wait_indirect_dma semaphore(%arg20 : memref<!tpu.dma_semaphore, #tpu.memory_space<semaphore_mem>>) src(%dma_wait3A_99 : memref<125x128xf32, #tpu.memory_space<vmem>>) dst(%dma_wait3A_105 : memref<10240x128xf32, #tpu.memory_space<vmem_shared>>)
    } else {
    }
    %eq3A_3 = arith.constant 1 : i32
    %eq3A_4 = arith.cmpi eq, %arg0, %eq3A_3 : i32
    %convert_element_type3A_5 = arith.extui %eq3A_4 : i1 to i32
    %cond3A_6 = arith.constant 0 : i32
    %cond3A_7 = arith.cmpi ne, %convert_element_type3A_5, %cond3A_6 : i32
    scf.if %cond3A_7 {
      %run_scoped3A_63 = arith.constant 0 : i32
      %run_scoped3A_64 = arith.constant 0 : i32
      "tpu.region"() ({
        %run_scoped3A_106 = tpu.sem_alloc : memref<!tpu.dma_semaphore, #tpu.memory_space<semaphore_mem>>
        %dma_start3A_107 = arith.constant 0 : i32
        %dma_start3A_108 = tpu.memref_slice %arg15[%run_scoped3A_64, %dma_start3A_107] : memref<2x125xi32, #tpu.memory_space<vmem>> -> memref<1x125xi32, #tpu.memory_space<vmem>>
        %dma_start3A_109 = tpu.memref_squeeze %dma_start3A_108 : memref<1x125xi32, #tpu.memory_space<vmem>> -> memref<125xi32, #tpu.memory_space<vmem>>
        %dma_start3A_110 = arith.constant 0 : i32
        %dma_start3A_111 = tpu.memref_slice %arg2[%arg1, %run_scoped3A_63, %dma_start3A_110] : memref<16x80x125xi32, #tpu.memory_space<hbm>> -> memref<1x1x125xi32, #tpu.memory_space<hbm>>
        %dma_start3A_112 = tpu.memref_squeeze %dma_start3A_111 : memref<1x1x125xi32, #tpu.memory_space<hbm>> -> memref<125xi32, #tpu.memory_space<hbm>>
        %dma_start3A_113 = arith.constant 0 : i32
        %dma_start3A_114 = tpu.memref_slice %arg15[%run_scoped3A_64, %dma_start3A_113] : memref<2x125xi32, #tpu.memory_space<vmem>> -> memref<1x125xi32, #tpu.memory_space<vmem>>
        %dma_start3A_115 = tpu.memref_squeeze %dma_start3A_114 : memref<1x125xi32, #tpu.memory_space<vmem>> -> memref<125xi32, #tpu.memory_space<vmem>>
        %dma_start3A_116 = arith.constant 0 : i32
        %dma_start3A_117 = tpu.memref_slice %arg2[%arg1, %run_scoped3A_63, %dma_start3A_116] : memref<16x80x125xi32, #tpu.memory_space<hbm>> -> memref<1x1x125xi32, #tpu.memory_space<hbm>>
        %dma_start3A_118 = tpu.memref_squeeze %dma_start3A_117 : memref<1x1x125xi32, #tpu.memory_space<hbm>> -> memref<125xi32, #tpu.memory_space<hbm>>
        tpu.enqueue_dma source(%dma_start3A_118 : memref<125xi32, #tpu.memory_space<hbm>>) target(%dma_start3A_115 : memref<125xi32, #tpu.memory_space<vmem>>) target_semaphore(%run_scoped3A_106 : memref<!tpu.dma_semaphore, #tpu.memory_space<semaphore_mem>>)
        %dma_wait3A_119 = arith.constant 0 : i32
        %dma_wait3A_120 = tpu.memref_slice %arg15[%run_scoped3A_64, %dma_wait3A_119] : memref<2x125xi32, #tpu.memory_space<vmem>> -> memref<1x125xi32, #tpu.memory_space<vmem>>
        %dma_wait3A_121 = tpu.memref_squeeze %dma_wait3A_120 : memref<1x125xi32, #tpu.memory_space<vmem>> -> memref<125xi32, #tpu.memory_space<vmem>>
        %dma_wait3A_122 = arith.constant 0 : i32
        %dma_wait3A_123 = tpu.memref_slice %arg2[%arg1, %run_scoped3A_63, %dma_wait3A_122] : memref<16x80x125xi32, #tpu.memory_space<hbm>> -> memref<1x1x125xi32, #tpu.memory_space<hbm>>
        %dma_wait3A_124 = tpu.memref_squeeze %dma_wait3A_123 : memref<1x1x125xi32, #tpu.memory_space<hbm>> -> memref<125xi32, #tpu.memory_space<hbm>>
        %dma_wait3A_125 = arith.constant 0 : i32
        %dma_wait3A_126 = tpu.memref_slice %arg15[%run_scoped3A_64, %dma_wait3A_125] : memref<2x125xi32, #tpu.memory_space<vmem>> -> memref<1x125xi32, #tpu.memory_space<vmem>>
        %dma_wait3A_127 = tpu.memref_squeeze %dma_wait3A_126 : memref<1x125xi32, #tpu.memory_space<vmem>> -> memref<125xi32, #tpu.memory_space<vmem>>
        %dma_wait3A_128 = arith.constant 0 : i32
        %dma_wait3A_129 = tpu.memref_slice %arg2[%arg1, %run_scoped3A_63, %dma_wait3A_128] : memref<16x80x125xi32, #tpu.memory_space<hbm>> -> memref<1x1x125xi32, #tpu.memory_space<hbm>>
        %dma_wait3A_130 = tpu.memref_squeeze %dma_wait3A_129 : memref<1x1x125xi32, #tpu.memory_space<hbm>> -> memref<125xi32, #tpu.memory_space<hbm>>
        tpu.wait_dma2 semaphore(%run_scoped3A_106 : memref<!tpu.dma_semaphore, #tpu.memory_space<semaphore_mem>>) src(%dma_wait3A_130 : memref<125xi32, #tpu.memory_space<hbm>>) dst(%dma_wait3A_127 : memref<125xi32, #tpu.memory_space<vmem>>)
        tpu.yield
      }) : () -> ()
      %dma_start3A = arith.constant 0 : i32
      %dma_start3A_65 = arith.constant 0 : i32
      %dma_start3A_66 = arith.constant 0 : i32
      %dma_start3A_67 = arith.constant 0 : i32
      %dma_start3A_68 = tpu.memref_slice %arg16[%dma_start3A_65, %dma_start3A_66, %dma_start3A_67] : memref<2x125x128xf32, #tpu.memory_space<vmem>> -> memref<1x125x128xf32, #tpu.memory_space<vmem>>
      %dma_start3A_69 = tpu.memref_squeeze %dma_start3A_68 : memref<1x125x128xf32, #tpu.memory_space<vmem>> -> memref<125x128xf32, #tpu.memory_space<vmem>>
      %dma_start3A_70 = arith.constant 0 : i32
      %dma_start3A_71 = tpu.memref_slice %arg15[%dma_start3A, %dma_start3A_70] : memref<2x125xi32, #tpu.memory_space<vmem>> -> memref<1x125xi32, #tpu.memory_space<vmem>>
      %dma_start3A_72 = tpu.memref_squeeze %dma_start3A_71 : memref<1x125xi32, #tpu.memory_space<vmem>> -> memref<125xi32, #tpu.memory_space<vmem>>
      %dma_start3A_73 = arith.constant 0 : i32
      %dma_start3A_74 = arith.constant 0 : i32
      %dma_start3A_75 = tpu.memref_slice %arg5[%dma_start3A_73, %dma_start3A_74] : memref<10000x128xf32, #tpu.memory_space<hbm>> -> memref<10000x128xf32, #tpu.memory_space<hbm>>
      tpu.enqueue_indirect_dma source(%dma_start3A_75 : memref<10000x128xf32, #tpu.memory_space<hbm>>) target(%dma_start3A_69 : memref<125x128xf32, #tpu.memory_space<vmem>>) offsets(%dma_start3A_72 : memref<125xi32, #tpu.memory_space<vmem>>) semaphore(%arg18 : memref<!tpu.dma_semaphore, #tpu.memory_space<semaphore_mem>>)
      %dma_start3A_76 = arith.constant 1 : i32
      %dma_start3A_77 = arith.constant 1 : i32
      %dma_start3A_78 = arith.constant 0 : i32
      %dma_start3A_79 = tpu.memref_slice %arg15[%dma_start3A_77, %dma_start3A_78] : memref<2x125xi32, #tpu.memory_space<vmem>> -> memref<1x125xi32, #tpu.memory_space<vmem>>
      %dma_start3A_80 = tpu.memref_squeeze %dma_start3A_79 : memref<1x125xi32, #tpu.memory_space<vmem>> -> memref<125xi32, #tpu.memory_space<vmem>>
      %dma_start3A_81 = arith.constant 0 : i32
      %dma_start3A_82 = tpu.memref_slice %arg2[%arg1, %dma_start3A_76, %dma_start3A_81] : memref<16x80x125xi32, #tpu.memory_space<hbm>> -> memref<1x1x125xi32, #tpu.memory_space<hbm>>
      %dma_start3A_83 = tpu.memref_squeeze %dma_start3A_82 : memref<1x1x125xi32, #tpu.memory_space<hbm>> -> memref<125xi32, #tpu.memory_space<hbm>>
      %dma_start3A_84 = arith.constant 0 : i32
      %dma_start3A_85 = tpu.memref_slice %arg15[%dma_start3A_77, %dma_start3A_84] : memref<2x125xi32, #tpu.memory_space<vmem>> -> memref<1x125xi32, #tpu.memory_space<vmem>>
      %dma_start3A_86 = tpu.memref_squeeze %dma_start3A_85 : memref<1x125xi32, #tpu.memory_space<vmem>> -> memref<125xi32, #tpu.memory_space<vmem>>
      %dma_start3A_87 = arith.constant 0 : i32
      %dma_start3A_88 = tpu.memref_slice %arg2[%arg1, %dma_start3A_76, %dma_start3A_87] : memref<16x80x125xi32, #tpu.memory_space<hbm>> -> memref<1x1x125xi32, #tpu.memory_space<hbm>>
      %dma_start3A_89 = tpu.memref_squeeze %dma_start3A_88 : memref<1x1x125xi32, #tpu.memory_space<hbm>> -> memref<125xi32, #tpu.memory_space<hbm>>
      tpu.enqueue_dma source(%dma_start3A_89 : memref<125xi32, #tpu.memory_space<hbm>>) target(%dma_start3A_86 : memref<125xi32, #tpu.memory_space<vmem>>) target_semaphore(%arg19 : memref<!tpu.dma_semaphore, #tpu.memory_space<semaphore_mem>>)
      %scan3A = arith.constant 0 : i32
      %scan3A_90 = arith.constant 0 : i32
      %scan3A_91 = arith.constant 80 : i32
      %scan3A_92 = arith.addi %scan3A_90, %scan3A_91 : i32
      %scan3A_93 = arith.constant 1 : i32
      scf.for %scan3A_106 = %scan3A_90 to %scan3A_92 step %scan3A_93  : i32 {
        %rem3A = arith.constant 2 : i32
        %rem3A_107 = arith.remsi %scan3A_106, %rem3A : i32
        %rem3A_108 = arith.constant 16 : i32
        %rem3A_109 = arith.remsi %scan3A_106, %rem3A_108 : i32
        %dma_wait3A_110 = arith.constant 0 : i32
        %dma_wait3A_111 = arith.constant 0 : i32
        %dma_wait3A_112 = tpu.memref_slice %arg16[%rem3A_107, %dma_wait3A_110, %dma_wait3A_111] : memref<2x125x128xf32, #tpu.memory_space<vmem>> -> memref<1x125x128xf32, #tpu.memory_space<vmem>>
        %dma_wait3A_113 = tpu.memref_squeeze %dma_wait3A_112 : memref<1x125x128xf32, #tpu.memory_space<vmem>> -> memref<125x128xf32, #tpu.memory_space<vmem>>
        %dma_wait3A_114 = arith.constant 0 : i32
        %dma_wait3A_115 = tpu.memref_slice %arg15[%rem3A_107, %dma_wait3A_114] : memref<2x125xi32, #tpu.memory_space<vmem>> -> memref<1x125xi32, #tpu.memory_space<vmem>>
        %dma_wait3A_116 = tpu.memref_squeeze %dma_wait3A_115 : memref<1x125xi32, #tpu.memory_space<vmem>> -> memref<125xi32, #tpu.memory_space<vmem>>
        %dma_wait3A_117 = arith.constant 0 : i32
        %dma_wait3A_118 = arith.constant 0 : i32
        %dma_wait3A_119 = tpu.memref_slice %arg5[%dma_wait3A_117, %dma_wait3A_118] : memref<10000x128xf32, #tpu.memory_space<hbm>> -> memref<10000x128xf32, #tpu.memory_space<hbm>>
        tpu.wait_indirect_dma semaphore(%arg18 : memref<!tpu.dma_semaphore, #tpu.memory_space<semaphore_mem>>) src(%dma_wait3A_119 : memref<10000x128xf32, #tpu.memory_space<hbm>>) dst(%dma_wait3A_113 : memref<125x128xf32, #tpu.memory_space<vmem>>)
        %ge3A = arith.constant 1 : i32
        %ge3A_120 = arith.cmpi sge, %scan3A_106, %ge3A : i32
        %convert_element_type3A_121 = arith.extui %ge3A_120 : i1 to i32
        %cond3A_122 = arith.constant 0 : i32
        %cond3A_123 = arith.cmpi ne, %convert_element_type3A_121, %cond3A_122 : i32
        scf.if %cond3A_123 {
          %sub3A = arith.constant 1 : i32
          %sub3A_151 = arith.subi %sub3A, %rem3A_107 : i32
          %dma_wait3A_152 = arith.constant 0 : i32
          %dma_wait3A_153 = arith.constant 0 : i32
          %dma_wait3A_154 = tpu.memref_slice %arg16[%sub3A_151, %dma_wait3A_152, %dma_wait3A_153] : memref<2x125x128xf32, #tpu.memory_space<vmem>> -> memref<1x125x128xf32, #tpu.memory_space<vmem>>
          %dma_wait3A_155 = tpu.memref_squeeze %dma_wait3A_154 : memref<1x125x128xf32, #tpu.memory_space<vmem>> -> memref<125x128xf32, #tpu.memory_space<vmem>>
          %dma_wait3A_156 = arith.constant 0 : i32
          %dma_wait3A_157 = tpu.memref_slice %arg14[%rem3A_109, %dma_wait3A_156] : memref<16x125xi32, #tpu.memory_space<vmem>> -> memref<1x125xi32, #tpu.memory_space<vmem>>
          %dma_wait3A_158 = tpu.memref_squeeze %dma_wait3A_157 : memref<1x125xi32, #tpu.memory_space<vmem>> -> memref<125xi32, #tpu.memory_space<vmem>>
          %dma_wait3A_159 = arith.constant 0 : i32
          %dma_wait3A_160 = arith.constant 0 : i32
          %dma_wait3A_161 = tpu.memref_slice %arg17[%dma_wait3A_159, %dma_wait3A_160] : memref<10240x128xf32, #tpu.memory_space<vmem_shared>> -> memref<10240x128xf32, #tpu.memory_space<vmem_shared>>
          tpu.wait_indirect_dma semaphore(%arg20 : memref<!tpu.dma_semaphore, #tpu.memory_space<semaphore_mem>>) src(%dma_wait3A_155 : memref<125x128xf32, #tpu.memory_space<vmem>>) dst(%dma_wait3A_161 : memref<10240x128xf32, #tpu.memory_space<vmem_shared>>)
        } else {
        }
        %eq3A_124 = arith.constant 0 : i32
        %eq3A_125 = arith.cmpi eq, %rem3A_109, %eq3A_124 : i32
        %convert_element_type3A_126 = arith.extui %eq3A_125 : i1 to i32
        %cond3A_127 = arith.constant 0 : i32
        %cond3A_128 = arith.cmpi ne, %convert_element_type3A_126, %cond3A_127 : i32
        scf.if %cond3A_128 {
          %multiple_of3A = tpu.assume_multiple %scan3A_106, 16 : i32
          "tpu.region"() ({
            %run_scoped3A_151 = tpu.sem_alloc : memref<!tpu.dma_semaphore, #tpu.memory_space<semaphore_mem>>
            %dma_start3A_152 = arith.constant 0 : i32
            %dma_start3A_153 = tpu.memref_slice %arg3[%arg1, %multiple_of3A, %dma_start3A_152] : memref<16x80x125xi32, #tpu.memory_space<hbm>> -> memref<1x16x125xi32, #tpu.memory_space<hbm>>
            %dma_start3A_154 = tpu.memref_squeeze %dma_start3A_153 : memref<1x16x125xi32, #tpu.memory_space<hbm>> -> memref<16x125xi32, #tpu.memory_space<hbm>>
            %dma_start3A_155 = arith.constant 0 : i32
            %dma_start3A_156 = tpu.memref_slice %arg3[%arg1, %multiple_of3A, %dma_start3A_155] : memref<16x80x125xi32, #tpu.memory_space<hbm>> -> memref<1x16x125xi32, #tpu.memory_space<hbm>>
            %dma_start3A_157 = tpu.memref_squeeze %dma_start3A_156 : memref<1x16x125xi32, #tpu.memory_space<hbm>> -> memref<16x125xi32, #tpu.memory_space<hbm>>
            tpu.enqueue_dma source(%dma_start3A_157 : memref<16x125xi32, #tpu.memory_space<hbm>>) target(%arg14 : memref<16x125xi32, #tpu.memory_space<vmem>>) target_semaphore(%run_scoped3A_151 : memref<!tpu.dma_semaphore, #tpu.memory_space<semaphore_mem>>)
            %dma_wait3A_158 = arith.constant 0 : i32
            %dma_wait3A_159 = tpu.memref_slice %arg3[%arg1, %multiple_of3A, %dma_wait3A_158] : memref<16x80x125xi32, #tpu.memory_space<hbm>> -> memref<1x16x125xi32, #tpu.memory_space<hbm>>
            %dma_wait3A_160 = tpu.memref_squeeze %dma_wait3A_159 : memref<1x16x125xi32, #tpu.memory_space<hbm>> -> memref<16x125xi32, #tpu.memory_space<hbm>>
            %dma_wait3A_161 = arith.constant 0 : i32
            %dma_wait3A_162 = tpu.memref_slice %arg3[%arg1, %multiple_of3A, %dma_wait3A_161] : memref<16x80x125xi32, #tpu.memory_space<hbm>> -> memref<1x16x125xi32, #tpu.memory_space<hbm>>
            %dma_wait3A_163 = tpu.memref_squeeze %dma_wait3A_162 : memref<1x16x125xi32, #tpu.memory_space<hbm>> -> memref<16x125xi32, #tpu.memory_space<hbm>>
            tpu.wait_dma2 semaphore(%run_scoped3A_151 : memref<!tpu.dma_semaphore, #tpu.memory_space<semaphore_mem>>) src(%dma_wait3A_163 : memref<16x125xi32, #tpu.memory_space<hbm>>) dst(%arg14 : memref<16x125xi32, #tpu.memory_space<vmem>>)
            tpu.yield
          }) : () -> ()
        } else {
        }
        %add3A = arith.constant 1 : i32
        %add3A_129 = arith.addi %scan3A_106, %add3A : i32
        %lt3A = arith.constant 80 : i32
        %lt3A_130 = arith.cmpi slt, %add3A_129, %lt3A : i32
        %convert_element_type3A_131 = arith.extui %lt3A_130 : i1 to i32
        %cond3A_132 = arith.constant 0 : i32
        %cond3A_133 = arith.cmpi ne, %convert_element_type3A_131, %cond3A_132 : i32
        scf.if %cond3A_133 {
          %add3A_151 = arith.constant 1 : i32
          %add3A_152 = arith.addi %scan3A_106, %add3A_151 : i32
          %sub3A = arith.constant 1 : i32
          %sub3A_153 = arith.subi %sub3A, %rem3A_107 : i32
          %dma_wait3A_154 = arith.constant 0 : i32
          %dma_wait3A_155 = tpu.memref_slice %arg15[%sub3A_153, %dma_wait3A_154] : memref<2x125xi32, #tpu.memory_space<vmem>> -> memref<1x125xi32, #tpu.memory_space<vmem>>
          %dma_wait3A_156 = tpu.memref_squeeze %dma_wait3A_155 : memref<1x125xi32, #tpu.memory_space<vmem>> -> memref<125xi32, #tpu.memory_space<vmem>>
          %dma_wait3A_157 = arith.constant 0 : i32
          %dma_wait3A_158 = tpu.memref_slice %arg2[%arg1, %add3A_152, %dma_wait3A_157] : memref<16x80x125xi32, #tpu.memory_space<hbm>> -> memref<1x1x125xi32, #tpu.memory_space<hbm>>
          %dma_wait3A_159 = tpu.memref_squeeze %dma_wait3A_158 : memref<1x1x125xi32, #tpu.memory_space<hbm>> -> memref<125xi32, #tpu.memory_space<hbm>>
          %dma_wait3A_160 = arith.constant 0 : i32
          %dma_wait3A_161 = tpu.memref_slice %arg15[%sub3A_153, %dma_wait3A_160] : memref<2x125xi32, #tpu.memory_space<vmem>> -> memref<1x125xi32, #tpu.memory_space<vmem>>
          %dma_wait3A_162 = tpu.memref_squeeze %dma_wait3A_161 : memref<1x125xi32, #tpu.memory_space<vmem>> -> memref<125xi32, #tpu.memory_space<vmem>>
          %dma_wait3A_163 = arith.constant 0 : i32
          %dma_wait3A_164 = tpu.memref_slice %arg2[%arg1, %add3A_152, %dma_wait3A_163] : memref<16x80x125xi32, #tpu.memory_space<hbm>> -> memref<1x1x125xi32, #tpu.memory_space<hbm>>
          %dma_wait3A_165 = tpu.memref_squeeze %dma_wait3A_164 : memref<1x1x125xi32, #tpu.memory_space<hbm>> -> memref<125xi32, #tpu.memory_space<hbm>>
          tpu.wait_dma2 semaphore(%arg19 : memref<!tpu.dma_semaphore, #tpu.memory_space<semaphore_mem>>) src(%dma_wait3A_165 : memref<125xi32, #tpu.memory_space<hbm>>) dst(%dma_wait3A_162 : memref<125xi32, #tpu.memory_space<vmem>>)
          %sub3A_166 = arith.constant 1 : i32
          %sub3A_167 = arith.subi %sub3A_166, %rem3A_107 : i32
          %sub3A_168 = arith.constant 1 : i32
          %sub3A_169 = arith.subi %sub3A_168, %rem3A_107 : i32
          %dma_start3A_170 = arith.constant 0 : i32
          %dma_start3A_171 = arith.constant 0 : i32
          %dma_start3A_172 = tpu.memref_slice %arg16[%sub3A_169, %dma_start3A_170, %dma_start3A_171] : memref<2x125x128xf32, #tpu.memory_space<vmem>> -> memref<1x125x128xf32, #tpu.memory_space<vmem>>
          %dma_start3A_173 = tpu.memref_squeeze %dma_start3A_172 : memref<1x125x128xf32, #tpu.memory_space<vmem>> -> memref<125x128xf32, #tpu.memory_space<vmem>>
          %dma_start3A_174 = arith.constant 0 : i32
          %dma_start3A_175 = tpu.memref_slice %arg15[%sub3A_167, %dma_start3A_174] : memref<2x125xi32, #tpu.memory_space<vmem>> -> memref<1x125xi32, #tpu.memory_space<vmem>>
          %dma_start3A_176 = tpu.memref_squeeze %dma_start3A_175 : memref<1x125xi32, #tpu.memory_space<vmem>> -> memref<125xi32, #tpu.memory_space<vmem>>
          %dma_start3A_177 = arith.constant 0 : i32
          %dma_start3A_178 = arith.constant 0 : i32
          %dma_start3A_179 = tpu.memref_slice %arg5[%dma_start3A_177, %dma_start3A_178] : memref<10000x128xf32, #tpu.memory_space<hbm>> -> memref<10000x128xf32, #tpu.memory_space<hbm>>
          tpu.enqueue_indirect_dma source(%dma_start3A_179 : memref<10000x128xf32, #tpu.memory_space<hbm>>) target(%dma_start3A_173 : memref<125x128xf32, #tpu.memory_space<vmem>>) offsets(%dma_start3A_176 : memref<125xi32, #tpu.memory_space<vmem>>) semaphore(%arg18 : memref<!tpu.dma_semaphore, #tpu.memory_space<semaphore_mem>>)
        } else {
        }
        %dma_start3A_134 = arith.constant 0 : i32
        %dma_start3A_135 = arith.constant 0 : i32
        %dma_start3A_136 = tpu.memref_slice %arg16[%rem3A_107, %dma_start3A_134, %dma_start3A_135] : memref<2x125x128xf32, #tpu.memory_space<vmem>> -> memref<1x125x128xf32, #tpu.memory_space<vmem>>
        %dma_start3A_137 = tpu.memref_squeeze %dma_start3A_136 : memref<1x125x128xf32, #tpu.memory_space<vmem>> -> memref<125x128xf32, #tpu.memory_space<vmem>>
        %dma_start3A_138 = arith.constant 0 : i32
        %dma_start3A_139 = tpu.memref_slice %arg14[%rem3A_109, %dma_start3A_138] : memref<16x125xi32, #tpu.memory_space<vmem>> -> memref<1x125xi32, #tpu.memory_space<vmem>>
        %dma_start3A_140 = tpu.memref_squeeze %dma_start3A_139 : memref<1x125xi32, #tpu.memory_space<vmem>> -> memref<125xi32, #tpu.memory_space<vmem>>
        %dma_start3A_141 = arith.constant 0 : i32
        %dma_start3A_142 = arith.constant 0 : i32
        %dma_start3A_143 = tpu.memref_slice %arg17[%dma_start3A_141, %dma_start3A_142] : memref<10240x128xf32, #tpu.memory_space<vmem_shared>> -> memref<10240x128xf32, #tpu.memory_space<vmem_shared>>
        tpu.enqueue_indirect_dma source(%dma_start3A_137 : memref<125x128xf32, #tpu.memory_space<vmem>>) target(%dma_start3A_143 : memref<10240x128xf32, #tpu.memory_space<vmem_shared>>) offsets(%dma_start3A_140 : memref<125xi32, #tpu.memory_space<vmem>>) semaphore(%arg20 : memref<!tpu.dma_semaphore, #tpu.memory_space<semaphore_mem>>) {add = true}
        %add3A_144 = arith.constant 2 : i32
        %add3A_145 = arith.addi %scan3A_106, %add3A_144 : i32
        %lt3A_146 = arith.constant 80 : i32
        %lt3A_147 = arith.cmpi slt, %add3A_145, %lt3A_146 : i32
        %convert_element_type3A_148 = arith.extui %lt3A_147 : i1 to i32
        %cond3A_149 = arith.constant 0 : i32
        %cond3A_150 = arith.cmpi ne, %convert_element_type3A_148, %cond3A_149 : i32
        scf.if %cond3A_150 {
          %add3A_151 = arith.constant 2 : i32
          %add3A_152 = arith.addi %scan3A_106, %add3A_151 : i32
          %dma_start3A_153 = arith.constant 0 : i32
          %dma_start3A_154 = tpu.memref_slice %arg15[%rem3A_107, %dma_start3A_153] : memref<2x125xi32, #tpu.memory_space<vmem>> -> memref<1x125xi32, #tpu.memory_space<vmem>>
          %dma_start3A_155 = tpu.memref_squeeze %dma_start3A_154 : memref<1x125xi32, #tpu.memory_space<vmem>> -> memref<125xi32, #tpu.memory_space<vmem>>
          %dma_start3A_156 = arith.constant 0 : i32
          %dma_start3A_157 = tpu.memref_slice %arg2[%arg1, %add3A_152, %dma_start3A_156] : memref<16x80x125xi32, #tpu.memory_space<hbm>> -> memref<1x1x125xi32, #tpu.memory_space<hbm>>
          %dma_start3A_158 = tpu.memref_squeeze %dma_start3A_157 : memref<1x1x125xi32, #tpu.memory_space<hbm>> -> memref<125xi32, #tpu.memory_space<hbm>>
          %dma_start3A_159 = arith.constant 0 : i32
          %dma_start3A_160 = tpu.memref_slice %arg15[%rem3A_107, %dma_start3A_159] : memref<2x125xi32, #tpu.memory_space<vmem>> -> memref<1x125xi32, #tpu.memory_space<vmem>>
          %dma_start3A_161 = tpu.memref_squeeze %dma_start3A_160 : memref<1x125xi32, #tpu.memory_space<vmem>> -> memref<125xi32, #tpu.memory_space<vmem>>
          %dma_start3A_162 = arith.constant 0 : i32
          %dma_start3A_163 = tpu.memref_slice %arg2[%arg1, %add3A_152, %dma_start3A_162] : memref<16x80x125xi32, #tpu.memory_space<hbm>> -> memref<1x1x125xi32, #tpu.memory_space<hbm>>
          %dma_start3A_164 = tpu.memref_squeeze %dma_start3A_163 : memref<1x1x125xi32, #tpu.memory_space<hbm>> -> memref<125xi32, #tpu.memory_space<hbm>>
          tpu.enqueue_dma source(%dma_start3A_164 : memref<125xi32, #tpu.memory_space<hbm>>) target(%dma_start3A_161 : memref<125xi32, #tpu.memory_space<vmem>>) target_semaphore(%arg19 : memref<!tpu.dma_semaphore, #tpu.memory_space<semaphore_mem>>)
        } else {
        }
      }
      %scan3A_94 = arith.constant 80 : i32
      %dma_wait3A = arith.constant 1 : i32
      %dma_wait3A_95 = arith.constant 15 : i32
      %dma_wait3A_96 = arith.constant 0 : i32
      %dma_wait3A_97 = arith.constant 0 : i32
      %dma_wait3A_98 = tpu.memref_slice %arg16[%dma_wait3A, %dma_wait3A_96, %dma_wait3A_97] : memref<2x125x128xf32, #tpu.memory_space<vmem>> -> memref<1x125x128xf32, #tpu.memory_space<vmem>>
      %dma_wait3A_99 = tpu.memref_squeeze %dma_wait3A_98 : memref<1x125x128xf32, #tpu.memory_space<vmem>> -> memref<125x128xf32, #tpu.memory_space<vmem>>
      %dma_wait3A_100 = arith.constant 0 : i32
      %dma_wait3A_101 = tpu.memref_slice %arg14[%dma_wait3A_95, %dma_wait3A_100] : memref<16x125xi32, #tpu.memory_space<vmem>> -> memref<1x125xi32, #tpu.memory_space<vmem>>
      %dma_wait3A_102 = tpu.memref_squeeze %dma_wait3A_101 : memref<1x125xi32, #tpu.memory_space<vmem>> -> memref<125xi32, #tpu.memory_space<vmem>>
      %dma_wait3A_103 = arith.constant 0 : i32
      %dma_wait3A_104 = arith.constant 0 : i32
      %dma_wait3A_105 = tpu.memref_slice %arg17[%dma_wait3A_103, %dma_wait3A_104] : memref<10240x128xf32, #tpu.memory_space<vmem_shared>> -> memref<10240x128xf32, #tpu.memory_space<vmem_shared>>
      tpu.wait_indirect_dma semaphore(%arg20 : memref<!tpu.dma_semaphore, #tpu.memory_space<semaphore_mem>>) src(%dma_wait3A_99 : memref<125x128xf32, #tpu.memory_space<vmem>>) dst(%dma_wait3A_105 : memref<10240x128xf32, #tpu.memory_space<vmem_shared>>)
    } else {
    }
    %barrier3A_8 = arith.constant 0 : index
    tpu.barrier barrier_id(%barrier3A_8)
    %eq3A_9 = arith.constant 0 : i32
    %eq3A_10 = arith.cmpi eq, %arg0, %eq3A_9 : i32
    %convert_element_type3A_11 = arith.extui %eq3A_10 : i1 to i32
    %cond3A_12 = arith.constant 0 : i32
    %cond3A_13 = arith.cmpi ne, %convert_element_type3A_11, %cond3A_12 : i32
    scf.if %cond3A_13 {
      "tpu.region"() ({
        %run_scoped3A_63 = tpu.sem_alloc : memref<!tpu.dma_semaphore, #tpu.memory_space<semaphore_mem>>
        %dma_start3A = arith.constant 0 : i32
        %dma_start3A_64 = tpu.memref_slice %arg8[%mul3A_0, %dma_start3A] : memref<10240x128xf32, #tpu.memory_space<hbm>> -> memref<640x128xf32, #tpu.memory_space<hbm>>
        %dma_start3A_65 = arith.constant 0 : i32
        %dma_start3A_66 = tpu.memref_slice %arg17[%mul3A_0, %dma_start3A_65] : memref<10240x128xf32, #tpu.memory_space<vmem_shared>> -> memref<640x128xf32, #tpu.memory_space<vmem_shared>>
        tpu.enqueue_dma source(%dma_start3A_66 : memref<640x128xf32, #tpu.memory_space<vmem_shared>>) target(%dma_start3A_64 : memref<640x128xf32, #tpu.memory_space<hbm>>) target_semaphore(%run_scoped3A_63 : memref<!tpu.dma_semaphore, #tpu.memory_space<semaphore_mem>>)
        %dma_wait3A = arith.constant 0 : i32
        %dma_wait3A_67 = tpu.memref_slice %arg8[%mul3A_0, %dma_wait3A] : memref<10240x128xf32, #tpu.memory_space<hbm>> -> memref<640x128xf32, #tpu.memory_space<hbm>>
        %dma_wait3A_68 = arith.constant 0 : i32
        %dma_wait3A_69 = tpu.memref_slice %arg17[%mul3A_0, %dma_wait3A_68] : memref<10240x128xf32, #tpu.memory_space<vmem_shared>> -> memref<640x128xf32, #tpu.memory_space<vmem_shared>>
        tpu.wait_dma2 semaphore(%run_scoped3A_63 : memref<!tpu.dma_semaphore, #tpu.memory_space<semaphore_mem>>) src(%dma_wait3A_69 : memref<640x128xf32, #tpu.memory_space<vmem_shared>>) dst(%dma_wait3A_67 : memref<640x128xf32, #tpu.memory_space<hbm>>)
        tpu.yield
      }) : () -> ()
    } else {
    }
    %eq3A_14 = arith.constant 1 : i32
    %eq3A_15 = arith.cmpi eq, %arg0, %eq3A_14 : i32
    %convert_element_type3A_16 = arith.extui %eq3A_15 : i1 to i32
    %cond3A_17 = arith.constant 0 : i32
    %cond3A_18 = arith.cmpi ne, %convert_element_type3A_16, %cond3A_17 : i32
    scf.if %cond3A_18 {
      "tpu.region"() ({
        %run_scoped3A_63 = tpu.sem_alloc : memref<!tpu.dma_semaphore, #tpu.memory_space<semaphore_mem>>
        %dma_start3A = arith.constant 0 : i32
        %dma_start3A_64 = tpu.memref_slice %arg9[%mul3A_0, %dma_start3A] : memref<10240x128xf32, #tpu.memory_space<hbm>> -> memref<640x128xf32, #tpu.memory_space<hbm>>
        %dma_start3A_65 = arith.constant 0 : i32
        %dma_start3A_66 = tpu.memref_slice %arg17[%mul3A_0, %dma_start3A_65] : memref<10240x128xf32, #tpu.memory_space<vmem_shared>> -> memref<640x128xf32, #tpu.memory_space<vmem_shared>>
        tpu.enqueue_dma source(%dma_start3A_66 : memref<640x128xf32, #tpu.memory_space<vmem_shared>>) target(%dma_start3A_64 : memref<640x128xf32, #tpu.memory_space<hbm>>) target_semaphore(%run_scoped3A_63 : memref<!tpu.dma_semaphore, #tpu.memory_space<semaphore_mem>>)
        %dma_wait3A = arith.constant 0 : i32
        %dma_wait3A_67 = tpu.memref_slice %arg9[%mul3A_0, %dma_wait3A] : memref<10240x128xf32, #tpu.memory_space<hbm>> -> memref<640x128xf32, #tpu.memory_space<hbm>>
        %dma_wait3A_68 = arith.constant 0 : i32
        %dma_wait3A_69 = tpu.memref_slice %arg17[%mul3A_0, %dma_wait3A_68] : memref<10240x128xf32, #tpu.memory_space<vmem_shared>> -> memref<640x128xf32, #tpu.memory_space<vmem_shared>>
        tpu.wait_dma2 semaphore(%run_scoped3A_63 : memref<!tpu.dma_semaphore, #tpu.memory_space<semaphore_mem>>) src(%dma_wait3A_69 : memref<640x128xf32, #tpu.memory_space<vmem_shared>>) dst(%dma_wait3A_67 : memref<640x128xf32, #tpu.memory_space<hbm>>)
        tpu.yield
      }) : () -> ()
    } else {
    }
    "tpu.region"() ({
      %run_scoped3A_63 = tpu.sem_alloc : memref<!tpu.dma_semaphore, #tpu.memory_space<semaphore_mem>>
      %dma_start3A = arith.constant 0 : i32
      %dma_start3A_64 = tpu.memref_slice %arg17[%mul3A_0, %dma_start3A] : memref<10240x128xf32, #tpu.memory_space<vmem_shared>> -> memref<640x128xf32, #tpu.memory_space<vmem_shared>>
      tpu.enqueue_dma source(%arg6 : memref<640x128xf32, #tpu.memory_space<hbm>>) target(%dma_start3A_64 : memref<640x128xf32, #tpu.memory_space<vmem_shared>>) target_semaphore(%run_scoped3A_63 : memref<!tpu.dma_semaphore, #tpu.memory_space<semaphore_mem>>)
      %dma_wait3A = arith.constant 0 : i32
      %dma_wait3A_65 = tpu.memref_slice %arg17[%mul3A_0, %dma_wait3A] : memref<10240x128xf32, #tpu.memory_space<vmem_shared>> -> memref<640x128xf32, #tpu.memory_space<vmem_shared>>
      tpu.wait_dma2 semaphore(%run_scoped3A_63 : memref<!tpu.dma_semaphore, #tpu.memory_space<semaphore_mem>>) src(%arg6 : memref<640x128xf32, #tpu.memory_space<hbm>>) dst(%dma_wait3A_65 : memref<640x128xf32, #tpu.memory_space<vmem_shared>>)
      tpu.yield
    }) : () -> ()
    %barrier3A_19 = arith.constant 0 : index
    tpu.barrier barrier_id(%barrier3A_19)
    %eq3A_20 = arith.constant 0 : i32
    %eq3A_21 = arith.cmpi eq, %arg0, %eq3A_20 : i32
    %convert_element_type3A_22 = arith.extui %eq3A_21 : i1 to i32
    %cond3A_23 = arith.constant 0 : i32
    %cond3A_24 = arith.cmpi ne, %convert_element_type3A_22, %cond3A_23 : i32
    scf.if %cond3A_24 {
      %run_scoped3A_63 = arith.constant 0 : i32
      %run_scoped3A_64 = arith.constant 0 : i32
      "tpu.region"() ({
        %run_scoped3A_106 = tpu.sem_alloc : memref<!tpu.dma_semaphore, #tpu.memory_space<semaphore_mem>>
        %dma_start3A_107 = arith.constant 0 : i32
        %dma_start3A_108 = tpu.memref_slice %arg15[%run_scoped3A_64, %dma_start3A_107] : memref<2x125xi32, #tpu.memory_space<vmem>> -> memref<1x125xi32, #tpu.memory_space<vmem>>
        %dma_start3A_109 = tpu.memref_squeeze %dma_start3A_108 : memref<1x125xi32, #tpu.memory_space<vmem>> -> memref<125xi32, #tpu.memory_space<vmem>>
        %dma_start3A_110 = arith.constant 0 : i32
        %dma_start3A_111 = tpu.memref_slice %arg3[%arg1, %run_scoped3A_63, %dma_start3A_110] : memref<16x80x125xi32, #tpu.memory_space<hbm>> -> memref<1x1x125xi32, #tpu.memory_space<hbm>>
        %dma_start3A_112 = tpu.memref_squeeze %dma_start3A_111 : memref<1x1x125xi32, #tpu.memory_space<hbm>> -> memref<125xi32, #tpu.memory_space<hbm>>
        %dma_start3A_113 = arith.constant 0 : i32
        %dma_start3A_114 = tpu.memref_slice %arg15[%run_scoped3A_64, %dma_start3A_113] : memref<2x125xi32, #tpu.memory_space<vmem>> -> memref<1x125xi32, #tpu.memory_space<vmem>>
        %dma_start3A_115 = tpu.memref_squeeze %dma_start3A_114 : memref<1x125xi32, #tpu.memory_space<vmem>> -> memref<125xi32, #tpu.memory_space<vmem>>
        %dma_start3A_116 = arith.constant 0 : i32
        %dma_start3A_117 = tpu.memref_slice %arg3[%arg1, %run_scoped3A_63, %dma_start3A_116] : memref<16x80x125xi32, #tpu.memory_space<hbm>> -> memref<1x1x125xi32, #tpu.memory_space<hbm>>
        %dma_start3A_118 = tpu.memref_squeeze %dma_start3A_117 : memref<1x1x125xi32, #tpu.memory_space<hbm>> -> memref<125xi32, #tpu.memory_space<hbm>>
        tpu.enqueue_dma source(%dma_start3A_118 : memref<125xi32, #tpu.memory_space<hbm>>) target(%dma_start3A_115 : memref<125xi32, #tpu.memory_space<vmem>>) target_semaphore(%run_scoped3A_106 : memref<!tpu.dma_semaphore, #tpu.memory_space<semaphore_mem>>)
        %dma_wait3A_119 = arith.constant 0 : i32
        %dma_wait3A_120 = tpu.memref_slice %arg15[%run_scoped3A_64, %dma_wait3A_119] : memref<2x125xi32, #tpu.memory_space<vmem>> -> memref<1x125xi32, #tpu.memory_space<vmem>>
        %dma_wait3A_121 = tpu.memref_squeeze %dma_wait3A_120 : memref<1x125xi32, #tpu.memory_space<vmem>> -> memref<125xi32, #tpu.memory_space<vmem>>
        %dma_wait3A_122 = arith.constant 0 : i32
        %dma_wait3A_123 = tpu.memref_slice %arg3[%arg1, %run_scoped3A_63, %dma_wait3A_122] : memref<16x80x125xi32, #tpu.memory_space<hbm>> -> memref<1x1x125xi32, #tpu.memory_space<hbm>>
        %dma_wait3A_124 = tpu.memref_squeeze %dma_wait3A_123 : memref<1x1x125xi32, #tpu.memory_space<hbm>> -> memref<125xi32, #tpu.memory_space<hbm>>
        %dma_wait3A_125 = arith.constant 0 : i32
        %dma_wait3A_126 = tpu.memref_slice %arg15[%run_scoped3A_64, %dma_wait3A_125] : memref<2x125xi32, #tpu.memory_space<vmem>> -> memref<1x125xi32, #tpu.memory_space<vmem>>
        %dma_wait3A_127 = tpu.memref_squeeze %dma_wait3A_126 : memref<1x125xi32, #tpu.memory_space<vmem>> -> memref<125xi32, #tpu.memory_space<vmem>>
        %dma_wait3A_128 = arith.constant 0 : i32
        %dma_wait3A_129 = tpu.memref_slice %arg3[%arg1, %run_scoped3A_63, %dma_wait3A_128] : memref<16x80x125xi32, #tpu.memory_space<hbm>> -> memref<1x1x125xi32, #tpu.memory_space<hbm>>
        %dma_wait3A_130 = tpu.memref_squeeze %dma_wait3A_129 : memref<1x1x125xi32, #tpu.memory_space<hbm>> -> memref<125xi32, #tpu.memory_space<hbm>>
        tpu.wait_dma2 semaphore(%run_scoped3A_106 : memref<!tpu.dma_semaphore, #tpu.memory_space<semaphore_mem>>) src(%dma_wait3A_130 : memref<125xi32, #tpu.memory_space<hbm>>) dst(%dma_wait3A_127 : memref<125xi32, #tpu.memory_space<vmem>>)
        tpu.yield
      }) : () -> ()
      %dma_start3A = arith.constant 0 : i32
      %dma_start3A_65 = arith.constant 0 : i32
      %dma_start3A_66 = arith.constant 0 : i32
      %dma_start3A_67 = arith.constant 0 : i32
      %dma_start3A_68 = tpu.memref_slice %arg16[%dma_start3A_65, %dma_start3A_66, %dma_start3A_67] : memref<2x125x128xf32, #tpu.memory_space<vmem>> -> memref<1x125x128xf32, #tpu.memory_space<vmem>>
      %dma_start3A_69 = tpu.memref_squeeze %dma_start3A_68 : memref<1x125x128xf32, #tpu.memory_space<vmem>> -> memref<125x128xf32, #tpu.memory_space<vmem>>
      %dma_start3A_70 = arith.constant 0 : i32
      %dma_start3A_71 = tpu.memref_slice %arg15[%dma_start3A, %dma_start3A_70] : memref<2x125xi32, #tpu.memory_space<vmem>> -> memref<1x125xi32, #tpu.memory_space<vmem>>
      %dma_start3A_72 = tpu.memref_squeeze %dma_start3A_71 : memref<1x125xi32, #tpu.memory_space<vmem>> -> memref<125xi32, #tpu.memory_space<vmem>>
      %dma_start3A_73 = arith.constant 0 : i32
      %dma_start3A_74 = arith.constant 0 : i32
      %dma_start3A_75 = tpu.memref_slice %arg4[%dma_start3A_73, %dma_start3A_74] : memref<10000x128xf32, #tpu.memory_space<hbm>> -> memref<10000x128xf32, #tpu.memory_space<hbm>>
      tpu.enqueue_indirect_dma source(%dma_start3A_75 : memref<10000x128xf32, #tpu.memory_space<hbm>>) target(%dma_start3A_69 : memref<125x128xf32, #tpu.memory_space<vmem>>) offsets(%dma_start3A_72 : memref<125xi32, #tpu.memory_space<vmem>>) semaphore(%arg18 : memref<!tpu.dma_semaphore, #tpu.memory_space<semaphore_mem>>)
      %dma_start3A_76 = arith.constant 1 : i32
      %dma_start3A_77 = arith.constant 1 : i32
      %dma_start3A_78 = arith.constant 0 : i32
      %dma_start3A_79 = tpu.memref_slice %arg15[%dma_start3A_77, %dma_start3A_78] : memref<2x125xi32, #tpu.memory_space<vmem>> -> memref<1x125xi32, #tpu.memory_space<vmem>>
      %dma_start3A_80 = tpu.memref_squeeze %dma_start3A_79 : memref<1x125xi32, #tpu.memory_space<vmem>> -> memref<125xi32, #tpu.memory_space<vmem>>
      %dma_start3A_81 = arith.constant 0 : i32
      %dma_start3A_82 = tpu.memref_slice %arg3[%arg1, %dma_start3A_76, %dma_start3A_81] : memref<16x80x125xi32, #tpu.memory_space<hbm>> -> memref<1x1x125xi32, #tpu.memory_space<hbm>>
      %dma_start3A_83 = tpu.memref_squeeze %dma_start3A_82 : memref<1x1x125xi32, #tpu.memory_space<hbm>> -> memref<125xi32, #tpu.memory_space<hbm>>
      %dma_start3A_84 = arith.constant 0 : i32
      %dma_start3A_85 = tpu.memref_slice %arg15[%dma_start3A_77, %dma_start3A_84] : memref<2x125xi32, #tpu.memory_space<vmem>> -> memref<1x125xi32, #tpu.memory_space<vmem>>
      %dma_start3A_86 = tpu.memref_squeeze %dma_start3A_85 : memref<1x125xi32, #tpu.memory_space<vmem>> -> memref<125xi32, #tpu.memory_space<vmem>>
      %dma_start3A_87 = arith.constant 0 : i32
      %dma_start3A_88 = tpu.memref_slice %arg3[%arg1, %dma_start3A_76, %dma_start3A_87] : memref<16x80x125xi32, #tpu.memory_space<hbm>> -> memref<1x1x125xi32, #tpu.memory_space<hbm>>
      %dma_start3A_89 = tpu.memref_squeeze %dma_start3A_88 : memref<1x1x125xi32, #tpu.memory_space<hbm>> -> memref<125xi32, #tpu.memory_space<hbm>>
      tpu.enqueue_dma source(%dma_start3A_89 : memref<125xi32, #tpu.memory_space<hbm>>) target(%dma_start3A_86 : memref<125xi32, #tpu.memory_space<vmem>>) target_semaphore(%arg19 : memref<!tpu.dma_semaphore, #tpu.memory_space<semaphore_mem>>)
      %scan3A = arith.constant 0 : i32
      %scan3A_90 = arith.constant 0 : i32
      %scan3A_91 = arith.constant 80 : i32
      %scan3A_92 = arith.addi %scan3A_90, %scan3A_91 : i32
      %scan3A_93 = arith.constant 1 : i32
      scf.for %scan3A_106 = %scan3A_90 to %scan3A_92 step %scan3A_93  : i32 {
        %rem3A = arith.constant 2 : i32
        %rem3A_107 = arith.remsi %scan3A_106, %rem3A : i32
        %rem3A_108 = arith.constant 16 : i32
        %rem3A_109 = arith.remsi %scan3A_106, %rem3A_108 : i32
        %dma_wait3A_110 = arith.constant 0 : i32
        %dma_wait3A_111 = arith.constant 0 : i32
        %dma_wait3A_112 = tpu.memref_slice %arg16[%rem3A_107, %dma_wait3A_110, %dma_wait3A_111] : memref<2x125x128xf32, #tpu.memory_space<vmem>> -> memref<1x125x128xf32, #tpu.memory_space<vmem>>
        %dma_wait3A_113 = tpu.memref_squeeze %dma_wait3A_112 : memref<1x125x128xf32, #tpu.memory_space<vmem>> -> memref<125x128xf32, #tpu.memory_space<vmem>>
        %dma_wait3A_114 = arith.constant 0 : i32
        %dma_wait3A_115 = tpu.memref_slice %arg15[%rem3A_107, %dma_wait3A_114] : memref<2x125xi32, #tpu.memory_space<vmem>> -> memref<1x125xi32, #tpu.memory_space<vmem>>
        %dma_wait3A_116 = tpu.memref_squeeze %dma_wait3A_115 : memref<1x125xi32, #tpu.memory_space<vmem>> -> memref<125xi32, #tpu.memory_space<vmem>>
        %dma_wait3A_117 = arith.constant 0 : i32
        %dma_wait3A_118 = arith.constant 0 : i32
        %dma_wait3A_119 = tpu.memref_slice %arg4[%dma_wait3A_117, %dma_wait3A_118] : memref<10000x128xf32, #tpu.memory_space<hbm>> -> memref<10000x128xf32, #tpu.memory_space<hbm>>
        tpu.wait_indirect_dma semaphore(%arg18 : memref<!tpu.dma_semaphore, #tpu.memory_space<semaphore_mem>>) src(%dma_wait3A_119 : memref<10000x128xf32, #tpu.memory_space<hbm>>) dst(%dma_wait3A_113 : memref<125x128xf32, #tpu.memory_space<vmem>>)
        %ge3A = arith.constant 1 : i32
        %ge3A_120 = arith.cmpi sge, %scan3A_106, %ge3A : i32
        %convert_element_type3A_121 = arith.extui %ge3A_120 : i1 to i32
        %cond3A_122 = arith.constant 0 : i32
        %cond3A_123 = arith.cmpi ne, %convert_element_type3A_121, %cond3A_122 : i32
        scf.if %cond3A_123 {
          %sub3A = arith.constant 1 : i32
          %sub3A_151 = arith.subi %sub3A, %rem3A_107 : i32
          %dma_wait3A_152 = arith.constant 0 : i32
          %dma_wait3A_153 = arith.constant 0 : i32
          %dma_wait3A_154 = tpu.memref_slice %arg16[%sub3A_151, %dma_wait3A_152, %dma_wait3A_153] : memref<2x125x128xf32, #tpu.memory_space<vmem>> -> memref<1x125x128xf32, #tpu.memory_space<vmem>>
          %dma_wait3A_155 = tpu.memref_squeeze %dma_wait3A_154 : memref<1x125x128xf32, #tpu.memory_space<vmem>> -> memref<125x128xf32, #tpu.memory_space<vmem>>
          %dma_wait3A_156 = arith.constant 0 : i32
          %dma_wait3A_157 = tpu.memref_slice %arg14[%rem3A_109, %dma_wait3A_156] : memref<16x125xi32, #tpu.memory_space<vmem>> -> memref<1x125xi32, #tpu.memory_space<vmem>>
          %dma_wait3A_158 = tpu.memref_squeeze %dma_wait3A_157 : memref<1x125xi32, #tpu.memory_space<vmem>> -> memref<125xi32, #tpu.memory_space<vmem>>
          %dma_wait3A_159 = arith.constant 0 : i32
          %dma_wait3A_160 = arith.constant 0 : i32
          %dma_wait3A_161 = tpu.memref_slice %arg17[%dma_wait3A_159, %dma_wait3A_160] : memref<10240x128xf32, #tpu.memory_space<vmem_shared>> -> memref<10240x128xf32, #tpu.memory_space<vmem_shared>>
          tpu.wait_indirect_dma semaphore(%arg20 : memref<!tpu.dma_semaphore, #tpu.memory_space<semaphore_mem>>) src(%dma_wait3A_155 : memref<125x128xf32, #tpu.memory_space<vmem>>) dst(%dma_wait3A_161 : memref<10240x128xf32, #tpu.memory_space<vmem_shared>>)
        } else {
        }
        %eq3A_124 = arith.constant 0 : i32
        %eq3A_125 = arith.cmpi eq, %rem3A_109, %eq3A_124 : i32
        %convert_element_type3A_126 = arith.extui %eq3A_125 : i1 to i32
        %cond3A_127 = arith.constant 0 : i32
        %cond3A_128 = arith.cmpi ne, %convert_element_type3A_126, %cond3A_127 : i32
        scf.if %cond3A_128 {
          %multiple_of3A = tpu.assume_multiple %scan3A_106, 16 : i32
          "tpu.region"() ({
            %run_scoped3A_151 = tpu.sem_alloc : memref<!tpu.dma_semaphore, #tpu.memory_space<semaphore_mem>>
            %dma_start3A_152 = arith.constant 0 : i32
            %dma_start3A_153 = tpu.memref_slice %arg2[%arg1, %multiple_of3A, %dma_start3A_152] : memref<16x80x125xi32, #tpu.memory_space<hbm>> -> memref<1x16x125xi32, #tpu.memory_space<hbm>>
            %dma_start3A_154 = tpu.memref_squeeze %dma_start3A_153 : memref<1x16x125xi32, #tpu.memory_space<hbm>> -> memref<16x125xi32, #tpu.memory_space<hbm>>
            %dma_start3A_155 = arith.constant 0 : i32
            %dma_start3A_156 = tpu.memref_slice %arg2[%arg1, %multiple_of3A, %dma_start3A_155] : memref<16x80x125xi32, #tpu.memory_space<hbm>> -> memref<1x16x125xi32, #tpu.memory_space<hbm>>
            %dma_start3A_157 = tpu.memref_squeeze %dma_start3A_156 : memref<1x16x125xi32, #tpu.memory_space<hbm>> -> memref<16x125xi32, #tpu.memory_space<hbm>>
            tpu.enqueue_dma source(%dma_start3A_157 : memref<16x125xi32, #tpu.memory_space<hbm>>) target(%arg14 : memref<16x125xi32, #tpu.memory_space<vmem>>) target_semaphore(%run_scoped3A_151 : memref<!tpu.dma_semaphore, #tpu.memory_space<semaphore_mem>>)
            %dma_wait3A_158 = arith.constant 0 : i32
            %dma_wait3A_159 = tpu.memref_slice %arg2[%arg1, %multiple_of3A, %dma_wait3A_158] : memref<16x80x125xi32, #tpu.memory_space<hbm>> -> memref<1x16x125xi32, #tpu.memory_space<hbm>>
            %dma_wait3A_160 = tpu.memref_squeeze %dma_wait3A_159 : memref<1x16x125xi32, #tpu.memory_space<hbm>> -> memref<16x125xi32, #tpu.memory_space<hbm>>
            %dma_wait3A_161 = arith.constant 0 : i32
            %dma_wait3A_162 = tpu.memref_slice %arg2[%arg1, %multiple_of3A, %dma_wait3A_161] : memref<16x80x125xi32, #tpu.memory_space<hbm>> -> memref<1x16x125xi32, #tpu.memory_space<hbm>>
            %dma_wait3A_163 = tpu.memref_squeeze %dma_wait3A_162 : memref<1x16x125xi32, #tpu.memory_space<hbm>> -> memref<16x125xi32, #tpu.memory_space<hbm>>
            tpu.wait_dma2 semaphore(%run_scoped3A_151 : memref<!tpu.dma_semaphore, #tpu.memory_space<semaphore_mem>>) src(%dma_wait3A_163 : memref<16x125xi32, #tpu.memory_space<hbm>>) dst(%arg14 : memref<16x125xi32, #tpu.memory_space<vmem>>)
            tpu.yield
          }) : () -> ()
        } else {
        }
        %add3A = arith.constant 1 : i32
        %add3A_129 = arith.addi %scan3A_106, %add3A : i32
        %lt3A = arith.constant 80 : i32
        %lt3A_130 = arith.cmpi slt, %add3A_129, %lt3A : i32
        %convert_element_type3A_131 = arith.extui %lt3A_130 : i1 to i32
        %cond3A_132 = arith.constant 0 : i32
        %cond3A_133 = arith.cmpi ne, %convert_element_type3A_131, %cond3A_132 : i32
        scf.if %cond3A_133 {
          %add3A_151 = arith.constant 1 : i32
          %add3A_152 = arith.addi %scan3A_106, %add3A_151 : i32
          %sub3A = arith.constant 1 : i32
          %sub3A_153 = arith.subi %sub3A, %rem3A_107 : i32
          %dma_wait3A_154 = arith.constant 0 : i32
          %dma_wait3A_155 = tpu.memref_slice %arg15[%sub3A_153, %dma_wait3A_154] : memref<2x125xi32, #tpu.memory_space<vmem>> -> memref<1x125xi32, #tpu.memory_space<vmem>>
          %dma_wait3A_156 = tpu.memref_squeeze %dma_wait3A_155 : memref<1x125xi32, #tpu.memory_space<vmem>> -> memref<125xi32, #tpu.memory_space<vmem>>
          %dma_wait3A_157 = arith.constant 0 : i32
          %dma_wait3A_158 = tpu.memref_slice %arg3[%arg1, %add3A_152, %dma_wait3A_157] : memref<16x80x125xi32, #tpu.memory_space<hbm>> -> memref<1x1x125xi32, #tpu.memory_space<hbm>>
          %dma_wait3A_159 = tpu.memref_squeeze %dma_wait3A_158 : memref<1x1x125xi32, #tpu.memory_space<hbm>> -> memref<125xi32, #tpu.memory_space<hbm>>
          %dma_wait3A_160 = arith.constant 0 : i32
          %dma_wait3A_161 = tpu.memref_slice %arg15[%sub3A_153, %dma_wait3A_160] : memref<2x125xi32, #tpu.memory_space<vmem>> -> memref<1x125xi32, #tpu.memory_space<vmem>>
          %dma_wait3A_162 = tpu.memref_squeeze %dma_wait3A_161 : memref<1x125xi32, #tpu.memory_space<vmem>> -> memref<125xi32, #tpu.memory_space<vmem>>
          %dma_wait3A_163 = arith.constant 0 : i32
          %dma_wait3A_164 = tpu.memref_slice %arg3[%arg1, %add3A_152, %dma_wait3A_163] : memref<16x80x125xi32, #tpu.memory_space<hbm>> -> memref<1x1x125xi32, #tpu.memory_space<hbm>>
          %dma_wait3A_165 = tpu.memref_squeeze %dma_wait3A_164 : memref<1x1x125xi32, #tpu.memory_space<hbm>> -> memref<125xi32, #tpu.memory_space<hbm>>
          tpu.wait_dma2 semaphore(%arg19 : memref<!tpu.dma_semaphore, #tpu.memory_space<semaphore_mem>>) src(%dma_wait3A_165 : memref<125xi32, #tpu.memory_space<hbm>>) dst(%dma_wait3A_162 : memref<125xi32, #tpu.memory_space<vmem>>)
          %sub3A_166 = arith.constant 1 : i32
          %sub3A_167 = arith.subi %sub3A_166, %rem3A_107 : i32
          %sub3A_168 = arith.constant 1 : i32
          %sub3A_169 = arith.subi %sub3A_168, %rem3A_107 : i32
          %dma_start3A_170 = arith.constant 0 : i32
          %dma_start3A_171 = arith.constant 0 : i32
          %dma_start3A_172 = tpu.memref_slice %arg16[%sub3A_169, %dma_start3A_170, %dma_start3A_171] : memref<2x125x128xf32, #tpu.memory_space<vmem>> -> memref<1x125x128xf32, #tpu.memory_space<vmem>>
          %dma_start3A_173 = tpu.memref_squeeze %dma_start3A_172 : memref<1x125x128xf32, #tpu.memory_space<vmem>> -> memref<125x128xf32, #tpu.memory_space<vmem>>
          %dma_start3A_174 = arith.constant 0 : i32
          %dma_start3A_175 = tpu.memref_slice %arg15[%sub3A_167, %dma_start3A_174] : memref<2x125xi32, #tpu.memory_space<vmem>> -> memref<1x125xi32, #tpu.memory_space<vmem>>
          %dma_start3A_176 = tpu.memref_squeeze %dma_start3A_175 : memref<1x125xi32, #tpu.memory_space<vmem>> -> memref<125xi32, #tpu.memory_space<vmem>>
          %dma_start3A_177 = arith.constant 0 : i32
          %dma_start3A_178 = arith.constant 0 : i32
          %dma_start3A_179 = tpu.memref_slice %arg4[%dma_start3A_177, %dma_start3A_178] : memref<10000x128xf32, #tpu.memory_space<hbm>> -> memref<10000x128xf32, #tpu.memory_space<hbm>>
          tpu.enqueue_indirect_dma source(%dma_start3A_179 : memref<10000x128xf32, #tpu.memory_space<hbm>>) target(%dma_start3A_173 : memref<125x128xf32, #tpu.memory_space<vmem>>) offsets(%dma_start3A_176 : memref<125xi32, #tpu.memory_space<vmem>>) semaphore(%arg18 : memref<!tpu.dma_semaphore, #tpu.memory_space<semaphore_mem>>)
        } else {
        }
        %dma_start3A_134 = arith.constant 0 : i32
        %dma_start3A_135 = arith.constant 0 : i32
        %dma_start3A_136 = tpu.memref_slice %arg16[%rem3A_107, %dma_start3A_134, %dma_start3A_135] : memref<2x125x128xf32, #tpu.memory_space<vmem>> -> memref<1x125x128xf32, #tpu.memory_space<vmem>>
        %dma_start3A_137 = tpu.memref_squeeze %dma_start3A_136 : memref<1x125x128xf32, #tpu.memory_space<vmem>> -> memref<125x128xf32, #tpu.memory_space<vmem>>
        %dma_start3A_138 = arith.constant 0 : i32
        %dma_start3A_139 = tpu.memref_slice %arg14[%rem3A_109, %dma_start3A_138] : memref<16x125xi32, #tpu.memory_space<vmem>> -> memref<1x125xi32, #tpu.memory_space<vmem>>
        %dma_start3A_140 = tpu.memref_squeeze %dma_start3A_139 : memref<1x125xi32, #tpu.memory_space<vmem>> -> memref<125xi32, #tpu.memory_space<vmem>>
        %dma_start3A_141 = arith.constant 0 : i32
        %dma_start3A_142 = arith.constant 0 : i32
        %dma_start3A_143 = tpu.memref_slice %arg17[%dma_start3A_141, %dma_start3A_142] : memref<10240x128xf32, #tpu.memory_space<vmem_shared>> -> memref<10240x128xf32, #tpu.memory_space<vmem_shared>>
        tpu.enqueue_indirect_dma source(%dma_start3A_137 : memref<125x128xf32, #tpu.memory_space<vmem>>) target(%dma_start3A_143 : memref<10240x128xf32, #tpu.memory_space<vmem_shared>>) offsets(%dma_start3A_140 : memref<125xi32, #tpu.memory_space<vmem>>) semaphore(%arg20 : memref<!tpu.dma_semaphore, #tpu.memory_space<semaphore_mem>>) {add = true}
        %add3A_144 = arith.constant 2 : i32
        %add3A_145 = arith.addi %scan3A_106, %add3A_144 : i32
        %lt3A_146 = arith.constant 80 : i32
        %lt3A_147 = arith.cmpi slt, %add3A_145, %lt3A_146 : i32
        %convert_element_type3A_148 = arith.extui %lt3A_147 : i1 to i32
        %cond3A_149 = arith.constant 0 : i32
        %cond3A_150 = arith.cmpi ne, %convert_element_type3A_148, %cond3A_149 : i32
        scf.if %cond3A_150 {
          %add3A_151 = arith.constant 2 : i32
          %add3A_152 = arith.addi %scan3A_106, %add3A_151 : i32
          %dma_start3A_153 = arith.constant 0 : i32
          %dma_start3A_154 = tpu.memref_slice %arg15[%rem3A_107, %dma_start3A_153] : memref<2x125xi32, #tpu.memory_space<vmem>> -> memref<1x125xi32, #tpu.memory_space<vmem>>
          %dma_start3A_155 = tpu.memref_squeeze %dma_start3A_154 : memref<1x125xi32, #tpu.memory_space<vmem>> -> memref<125xi32, #tpu.memory_space<vmem>>
          %dma_start3A_156 = arith.constant 0 : i32
          %dma_start3A_157 = tpu.memref_slice %arg3[%arg1, %add3A_152, %dma_start3A_156] : memref<16x80x125xi32, #tpu.memory_space<hbm>> -> memref<1x1x125xi32, #tpu.memory_space<hbm>>
          %dma_start3A_158 = tpu.memref_squeeze %dma_start3A_157 : memref<1x1x125xi32, #tpu.memory_space<hbm>> -> memref<125xi32, #tpu.memory_space<hbm>>
          %dma_start3A_159 = arith.constant 0 : i32
          %dma_start3A_160 = tpu.memref_slice %arg15[%rem3A_107, %dma_start3A_159] : memref<2x125xi32, #tpu.memory_space<vmem>> -> memref<1x125xi32, #tpu.memory_space<vmem>>
          %dma_start3A_161 = tpu.memref_squeeze %dma_start3A_160 : memref<1x125xi32, #tpu.memory_space<vmem>> -> memref<125xi32, #tpu.memory_space<vmem>>
          %dma_start3A_162 = arith.constant 0 : i32
          %dma_start3A_163 = tpu.memref_slice %arg3[%arg1, %add3A_152, %dma_start3A_162] : memref<16x80x125xi32, #tpu.memory_space<hbm>> -> memref<1x1x125xi32, #tpu.memory_space<hbm>>
          %dma_start3A_164 = tpu.memref_squeeze %dma_start3A_163 : memref<1x1x125xi32, #tpu.memory_space<hbm>> -> memref<125xi32, #tpu.memory_space<hbm>>
          tpu.enqueue_dma source(%dma_start3A_164 : memref<125xi32, #tpu.memory_space<hbm>>) target(%dma_start3A_161 : memref<125xi32, #tpu.memory_space<vmem>>) target_semaphore(%arg19 : memref<!tpu.dma_semaphore, #tpu.memory_space<semaphore_mem>>)
        } else {
        }
      }
      %scan3A_94 = arith.constant 80 : i32
      %dma_wait3A = arith.constant 1 : i32
      %dma_wait3A_95 = arith.constant 15 : i32
      %dma_wait3A_96 = arith.constant 0 : i32
      %dma_wait3A_97 = arith.constant 0 : i32
      %dma_wait3A_98 = tpu.memref_slice %arg16[%dma_wait3A, %dma_wait3A_96, %dma_wait3A_97] : memref<2x125x128xf32, #tpu.memory_space<vmem>> -> memref<1x125x128xf32, #tpu.memory_space<vmem>>
      %dma_wait3A_99 = tpu.memref_squeeze %dma_wait3A_98 : memref<1x125x128xf32, #tpu.memory_space<vmem>> -> memref<125x128xf32, #tpu.memory_space<vmem>>
      %dma_wait3A_100 = arith.constant 0 : i32
      %dma_wait3A_101 = tpu.memref_slice %arg14[%dma_wait3A_95, %dma_wait3A_100] : memref<16x125xi32, #tpu.memory_space<vmem>> -> memref<1x125xi32, #tpu.memory_space<vmem>>
      %dma_wait3A_102 = tpu.memref_squeeze %dma_wait3A_101 : memref<1x125xi32, #tpu.memory_space<vmem>> -> memref<125xi32, #tpu.memory_space<vmem>>
      %dma_wait3A_103 = arith.constant 0 : i32
      %dma_wait3A_104 = arith.constant 0 : i32
      %dma_wait3A_105 = tpu.memref_slice %arg17[%dma_wait3A_103, %dma_wait3A_104] : memref<10240x128xf32, #tpu.memory_space<vmem_shared>> -> memref<10240x128xf32, #tpu.memory_space<vmem_shared>>
      tpu.wait_indirect_dma semaphore(%arg20 : memref<!tpu.dma_semaphore, #tpu.memory_space<semaphore_mem>>) src(%dma_wait3A_99 : memref<125x128xf32, #tpu.memory_space<vmem>>) dst(%dma_wait3A_105 : memref<10240x128xf32, #tpu.memory_space<vmem_shared>>)
    } else {
    }
    %eq3A_25 = arith.constant 1 : i32
    %eq3A_26 = arith.cmpi eq, %arg0, %eq3A_25 : i32
    %convert_element_type3A_27 = arith.extui %eq3A_26 : i1 to i32
    %cond3A_28 = arith.constant 0 : i32
    %cond3A_29 = arith.cmpi ne, %convert_element_type3A_27, %cond3A_28 : i32
    scf.if %cond3A_29 {
      %run_scoped3A_63 = arith.constant 0 : i32
      %run_scoped3A_64 = arith.constant 0 : i32
      "tpu.region"() ({
        %run_scoped3A_106 = tpu.sem_alloc : memref<!tpu.dma_semaphore, #tpu.memory_space<semaphore_mem>>
        %dma_start3A_107 = arith.constant 0 : i32
        %dma_start3A_108 = tpu.memref_slice %arg15[%run_scoped3A_64, %dma_start3A_107] : memref<2x125xi32, #tpu.memory_space<vmem>> -> memref<1x125xi32, #tpu.memory_space<vmem>>
        %dma_start3A_109 = tpu.memref_squeeze %dma_start3A_108 : memref<1x125xi32, #tpu.memory_space<vmem>> -> memref<125xi32, #tpu.memory_space<vmem>>
        %dma_start3A_110 = arith.constant 0 : i32
        %dma_start3A_111 = tpu.memref_slice %arg3[%arg1, %run_scoped3A_63, %dma_start3A_110] : memref<16x80x125xi32, #tpu.memory_space<hbm>> -> memref<1x1x125xi32, #tpu.memory_space<hbm>>
        %dma_start3A_112 = tpu.memref_squeeze %dma_start3A_111 : memref<1x1x125xi32, #tpu.memory_space<hbm>> -> memref<125xi32, #tpu.memory_space<hbm>>
        %dma_start3A_113 = arith.constant 0 : i32
        %dma_start3A_114 = tpu.memref_slice %arg15[%run_scoped3A_64, %dma_start3A_113] : memref<2x125xi32, #tpu.memory_space<vmem>> -> memref<1x125xi32, #tpu.memory_space<vmem>>
        %dma_start3A_115 = tpu.memref_squeeze %dma_start3A_114 : memref<1x125xi32, #tpu.memory_space<vmem>> -> memref<125xi32, #tpu.memory_space<vmem>>
        %dma_start3A_116 = arith.constant 0 : i32
        %dma_start3A_117 = tpu.memref_slice %arg3[%arg1, %run_scoped3A_63, %dma_start3A_116] : memref<16x80x125xi32, #tpu.memory_space<hbm>> -> memref<1x1x125xi32, #tpu.memory_space<hbm>>
        %dma_start3A_118 = tpu.memref_squeeze %dma_start3A_117 : memref<1x1x125xi32, #tpu.memory_space<hbm>> -> memref<125xi32, #tpu.memory_space<hbm>>
        tpu.enqueue_dma source(%dma_start3A_118 : memref<125xi32, #tpu.memory_space<hbm>>) target(%dma_start3A_115 : memref<125xi32, #tpu.memory_space<vmem>>) target_semaphore(%run_scoped3A_106 : memref<!tpu.dma_semaphore, #tpu.memory_space<semaphore_mem>>)
        %dma_wait3A_119 = arith.constant 0 : i32
        %dma_wait3A_120 = tpu.memref_slice %arg15[%run_scoped3A_64, %dma_wait3A_119] : memref<2x125xi32, #tpu.memory_space<vmem>> -> memref<1x125xi32, #tpu.memory_space<vmem>>
        %dma_wait3A_121 = tpu.memref_squeeze %dma_wait3A_120 : memref<1x125xi32, #tpu.memory_space<vmem>> -> memref<125xi32, #tpu.memory_space<vmem>>
        %dma_wait3A_122 = arith.constant 0 : i32
        %dma_wait3A_123 = tpu.memref_slice %arg3[%arg1, %run_scoped3A_63, %dma_wait3A_122] : memref<16x80x125xi32, #tpu.memory_space<hbm>> -> memref<1x1x125xi32, #tpu.memory_space<hbm>>
        %dma_wait3A_124 = tpu.memref_squeeze %dma_wait3A_123 : memref<1x1x125xi32, #tpu.memory_space<hbm>> -> memref<125xi32, #tpu.memory_space<hbm>>
        %dma_wait3A_125 = arith.constant 0 : i32
        %dma_wait3A_126 = tpu.memref_slice %arg15[%run_scoped3A_64, %dma_wait3A_125] : memref<2x125xi32, #tpu.memory_space<vmem>> -> memref<1x125xi32, #tpu.memory_space<vmem>>
        %dma_wait3A_127 = tpu.memref_squeeze %dma_wait3A_126 : memref<1x125xi32, #tpu.memory_space<vmem>> -> memref<125xi32, #tpu.memory_space<vmem>>
        %dma_wait3A_128 = arith.constant 0 : i32
        %dma_wait3A_129 = tpu.memref_slice %arg3[%arg1, %run_scoped3A_63, %dma_wait3A_128] : memref<16x80x125xi32, #tpu.memory_space<hbm>> -> memref<1x1x125xi32, #tpu.memory_space<hbm>>
        %dma_wait3A_130 = tpu.memref_squeeze %dma_wait3A_129 : memref<1x1x125xi32, #tpu.memory_space<hbm>> -> memref<125xi32, #tpu.memory_space<hbm>>
        tpu.wait_dma2 semaphore(%run_scoped3A_106 : memref<!tpu.dma_semaphore, #tpu.memory_space<semaphore_mem>>) src(%dma_wait3A_130 : memref<125xi32, #tpu.memory_space<hbm>>) dst(%dma_wait3A_127 : memref<125xi32, #tpu.memory_space<vmem>>)
        tpu.yield
      }) : () -> ()
      %dma_start3A = arith.constant 0 : i32
      %dma_start3A_65 = arith.constant 0 : i32
      %dma_start3A_66 = arith.constant 0 : i32
      %dma_start3A_67 = arith.constant 0 : i32
      %dma_start3A_68 = tpu.memref_slice %arg16[%dma_start3A_65, %dma_start3A_66, %dma_start3A_67] : memref<2x125x128xf32, #tpu.memory_space<vmem>> -> memref<1x125x128xf32, #tpu.memory_space<vmem>>
      %dma_start3A_69 = tpu.memref_squeeze %dma_start3A_68 : memref<1x125x128xf32, #tpu.memory_space<vmem>> -> memref<125x128xf32, #tpu.memory_space<vmem>>
      %dma_start3A_70 = arith.constant 0 : i32
      %dma_start3A_71 = tpu.memref_slice %arg15[%dma_start3A, %dma_start3A_70] : memref<2x125xi32, #tpu.memory_space<vmem>> -> memref<1x125xi32, #tpu.memory_space<vmem>>
      %dma_start3A_72 = tpu.memref_squeeze %dma_start3A_71 : memref<1x125xi32, #tpu.memory_space<vmem>> -> memref<125xi32, #tpu.memory_space<vmem>>
      %dma_start3A_73 = arith.constant 0 : i32
      %dma_start3A_74 = arith.constant 0 : i32
      %dma_start3A_75 = tpu.memref_slice %arg5[%dma_start3A_73, %dma_start3A_74] : memref<10000x128xf32, #tpu.memory_space<hbm>> -> memref<10000x128xf32, #tpu.memory_space<hbm>>
      tpu.enqueue_indirect_dma source(%dma_start3A_75 : memref<10000x128xf32, #tpu.memory_space<hbm>>) target(%dma_start3A_69 : memref<125x128xf32, #tpu.memory_space<vmem>>) offsets(%dma_start3A_72 : memref<125xi32, #tpu.memory_space<vmem>>) semaphore(%arg18 : memref<!tpu.dma_semaphore, #tpu.memory_space<semaphore_mem>>)
      %dma_start3A_76 = arith.constant 1 : i32
      %dma_start3A_77 = arith.constant 1 : i32
      %dma_start3A_78 = arith.constant 0 : i32
      %dma_start3A_79 = tpu.memref_slice %arg15[%dma_start3A_77, %dma_start3A_78] : memref<2x125xi32, #tpu.memory_space<vmem>> -> memref<1x125xi32, #tpu.memory_space<vmem>>
      %dma_start3A_80 = tpu.memref_squeeze %dma_start3A_79 : memref<1x125xi32, #tpu.memory_space<vmem>> -> memref<125xi32, #tpu.memory_space<vmem>>
      %dma_start3A_81 = arith.constant 0 : i32
      %dma_start3A_82 = tpu.memref_slice %arg3[%arg1, %dma_start3A_76, %dma_start3A_81] : memref<16x80x125xi32, #tpu.memory_space<hbm>> -> memref<1x1x125xi32, #tpu.memory_space<hbm>>
      %dma_start3A_83 = tpu.memref_squeeze %dma_start3A_82 : memref<1x1x125xi32, #tpu.memory_space<hbm>> -> memref<125xi32, #tpu.memory_space<hbm>>
      %dma_start3A_84 = arith.constant 0 : i32
      %dma_start3A_85 = tpu.memref_slice %arg15[%dma_start3A_77, %dma_start3A_84] : memref<2x125xi32, #tpu.memory_space<vmem>> -> memref<1x125xi32, #tpu.memory_space<vmem>>
      %dma_start3A_86 = tpu.memref_squeeze %dma_start3A_85 : memref<1x125xi32, #tpu.memory_space<vmem>> -> memref<125xi32, #tpu.memory_space<vmem>>
      %dma_start3A_87 = arith.constant 0 : i32
      %dma_start3A_88 = tpu.memref_slice %arg3[%arg1, %dma_start3A_76, %dma_start3A_87] : memref<16x80x125xi32, #tpu.memory_space<hbm>> -> memref<1x1x125xi32, #tpu.memory_space<hbm>>
      %dma_start3A_89 = tpu.memref_squeeze %dma_start3A_88 : memref<1x1x125xi32, #tpu.memory_space<hbm>> -> memref<125xi32, #tpu.memory_space<hbm>>
      tpu.enqueue_dma source(%dma_start3A_89 : memref<125xi32, #tpu.memory_space<hbm>>) target(%dma_start3A_86 : memref<125xi32, #tpu.memory_space<vmem>>) target_semaphore(%arg19 : memref<!tpu.dma_semaphore, #tpu.memory_space<semaphore_mem>>)
      %scan3A = arith.constant 0 : i32
      %scan3A_90 = arith.constant 0 : i32
      %scan3A_91 = arith.constant 80 : i32
      %scan3A_92 = arith.addi %scan3A_90, %scan3A_91 : i32
      %scan3A_93 = arith.constant 1 : i32
      scf.for %scan3A_106 = %scan3A_90 to %scan3A_92 step %scan3A_93  : i32 {
        %rem3A = arith.constant 2 : i32
        %rem3A_107 = arith.remsi %scan3A_106, %rem3A : i32
        %rem3A_108 = arith.constant 16 : i32
        %rem3A_109 = arith.remsi %scan3A_106, %rem3A_108 : i32
        %dma_wait3A_110 = arith.constant 0 : i32
        %dma_wait3A_111 = arith.constant 0 : i32
        %dma_wait3A_112 = tpu.memref_slice %arg16[%rem3A_107, %dma_wait3A_110, %dma_wait3A_111] : memref<2x125x128xf32, #tpu.memory_space<vmem>> -> memref<1x125x128xf32, #tpu.memory_space<vmem>>
        %dma_wait3A_113 = tpu.memref_squeeze %dma_wait3A_112 : memref<1x125x128xf32, #tpu.memory_space<vmem>> -> memref<125x128xf32, #tpu.memory_space<vmem>>
        %dma_wait3A_114 = arith.constant 0 : i32
        %dma_wait3A_115 = tpu.memref_slice %arg15[%rem3A_107, %dma_wait3A_114] : memref<2x125xi32, #tpu.memory_space<vmem>> -> memref<1x125xi32, #tpu.memory_space<vmem>>
        %dma_wait3A_116 = tpu.memref_squeeze %dma_wait3A_115 : memref<1x125xi32, #tpu.memory_space<vmem>> -> memref<125xi32, #tpu.memory_space<vmem>>
        %dma_wait3A_117 = arith.constant 0 : i32
        %dma_wait3A_118 = arith.constant 0 : i32
        %dma_wait3A_119 = tpu.memref_slice %arg5[%dma_wait3A_117, %dma_wait3A_118] : memref<10000x128xf32, #tpu.memory_space<hbm>> -> memref<10000x128xf32, #tpu.memory_space<hbm>>
        tpu.wait_indirect_dma semaphore(%arg18 : memref<!tpu.dma_semaphore, #tpu.memory_space<semaphore_mem>>) src(%dma_wait3A_119 : memref<10000x128xf32, #tpu.memory_space<hbm>>) dst(%dma_wait3A_113 : memref<125x128xf32, #tpu.memory_space<vmem>>)
        %ge3A = arith.constant 1 : i32
        %ge3A_120 = arith.cmpi sge, %scan3A_106, %ge3A : i32
        %convert_element_type3A_121 = arith.extui %ge3A_120 : i1 to i32
        %cond3A_122 = arith.constant 0 : i32
        %cond3A_123 = arith.cmpi ne, %convert_element_type3A_121, %cond3A_122 : i32
        scf.if %cond3A_123 {
          %sub3A = arith.constant 1 : i32
          %sub3A_151 = arith.subi %sub3A, %rem3A_107 : i32
          %dma_wait3A_152 = arith.constant 0 : i32
          %dma_wait3A_153 = arith.constant 0 : i32
          %dma_wait3A_154 = tpu.memref_slice %arg16[%sub3A_151, %dma_wait3A_152, %dma_wait3A_153] : memref<2x125x128xf32, #tpu.memory_space<vmem>> -> memref<1x125x128xf32, #tpu.memory_space<vmem>>
          %dma_wait3A_155 = tpu.memref_squeeze %dma_wait3A_154 : memref<1x125x128xf32, #tpu.memory_space<vmem>> -> memref<125x128xf32, #tpu.memory_space<vmem>>
          %dma_wait3A_156 = arith.constant 0 : i32
          %dma_wait3A_157 = tpu.memref_slice %arg14[%rem3A_109, %dma_wait3A_156] : memref<16x125xi32, #tpu.memory_space<vmem>> -> memref<1x125xi32, #tpu.memory_space<vmem>>
          %dma_wait3A_158 = tpu.memref_squeeze %dma_wait3A_157 : memref<1x125xi32, #tpu.memory_space<vmem>> -> memref<125xi32, #tpu.memory_space<vmem>>
          %dma_wait3A_159 = arith.constant 0 : i32
          %dma_wait3A_160 = arith.constant 0 : i32
          %dma_wait3A_161 = tpu.memref_slice %arg17[%dma_wait3A_159, %dma_wait3A_160] : memref<10240x128xf32, #tpu.memory_space<vmem_shared>> -> memref<10240x128xf32, #tpu.memory_space<vmem_shared>>
          tpu.wait_indirect_dma semaphore(%arg20 : memref<!tpu.dma_semaphore, #tpu.memory_space<semaphore_mem>>) src(%dma_wait3A_155 : memref<125x128xf32, #tpu.memory_space<vmem>>) dst(%dma_wait3A_161 : memref<10240x128xf32, #tpu.memory_space<vmem_shared>>)
        } else {
        }
        %eq3A_124 = arith.constant 0 : i32
        %eq3A_125 = arith.cmpi eq, %rem3A_109, %eq3A_124 : i32
        %convert_element_type3A_126 = arith.extui %eq3A_125 : i1 to i32
        %cond3A_127 = arith.constant 0 : i32
        %cond3A_128 = arith.cmpi ne, %convert_element_type3A_126, %cond3A_127 : i32
        scf.if %cond3A_128 {
          %multiple_of3A = tpu.assume_multiple %scan3A_106, 16 : i32
          "tpu.region"() ({
            %run_scoped3A_151 = tpu.sem_alloc : memref<!tpu.dma_semaphore, #tpu.memory_space<semaphore_mem>>
            %dma_start3A_152 = arith.constant 0 : i32
            %dma_start3A_153 = tpu.memref_slice %arg2[%arg1, %multiple_of3A, %dma_start3A_152] : memref<16x80x125xi32, #tpu.memory_space<hbm>> -> memref<1x16x125xi32, #tpu.memory_space<hbm>>
            %dma_start3A_154 = tpu.memref_squeeze %dma_start3A_153 : memref<1x16x125xi32, #tpu.memory_space<hbm>> -> memref<16x125xi32, #tpu.memory_space<hbm>>
            %dma_start3A_155 = arith.constant 0 : i32
            %dma_start3A_156 = tpu.memref_slice %arg2[%arg1, %multiple_of3A, %dma_start3A_155] : memref<16x80x125xi32, #tpu.memory_space<hbm>> -> memref<1x16x125xi32, #tpu.memory_space<hbm>>
            %dma_start3A_157 = tpu.memref_squeeze %dma_start3A_156 : memref<1x16x125xi32, #tpu.memory_space<hbm>> -> memref<16x125xi32, #tpu.memory_space<hbm>>
            tpu.enqueue_dma source(%dma_start3A_157 : memref<16x125xi32, #tpu.memory_space<hbm>>) target(%arg14 : memref<16x125xi32, #tpu.memory_space<vmem>>) target_semaphore(%run_scoped3A_151 : memref<!tpu.dma_semaphore, #tpu.memory_space<semaphore_mem>>)
            %dma_wait3A_158 = arith.constant 0 : i32
            %dma_wait3A_159 = tpu.memref_slice %arg2[%arg1, %multiple_of3A, %dma_wait3A_158] : memref<16x80x125xi32, #tpu.memory_space<hbm>> -> memref<1x16x125xi32, #tpu.memory_space<hbm>>
            %dma_wait3A_160 = tpu.memref_squeeze %dma_wait3A_159 : memref<1x16x125xi32, #tpu.memory_space<hbm>> -> memref<16x125xi32, #tpu.memory_space<hbm>>
            %dma_wait3A_161 = arith.constant 0 : i32
            %dma_wait3A_162 = tpu.memref_slice %arg2[%arg1, %multiple_of3A, %dma_wait3A_161] : memref<16x80x125xi32, #tpu.memory_space<hbm>> -> memref<1x16x125xi32, #tpu.memory_space<hbm>>
            %dma_wait3A_163 = tpu.memref_squeeze %dma_wait3A_162 : memref<1x16x125xi32, #tpu.memory_space<hbm>> -> memref<16x125xi32, #tpu.memory_space<hbm>>
            tpu.wait_dma2 semaphore(%run_scoped3A_151 : memref<!tpu.dma_semaphore, #tpu.memory_space<semaphore_mem>>) src(%dma_wait3A_163 : memref<16x125xi32, #tpu.memory_space<hbm>>) dst(%arg14 : memref<16x125xi32, #tpu.memory_space<vmem>>)
            tpu.yield
          }) : () -> ()
        } else {
        }
        %add3A = arith.constant 1 : i32
        %add3A_129 = arith.addi %scan3A_106, %add3A : i32
        %lt3A = arith.constant 80 : i32
        %lt3A_130 = arith.cmpi slt, %add3A_129, %lt3A : i32
        %convert_element_type3A_131 = arith.extui %lt3A_130 : i1 to i32
        %cond3A_132 = arith.constant 0 : i32
        %cond3A_133 = arith.cmpi ne, %convert_element_type3A_131, %cond3A_132 : i32
        scf.if %cond3A_133 {
          %add3A_151 = arith.constant 1 : i32
          %add3A_152 = arith.addi %scan3A_106, %add3A_151 : i32
          %sub3A = arith.constant 1 : i32
          %sub3A_153 = arith.subi %sub3A, %rem3A_107 : i32
          %dma_wait3A_154 = arith.constant 0 : i32
          %dma_wait3A_155 = tpu.memref_slice %arg15[%sub3A_153, %dma_wait3A_154] : memref<2x125xi32, #tpu.memory_space<vmem>> -> memref<1x125xi32, #tpu.memory_space<vmem>>
          %dma_wait3A_156 = tpu.memref_squeeze %dma_wait3A_155 : memref<1x125xi32, #tpu.memory_space<vmem>> -> memref<125xi32, #tpu.memory_space<vmem>>
          %dma_wait3A_157 = arith.constant 0 : i32
          %dma_wait3A_158 = tpu.memref_slice %arg3[%arg1, %add3A_152, %dma_wait3A_157] : memref<16x80x125xi32, #tpu.memory_space<hbm>> -> memref<1x1x125xi32, #tpu.memory_space<hbm>>
          %dma_wait3A_159 = tpu.memref_squeeze %dma_wait3A_158 : memref<1x1x125xi32, #tpu.memory_space<hbm>> -> memref<125xi32, #tpu.memory_space<hbm>>
          %dma_wait3A_160 = arith.constant 0 : i32
          %dma_wait3A_161 = tpu.memref_slice %arg15[%sub3A_153, %dma_wait3A_160] : memref<2x125xi32, #tpu.memory_space<vmem>> -> memref<1x125xi32, #tpu.memory_space<vmem>>
          %dma_wait3A_162 = tpu.memref_squeeze %dma_wait3A_161 : memref<1x125xi32, #tpu.memory_space<vmem>> -> memref<125xi32, #tpu.memory_space<vmem>>
          %dma_wait3A_163 = arith.constant 0 : i32
          %dma_wait3A_164 = tpu.memref_slice %arg3[%arg1, %add3A_152, %dma_wait3A_163] : memref<16x80x125xi32, #tpu.memory_space<hbm>> -> memref<1x1x125xi32, #tpu.memory_space<hbm>>
          %dma_wait3A_165 = tpu.memref_squeeze %dma_wait3A_164 : memref<1x1x125xi32, #tpu.memory_space<hbm>> -> memref<125xi32, #tpu.memory_space<hbm>>
          tpu.wait_dma2 semaphore(%arg19 : memref<!tpu.dma_semaphore, #tpu.memory_space<semaphore_mem>>) src(%dma_wait3A_165 : memref<125xi32, #tpu.memory_space<hbm>>) dst(%dma_wait3A_162 : memref<125xi32, #tpu.memory_space<vmem>>)
          %sub3A_166 = arith.constant 1 : i32
          %sub3A_167 = arith.subi %sub3A_166, %rem3A_107 : i32
          %sub3A_168 = arith.constant 1 : i32
          %sub3A_169 = arith.subi %sub3A_168, %rem3A_107 : i32
          %dma_start3A_170 = arith.constant 0 : i32
          %dma_start3A_171 = arith.constant 0 : i32
          %dma_start3A_172 = tpu.memref_slice %arg16[%sub3A_169, %dma_start3A_170, %dma_start3A_171] : memref<2x125x128xf32, #tpu.memory_space<vmem>> -> memref<1x125x128xf32, #tpu.memory_space<vmem>>
          %dma_start3A_173 = tpu.memref_squeeze %dma_start3A_172 : memref<1x125x128xf32, #tpu.memory_space<vmem>> -> memref<125x128xf32, #tpu.memory_space<vmem>>
          %dma_start3A_174 = arith.constant 0 : i32
          %dma_start3A_175 = tpu.memref_slice %arg15[%sub3A_167, %dma_start3A_174] : memref<2x125xi32, #tpu.memory_space<vmem>> -> memref<1x125xi32, #tpu.memory_space<vmem>>
          %dma_start3A_176 = tpu.memref_squeeze %dma_start3A_175 : memref<1x125xi32, #tpu.memory_space<vmem>> -> memref<125xi32, #tpu.memory_space<vmem>>
          %dma_start3A_177 = arith.constant 0 : i32
          %dma_start3A_178 = arith.constant 0 : i32
          %dma_start3A_179 = tpu.memref_slice %arg5[%dma_start3A_177, %dma_start3A_178] : memref<10000x128xf32, #tpu.memory_space<hbm>> -> memref<10000x128xf32, #tpu.memory_space<hbm>>
          tpu.enqueue_indirect_dma source(%dma_start3A_179 : memref<10000x128xf32, #tpu.memory_space<hbm>>) target(%dma_start3A_173 : memref<125x128xf32, #tpu.memory_space<vmem>>) offsets(%dma_start3A_176 : memref<125xi32, #tpu.memory_space<vmem>>) semaphore(%arg18 : memref<!tpu.dma_semaphore, #tpu.memory_space<semaphore_mem>>)
        } else {
        }
        %dma_start3A_134 = arith.constant 0 : i32
        %dma_start3A_135 = arith.constant 0 : i32
        %dma_start3A_136 = tpu.memref_slice %arg16[%rem3A_107, %dma_start3A_134, %dma_start3A_135] : memref<2x125x128xf32, #tpu.memory_space<vmem>> -> memref<1x125x128xf32, #tpu.memory_space<vmem>>
        %dma_start3A_137 = tpu.memref_squeeze %dma_start3A_136 : memref<1x125x128xf32, #tpu.memory_space<vmem>> -> memref<125x128xf32, #tpu.memory_space<vmem>>
        %dma_start3A_138 = arith.constant 0 : i32
        %dma_start3A_139 = tpu.memref_slice %arg14[%rem3A_109, %dma_start3A_138] : memref<16x125xi32, #tpu.memory_space<vmem>> -> memref<1x125xi32, #tpu.memory_space<vmem>>
        %dma_start3A_140 = tpu.memref_squeeze %dma_start3A_139 : memref<1x125xi32, #tpu.memory_space<vmem>> -> memref<125xi32, #tpu.memory_space<vmem>>
        %dma_start3A_141 = arith.constant 0 : i32
        %dma_start3A_142 = arith.constant 0 : i32
        %dma_start3A_143 = tpu.memref_slice %arg17[%dma_start3A_141, %dma_start3A_142] : memref<10240x128xf32, #tpu.memory_space<vmem_shared>> -> memref<10240x128xf32, #tpu.memory_space<vmem_shared>>
        tpu.enqueue_indirect_dma source(%dma_start3A_137 : memref<125x128xf32, #tpu.memory_space<vmem>>) target(%dma_start3A_143 : memref<10240x128xf32, #tpu.memory_space<vmem_shared>>) offsets(%dma_start3A_140 : memref<125xi32, #tpu.memory_space<vmem>>) semaphore(%arg20 : memref<!tpu.dma_semaphore, #tpu.memory_space<semaphore_mem>>) {add = true}
        %add3A_144 = arith.constant 2 : i32
        %add3A_145 = arith.addi %scan3A_106, %add3A_144 : i32
        %lt3A_146 = arith.constant 80 : i32
        %lt3A_147 = arith.cmpi slt, %add3A_145, %lt3A_146 : i32
        %convert_element_type3A_148 = arith.extui %lt3A_147 : i1 to i32
        %cond3A_149 = arith.constant 0 : i32
        %cond3A_150 = arith.cmpi ne, %convert_element_type3A_148, %cond3A_149 : i32
        scf.if %cond3A_150 {
          %add3A_151 = arith.constant 2 : i32
          %add3A_152 = arith.addi %scan3A_106, %add3A_151 : i32
          %dma_start3A_153 = arith.constant 0 : i32
          %dma_start3A_154 = tpu.memref_slice %arg15[%rem3A_107, %dma_start3A_153] : memref<2x125xi32, #tpu.memory_space<vmem>> -> memref<1x125xi32, #tpu.memory_space<vmem>>
          %dma_start3A_155 = tpu.memref_squeeze %dma_start3A_154 : memref<1x125xi32, #tpu.memory_space<vmem>> -> memref<125xi32, #tpu.memory_space<vmem>>
          %dma_start3A_156 = arith.constant 0 : i32
          %dma_start3A_157 = tpu.memref_slice %arg3[%arg1, %add3A_152, %dma_start3A_156] : memref<16x80x125xi32, #tpu.memory_space<hbm>> -> memref<1x1x125xi32, #tpu.memory_space<hbm>>
          %dma_start3A_158 = tpu.memref_squeeze %dma_start3A_157 : memref<1x1x125xi32, #tpu.memory_space<hbm>> -> memref<125xi32, #tpu.memory_space<hbm>>
          %dma_start3A_159 = arith.constant 0 : i32
          %dma_start3A_160 = tpu.memref_slice %arg15[%rem3A_107, %dma_start3A_159] : memref<2x125xi32, #tpu.memory_space<vmem>> -> memref<1x125xi32, #tpu.memory_space<vmem>>
          %dma_start3A_161 = tpu.memref_squeeze %dma_start3A_160 : memref<1x125xi32, #tpu.memory_space<vmem>> -> memref<125xi32, #tpu.memory_space<vmem>>
          %dma_start3A_162 = arith.constant 0 : i32
          %dma_start3A_163 = tpu.memref_slice %arg3[%arg1, %add3A_152, %dma_start3A_162] : memref<16x80x125xi32, #tpu.memory_space<hbm>> -> memref<1x1x125xi32, #tpu.memory_space<hbm>>
          %dma_start3A_164 = tpu.memref_squeeze %dma_start3A_163 : memref<1x1x125xi32, #tpu.memory_space<hbm>> -> memref<125xi32, #tpu.memory_space<hbm>>
          tpu.enqueue_dma source(%dma_start3A_164 : memref<125xi32, #tpu.memory_space<hbm>>) target(%dma_start3A_161 : memref<125xi32, #tpu.memory_space<vmem>>) target_semaphore(%arg19 : memref<!tpu.dma_semaphore, #tpu.memory_space<semaphore_mem>>)
        } else {
        }
      }
      %scan3A_94 = arith.constant 80 : i32
      %dma_wait3A = arith.constant 1 : i32
      %dma_wait3A_95 = arith.constant 15 : i32
      %dma_wait3A_96 = arith.constant 0 : i32
      %dma_wait3A_97 = arith.constant 0 : i32
      %dma_wait3A_98 = tpu.memref_slice %arg16[%dma_wait3A, %dma_wait3A_96, %dma_wait3A_97] : memref<2x125x128xf32, #tpu.memory_space<vmem>> -> memref<1x125x128xf32, #tpu.memory_space<vmem>>
      %dma_wait3A_99 = tpu.memref_squeeze %dma_wait3A_98 : memref<1x125x128xf32, #tpu.memory_space<vmem>> -> memref<125x128xf32, #tpu.memory_space<vmem>>
      %dma_wait3A_100 = arith.constant 0 : i32
      %dma_wait3A_101 = tpu.memref_slice %arg14[%dma_wait3A_95, %dma_wait3A_100] : memref<16x125xi32, #tpu.memory_space<vmem>> -> memref<1x125xi32, #tpu.memory_space<vmem>>
      %dma_wait3A_102 = tpu.memref_squeeze %dma_wait3A_101 : memref<1x125xi32, #tpu.memory_space<vmem>> -> memref<125xi32, #tpu.memory_space<vmem>>
      %dma_wait3A_103 = arith.constant 0 : i32
      %dma_wait3A_104 = arith.constant 0 : i32
      %dma_wait3A_105 = tpu.memref_slice %arg17[%dma_wait3A_103, %dma_wait3A_104] : memref<10240x128xf32, #tpu.memory_space<vmem_shared>> -> memref<10240x128xf32, #tpu.memory_space<vmem_shared>>
      tpu.wait_indirect_dma semaphore(%arg20 : memref<!tpu.dma_semaphore, #tpu.memory_space<semaphore_mem>>) src(%dma_wait3A_99 : memref<125x128xf32, #tpu.memory_space<vmem>>) dst(%dma_wait3A_105 : memref<10240x128xf32, #tpu.memory_space<vmem_shared>>)
    } else {
    }
    %barrier3A_30 = arith.constant 0 : index
    tpu.barrier barrier_id(%barrier3A_30)
    %eq3A_31 = arith.constant 0 : i32
    %eq3A_32 = arith.cmpi eq, %arg0, %eq3A_31 : i32
    %convert_element_type3A_33 = arith.extui %eq3A_32 : i1 to i32
    %cond3A_34 = arith.constant 0 : i32
    %cond3A_35 = arith.cmpi ne, %convert_element_type3A_33, %cond3A_34 : i32
    scf.if %cond3A_35 {
      "tpu.region"() ({
        %run_scoped3A_63 = tpu.sem_alloc : memref<!tpu.dma_semaphore, #tpu.memory_space<semaphore_mem>>
        %dma_start3A = arith.constant 0 : i32
        %dma_start3A_64 = tpu.memref_slice %arg10[%mul3A_0, %dma_start3A] : memref<10240x128xf32, #tpu.memory_space<hbm>> -> memref<640x128xf32, #tpu.memory_space<hbm>>
        %dma_start3A_65 = arith.constant 0 : i32
        %dma_start3A_66 = tpu.memref_slice %arg17[%mul3A_0, %dma_start3A_65] : memref<10240x128xf32, #tpu.memory_space<vmem_shared>> -> memref<640x128xf32, #tpu.memory_space<vmem_shared>>
        tpu.enqueue_dma source(%dma_start3A_66 : memref<640x128xf32, #tpu.memory_space<vmem_shared>>) target(%dma_start3A_64 : memref<640x128xf32, #tpu.memory_space<hbm>>) target_semaphore(%run_scoped3A_63 : memref<!tpu.dma_semaphore, #tpu.memory_space<semaphore_mem>>)
        %dma_wait3A = arith.constant 0 : i32
        %dma_wait3A_67 = tpu.memref_slice %arg10[%mul3A_0, %dma_wait3A] : memref<10240x128xf32, #tpu.memory_space<hbm>> -> memref<640x128xf32, #tpu.memory_space<hbm>>
        %dma_wait3A_68 = arith.constant 0 : i32
        %dma_wait3A_69 = tpu.memref_slice %arg17[%mul3A_0, %dma_wait3A_68] : memref<10240x128xf32, #tpu.memory_space<vmem_shared>> -> memref<640x128xf32, #tpu.memory_space<vmem_shared>>
        tpu.wait_dma2 semaphore(%run_scoped3A_63 : memref<!tpu.dma_semaphore, #tpu.memory_space<semaphore_mem>>) src(%dma_wait3A_69 : memref<640x128xf32, #tpu.memory_space<vmem_shared>>) dst(%dma_wait3A_67 : memref<640x128xf32, #tpu.memory_space<hbm>>)
        tpu.yield
      }) : () -> ()
    } else {
    }
    %eq3A_36 = arith.constant 1 : i32
    %eq3A_37 = arith.cmpi eq, %arg0, %eq3A_36 : i32
    %convert_element_type3A_38 = arith.extui %eq3A_37 : i1 to i32
    %cond3A_39 = arith.constant 0 : i32
    %cond3A_40 = arith.cmpi ne, %convert_element_type3A_38, %cond3A_39 : i32
    scf.if %cond3A_40 {
      "tpu.region"() ({
        %run_scoped3A_63 = tpu.sem_alloc : memref<!tpu.dma_semaphore, #tpu.memory_space<semaphore_mem>>
        %dma_start3A = arith.constant 0 : i32
        %dma_start3A_64 = tpu.memref_slice %arg11[%mul3A_0, %dma_start3A] : memref<10240x128xf32, #tpu.memory_space<hbm>> -> memref<640x128xf32, #tpu.memory_space<hbm>>
        %dma_start3A_65 = arith.constant 0 : i32
        %dma_start3A_66 = tpu.memref_slice %arg17[%mul3A_0, %dma_start3A_65] : memref<10240x128xf32, #tpu.memory_space<vmem_shared>> -> memref<640x128xf32, #tpu.memory_space<vmem_shared>>
        tpu.enqueue_dma source(%dma_start3A_66 : memref<640x128xf32, #tpu.memory_space<vmem_shared>>) target(%dma_start3A_64 : memref<640x128xf32, #tpu.memory_space<hbm>>) target_semaphore(%run_scoped3A_63 : memref<!tpu.dma_semaphore, #tpu.memory_space<semaphore_mem>>)
        %dma_wait3A = arith.constant 0 : i32
        %dma_wait3A_67 = tpu.memref_slice %arg11[%mul3A_0, %dma_wait3A] : memref<10240x128xf32, #tpu.memory_space<hbm>> -> memref<640x128xf32, #tpu.memory_space<hbm>>
        %dma_wait3A_68 = arith.constant 0 : i32
        %dma_wait3A_69 = tpu.memref_slice %arg17[%mul3A_0, %dma_wait3A_68] : memref<10240x128xf32, #tpu.memory_space<vmem_shared>> -> memref<640x128xf32, #tpu.memory_space<vmem_shared>>
        tpu.wait_dma2 semaphore(%run_scoped3A_63 : memref<!tpu.dma_semaphore, #tpu.memory_space<semaphore_mem>>) src(%dma_wait3A_69 : memref<640x128xf32, #tpu.memory_space<vmem_shared>>) dst(%dma_wait3A_67 : memref<640x128xf32, #tpu.memory_space<hbm>>)
        tpu.yield
      }) : () -> ()
    } else {
    }
    "tpu.region"() ({
      %run_scoped3A_63 = tpu.sem_alloc : memref<!tpu.dma_semaphore, #tpu.memory_space<semaphore_mem>>
      %dma_start3A = arith.constant 0 : i32
      %dma_start3A_64 = tpu.memref_slice %arg17[%mul3A_0, %dma_start3A] : memref<10240x128xf32, #tpu.memory_space<vmem_shared>> -> memref<640x128xf32, #tpu.memory_space<vmem_shared>>
      tpu.enqueue_dma source(%arg6 : memref<640x128xf32, #tpu.memory_space<hbm>>) target(%dma_start3A_64 : memref<640x128xf32, #tpu.memory_space<vmem_shared>>) target_semaphore(%run_scoped3A_63 : memref<!tpu.dma_semaphore, #tpu.memory_space<semaphore_mem>>)
      %dma_wait3A = arith.constant 0 : i32
      %dma_wait3A_65 = tpu.memref_slice %arg17[%mul3A_0, %dma_wait3A] : memref<10240x128xf32, #tpu.memory_space<vmem_shared>> -> memref<640x128xf32, #tpu.memory_space<vmem_shared>>
      tpu.wait_dma2 semaphore(%run_scoped3A_63 : memref<!tpu.dma_semaphore, #tpu.memory_space<semaphore_mem>>) src(%arg6 : memref<640x128xf32, #tpu.memory_space<hbm>>) dst(%dma_wait3A_65 : memref<640x128xf32, #tpu.memory_space<vmem_shared>>)
      tpu.yield
    }) : () -> ()
    %run_scoped3A = arith.constant 0 : i32
    "tpu.region"() ({
      %run_scoped3A_63 = tpu.sem_alloc : memref<!tpu.dma_semaphore, #tpu.memory_space<semaphore_mem>>
      %dma_start3A = arith.constant 0 : i32
      %dma_start3A_64 = arith.constant 0 : i32
      %dma_start3A_65 = tpu.memref_slice %arg16[%run_scoped3A, %dma_start3A, %dma_start3A_64] : memref<2x125x128xf32, #tpu.memory_space<vmem>> -> memref<1x125x128xf32, #tpu.memory_space<vmem>>
      %dma_start3A_66 = tpu.memref_squeeze %dma_start3A_65 : memref<1x125x128xf32, #tpu.memory_space<vmem>> -> memref<125x128xf32, #tpu.memory_space<vmem>>
      %dma_start3A_67 = arith.constant 0 : i32
      %dma_start3A_68 = arith.constant 0 : i32
      %dma_start3A_69 = tpu.memref_slice %arg16[%run_scoped3A, %dma_start3A_67, %dma_start3A_68] : memref<2x125x128xf32, #tpu.memory_space<vmem>> -> memref<1x125x128xf32, #tpu.memory_space<vmem>>
      %dma_start3A_70 = tpu.memref_squeeze %dma_start3A_69 : memref<1x125x128xf32, #tpu.memory_space<vmem>> -> memref<125x128xf32, #tpu.memory_space<vmem>>
      tpu.enqueue_dma source(%arg7 : memref<125x128xf32, #tpu.memory_space<hbm>>) target(%dma_start3A_70 : memref<125x128xf32, #tpu.memory_space<vmem>>) target_semaphore(%run_scoped3A_63 : memref<!tpu.dma_semaphore, #tpu.memory_space<semaphore_mem>>)
      %dma_wait3A = arith.constant 0 : i32
      %dma_wait3A_71 = arith.constant 0 : i32
      %dma_wait3A_72 = tpu.memref_slice %arg16[%run_scoped3A, %dma_wait3A, %dma_wait3A_71] : memref<2x125x128xf32, #tpu.memory_space<vmem>> -> memref<1x125x128xf32, #tpu.memory_space<vmem>>
      %dma_wait3A_73 = tpu.memref_squeeze %dma_wait3A_72 : memref<1x125x128xf32, #tpu.memory_space<vmem>> -> memref<125x128xf32, #tpu.memory_space<vmem>>
      %dma_wait3A_74 = arith.constant 0 : i32
      %dma_wait3A_75 = arith.constant 0 : i32
      %dma_wait3A_76 = tpu.memref_slice %arg16[%run_scoped3A, %dma_wait3A_74, %dma_wait3A_75] : memref<2x125x128xf32, #tpu.memory_space<vmem>> -> memref<1x125x128xf32, #tpu.memory_space<vmem>>
      %dma_wait3A_77 = tpu.memref_squeeze %dma_wait3A_76 : memref<1x125x128xf32, #tpu.memory_space<vmem>> -> memref<125x128xf32, #tpu.memory_space<vmem>>
      tpu.wait_dma2 semaphore(%run_scoped3A_63 : memref<!tpu.dma_semaphore, #tpu.memory_space<semaphore_mem>>) src(%arg7 : memref<125x128xf32, #tpu.memory_space<hbm>>) dst(%dma_wait3A_77 : memref<125x128xf32, #tpu.memory_space<vmem>>)
      tpu.yield
    }) : () -> ()
    %barrier3A_41 = arith.constant 0 : index
    tpu.barrier barrier_id(%barrier3A_41)
    %eq3A_42 = arith.constant 0 : i32
    %eq3A_43 = arith.cmpi eq, %arg0, %eq3A_42 : i32
    %convert_element_type3A_44 = arith.extui %eq3A_43 : i1 to i32
    %cond3A_45 = arith.constant 0 : i32
    %cond3A_46 = arith.cmpi ne, %convert_element_type3A_44, %cond3A_45 : i32
    scf.if %cond3A_46 {
      %scan3A = arith.constant 0 : i32
      %scan3A_63 = arith.constant 0 : i32
      %scan3A_64 = arith.constant 0 : i32
      %scan3A_65 = arith.constant 5 : i32
      %scan3A_66 = arith.addi %scan3A_64, %scan3A_65 : i32
      %scan3A_67 = arith.constant 1 : i32
      scf.for %scan3A_69 = %scan3A_64 to %scan3A_66 step %scan3A_67  : i32 {
        %mul3A_70 = arith.constant 16 : i32
        %mul3A_71 = arith.muli %scan3A_69, %mul3A_70 : i32
        %multiple_of3A = tpu.assume_multiple %mul3A_71, 16 : i32
        "tpu.region"() ({
          %run_scoped3A_422 = tpu.sem_alloc : memref<!tpu.dma_semaphore, #tpu.memory_space<semaphore_mem>>
          %dma_start3A_423 = arith.constant 0 : i32
          %dma_start3A_424 = tpu.memref_slice %arg3[%arg1, %multiple_of3A, %dma_start3A_423] : memref<16x80x125xi32, #tpu.memory_space<hbm>> -> memref<1x16x125xi32, #tpu.memory_space<hbm>>
          %dma_start3A_425 = tpu.memref_squeeze %dma_start3A_424 : memref<1x16x125xi32, #tpu.memory_space<hbm>> -> memref<16x125xi32, #tpu.memory_space<hbm>>
          %dma_start3A_426 = arith.constant 0 : i32
          %dma_start3A_427 = tpu.memref_slice %arg3[%arg1, %multiple_of3A, %dma_start3A_426] : memref<16x80x125xi32, #tpu.memory_space<hbm>> -> memref<1x16x125xi32, #tpu.memory_space<hbm>>
          %dma_start3A_428 = tpu.memref_squeeze %dma_start3A_427 : memref<1x16x125xi32, #tpu.memory_space<hbm>> -> memref<16x125xi32, #tpu.memory_space<hbm>>
          tpu.enqueue_dma source(%dma_start3A_428 : memref<16x125xi32, #tpu.memory_space<hbm>>) target(%arg14 : memref<16x125xi32, #tpu.memory_space<vmem>>) target_semaphore(%run_scoped3A_422 : memref<!tpu.dma_semaphore, #tpu.memory_space<semaphore_mem>>)
          %dma_wait3A_429 = arith.constant 0 : i32
          %dma_wait3A_430 = tpu.memref_slice %arg3[%arg1, %multiple_of3A, %dma_wait3A_429] : memref<16x80x125xi32, #tpu.memory_space<hbm>> -> memref<1x16x125xi32, #tpu.memory_space<hbm>>
          %dma_wait3A_431 = tpu.memref_squeeze %dma_wait3A_430 : memref<1x16x125xi32, #tpu.memory_space<hbm>> -> memref<16x125xi32, #tpu.memory_space<hbm>>
          %dma_wait3A_432 = arith.constant 0 : i32
          %dma_wait3A_433 = tpu.memref_slice %arg3[%arg1, %multiple_of3A, %dma_wait3A_432] : memref<16x80x125xi32, #tpu.memory_space<hbm>> -> memref<1x16x125xi32, #tpu.memory_space<hbm>>
          %dma_wait3A_434 = tpu.memref_squeeze %dma_wait3A_433 : memref<1x16x125xi32, #tpu.memory_space<hbm>> -> memref<16x125xi32, #tpu.memory_space<hbm>>
          tpu.wait_dma2 semaphore(%run_scoped3A_422 : memref<!tpu.dma_semaphore, #tpu.memory_space<semaphore_mem>>) src(%dma_wait3A_434 : memref<16x125xi32, #tpu.memory_space<hbm>>) dst(%arg14 : memref<16x125xi32, #tpu.memory_space<vmem>>)
          tpu.yield
        }) : () -> ()
        %dma_start3A = arith.constant 0 : i32
        %dma_start3A_72 = arith.constant 0 : i32
        %dma_start3A_73 = arith.constant 0 : i32
        %dma_start3A_74 = tpu.memref_slice %arg16[%scan3A_63, %dma_start3A_72, %dma_start3A_73] : memref<2x125x128xf32, #tpu.memory_space<vmem>> -> memref<1x125x128xf32, #tpu.memory_space<vmem>>
        %dma_start3A_75 = tpu.memref_squeeze %dma_start3A_74 : memref<1x125x128xf32, #tpu.memory_space<vmem>> -> memref<125x128xf32, #tpu.memory_space<vmem>>
        %dma_start3A_76 = arith.constant 0 : i32
        %dma_start3A_77 = tpu.memref_slice %arg14[%dma_start3A, %dma_start3A_76] : memref<16x125xi32, #tpu.memory_space<vmem>> -> memref<1x125xi32, #tpu.memory_space<vmem>>
        %dma_start3A_78 = tpu.memref_squeeze %dma_start3A_77 : memref<1x125xi32, #tpu.memory_space<vmem>> -> memref<125xi32, #tpu.memory_space<vmem>>
        %dma_start3A_79 = arith.constant 0 : i32
        %dma_start3A_80 = arith.constant 0 : i32
        %dma_start3A_81 = tpu.memref_slice %arg17[%dma_start3A_79, %dma_start3A_80] : memref<10240x128xf32, #tpu.memory_space<vmem_shared>> -> memref<10240x128xf32, #tpu.memory_space<vmem_shared>>
        tpu.enqueue_indirect_dma source(%dma_start3A_75 : memref<125x128xf32, #tpu.memory_space<vmem>>) target(%dma_start3A_81 : memref<10240x128xf32, #tpu.memory_space<vmem_shared>>) offsets(%dma_start3A_78 : memref<125xi32, #tpu.memory_space<vmem>>) semaphore(%arg19 : memref<!tpu.dma_semaphore, #tpu.memory_space<semaphore_mem>>) {add = true}
        %dma_start3A_82 = arith.constant 1 : i32
        %dma_start3A_83 = arith.constant 0 : i32
        %dma_start3A_84 = arith.constant 0 : i32
        %dma_start3A_85 = tpu.memref_slice %arg16[%scan3A_63, %dma_start3A_83, %dma_start3A_84] : memref<2x125x128xf32, #tpu.memory_space<vmem>> -> memref<1x125x128xf32, #tpu.memory_space<vmem>>
        %dma_start3A_86 = tpu.memref_squeeze %dma_start3A_85 : memref<1x125x128xf32, #tpu.memory_space<vmem>> -> memref<125x128xf32, #tpu.memory_space<vmem>>
        %dma_start3A_87 = arith.constant 0 : i32
        %dma_start3A_88 = tpu.memref_slice %arg14[%dma_start3A_82, %dma_start3A_87] : memref<16x125xi32, #tpu.memory_space<vmem>> -> memref<1x125xi32, #tpu.memory_space<vmem>>
        %dma_start3A_89 = tpu.memref_squeeze %dma_start3A_88 : memref<1x125xi32, #tpu.memory_space<vmem>> -> memref<125xi32, #tpu.memory_space<vmem>>
        %dma_start3A_90 = arith.constant 0 : i32
        %dma_start3A_91 = arith.constant 0 : i32
        %dma_start3A_92 = tpu.memref_slice %arg17[%dma_start3A_90, %dma_start3A_91] : memref<10240x128xf32, #tpu.memory_space<vmem_shared>> -> memref<10240x128xf32, #tpu.memory_space<vmem_shared>>
        tpu.enqueue_indirect_dma source(%dma_start3A_86 : memref<125x128xf32, #tpu.memory_space<vmem>>) target(%dma_start3A_92 : memref<10240x128xf32, #tpu.memory_space<vmem_shared>>) offsets(%dma_start3A_89 : memref<125xi32, #tpu.memory_space<vmem>>) semaphore(%arg19 : memref<!tpu.dma_semaphore, #tpu.memory_space<semaphore_mem>>) {add = true}
        %dma_start3A_93 = arith.constant 2 : i32
        %dma_start3A_94 = arith.constant 0 : i32
        %dma_start3A_95 = arith.constant 0 : i32
        %dma_start3A_96 = tpu.memref_slice %arg16[%scan3A_63, %dma_start3A_94, %dma_start3A_95] : memref<2x125x128xf32, #tpu.memory_space<vmem>> -> memref<1x125x128xf32, #tpu.memory_space<vmem>>
        %dma_start3A_97 = tpu.memref_squeeze %dma_start3A_96 : memref<1x125x128xf32, #tpu.memory_space<vmem>> -> memref<125x128xf32, #tpu.memory_space<vmem>>
        %dma_start3A_98 = arith.constant 0 : i32
        %dma_start3A_99 = tpu.memref_slice %arg14[%dma_start3A_93, %dma_start3A_98] : memref<16x125xi32, #tpu.memory_space<vmem>> -> memref<1x125xi32, #tpu.memory_space<vmem>>
        %dma_start3A_100 = tpu.memref_squeeze %dma_start3A_99 : memref<1x125xi32, #tpu.memory_space<vmem>> -> memref<125xi32, #tpu.memory_space<vmem>>
        %dma_start3A_101 = arith.constant 0 : i32
        %dma_start3A_102 = arith.constant 0 : i32
        %dma_start3A_103 = tpu.memref_slice %arg17[%dma_start3A_101, %dma_start3A_102] : memref<10240x128xf32, #tpu.memory_space<vmem_shared>> -> memref<10240x128xf32, #tpu.memory_space<vmem_shared>>
        tpu.enqueue_indirect_dma source(%dma_start3A_97 : memref<125x128xf32, #tpu.memory_space<vmem>>) target(%dma_start3A_103 : memref<10240x128xf32, #tpu.memory_space<vmem_shared>>) offsets(%dma_start3A_100 : memref<125xi32, #tpu.memory_space<vmem>>) semaphore(%arg19 : memref<!tpu.dma_semaphore, #tpu.memory_space<semaphore_mem>>) {add = true}
        %dma_start3A_104 = arith.constant 3 : i32
        %dma_start3A_105 = arith.constant 0 : i32
        %dma_start3A_106 = arith.constant 0 : i32
        %dma_start3A_107 = tpu.memref_slice %arg16[%scan3A_63, %dma_start3A_105, %dma_start3A_106] : memref<2x125x128xf32, #tpu.memory_space<vmem>> -> memref<1x125x128xf32, #tpu.memory_space<vmem>>
        %dma_start3A_108 = tpu.memref_squeeze %dma_start3A_107 : memref<1x125x128xf32, #tpu.memory_space<vmem>> -> memref<125x128xf32, #tpu.memory_space<vmem>>
        %dma_start3A_109 = arith.constant 0 : i32
        %dma_start3A_110 = tpu.memref_slice %arg14[%dma_start3A_104, %dma_start3A_109] : memref<16x125xi32, #tpu.memory_space<vmem>> -> memref<1x125xi32, #tpu.memory_space<vmem>>
        %dma_start3A_111 = tpu.memref_squeeze %dma_start3A_110 : memref<1x125xi32, #tpu.memory_space<vmem>> -> memref<125xi32, #tpu.memory_space<vmem>>
        %dma_start3A_112 = arith.constant 0 : i32
        %dma_start3A_113 = arith.constant 0 : i32
        %dma_start3A_114 = tpu.memref_slice %arg17[%dma_start3A_112, %dma_start3A_113] : memref<10240x128xf32, #tpu.memory_space<vmem_shared>> -> memref<10240x128xf32, #tpu.memory_space<vmem_shared>>
        tpu.enqueue_indirect_dma source(%dma_start3A_108 : memref<125x128xf32, #tpu.memory_space<vmem>>) target(%dma_start3A_114 : memref<10240x128xf32, #tpu.memory_space<vmem_shared>>) offsets(%dma_start3A_111 : memref<125xi32, #tpu.memory_space<vmem>>) semaphore(%arg19 : memref<!tpu.dma_semaphore, #tpu.memory_space<semaphore_mem>>) {add = true}
        %dma_start3A_115 = arith.constant 4 : i32
        %dma_start3A_116 = arith.constant 0 : i32
        %dma_start3A_117 = arith.constant 0 : i32
        %dma_start3A_118 = tpu.memref_slice %arg16[%scan3A_63, %dma_start3A_116, %dma_start3A_117] : memref<2x125x128xf32, #tpu.memory_space<vmem>> -> memref<1x125x128xf32, #tpu.memory_space<vmem>>
        %dma_start3A_119 = tpu.memref_squeeze %dma_start3A_118 : memref<1x125x128xf32, #tpu.memory_space<vmem>> -> memref<125x128xf32, #tpu.memory_space<vmem>>
        %dma_start3A_120 = arith.constant 0 : i32
        %dma_start3A_121 = tpu.memref_slice %arg14[%dma_start3A_115, %dma_start3A_120] : memref<16x125xi32, #tpu.memory_space<vmem>> -> memref<1x125xi32, #tpu.memory_space<vmem>>
        %dma_start3A_122 = tpu.memref_squeeze %dma_start3A_121 : memref<1x125xi32, #tpu.memory_space<vmem>> -> memref<125xi32, #tpu.memory_space<vmem>>
        %dma_start3A_123 = arith.constant 0 : i32
        %dma_start3A_124 = arith.constant 0 : i32
        %dma_start3A_125 = tpu.memref_slice %arg17[%dma_start3A_123, %dma_start3A_124] : memref<10240x128xf32, #tpu.memory_space<vmem_shared>> -> memref<10240x128xf32, #tpu.memory_space<vmem_shared>>
        tpu.enqueue_indirect_dma source(%dma_start3A_119 : memref<125x128xf32, #tpu.memory_space<vmem>>) target(%dma_start3A_125 : memref<10240x128xf32, #tpu.memory_space<vmem_shared>>) offsets(%dma_start3A_122 : memref<125xi32, #tpu.memory_space<vmem>>) semaphore(%arg19 : memref<!tpu.dma_semaphore, #tpu.memory_space<semaphore_mem>>) {add = true}
        %dma_start3A_126 = arith.constant 5 : i32
        %dma_start3A_127 = arith.constant 0 : i32
        %dma_start3A_128 = arith.constant 0 : i32
        %dma_start3A_129 = tpu.memref_slice %arg16[%scan3A_63, %dma_start3A_127, %dma_start3A_128] : memref<2x125x128xf32, #tpu.memory_space<vmem>> -> memref<1x125x128xf32, #tpu.memory_space<vmem>>
        %dma_start3A_130 = tpu.memref_squeeze %dma_start3A_129 : memref<1x125x128xf32, #tpu.memory_space<vmem>> -> memref<125x128xf32, #tpu.memory_space<vmem>>
        %dma_start3A_131 = arith.constant 0 : i32
        %dma_start3A_132 = tpu.memref_slice %arg14[%dma_start3A_126, %dma_start3A_131] : memref<16x125xi32, #tpu.memory_space<vmem>> -> memref<1x125xi32, #tpu.memory_space<vmem>>
        %dma_start3A_133 = tpu.memref_squeeze %dma_start3A_132 : memref<1x125xi32, #tpu.memory_space<vmem>> -> memref<125xi32, #tpu.memory_space<vmem>>
        %dma_start3A_134 = arith.constant 0 : i32
        %dma_start3A_135 = arith.constant 0 : i32
        %dma_start3A_136 = tpu.memref_slice %arg17[%dma_start3A_134, %dma_start3A_135] : memref<10240x128xf32, #tpu.memory_space<vmem_shared>> -> memref<10240x128xf32, #tpu.memory_space<vmem_shared>>
        tpu.enqueue_indirect_dma source(%dma_start3A_130 : memref<125x128xf32, #tpu.memory_space<vmem>>) target(%dma_start3A_136 : memref<10240x128xf32, #tpu.memory_space<vmem_shared>>) offsets(%dma_start3A_133 : memref<125xi32, #tpu.memory_space<vmem>>) semaphore(%arg19 : memref<!tpu.dma_semaphore, #tpu.memory_space<semaphore_mem>>) {add = true}
        %dma_start3A_137 = arith.constant 6 : i32
        %dma_start3A_138 = arith.constant 0 : i32
        %dma_start3A_139 = arith.constant 0 : i32
        %dma_start3A_140 = tpu.memref_slice %arg16[%scan3A_63, %dma_start3A_138, %dma_start3A_139] : memref<2x125x128xf32, #tpu.memory_space<vmem>> -> memref<1x125x128xf32, #tpu.memory_space<vmem>>
        %dma_start3A_141 = tpu.memref_squeeze %dma_start3A_140 : memref<1x125x128xf32, #tpu.memory_space<vmem>> -> memref<125x128xf32, #tpu.memory_space<vmem>>
        %dma_start3A_142 = arith.constant 0 : i32
        %dma_start3A_143 = tpu.memref_slice %arg14[%dma_start3A_137, %dma_start3A_142] : memref<16x125xi32, #tpu.memory_space<vmem>> -> memref<1x125xi32, #tpu.memory_space<vmem>>
        %dma_start3A_144 = tpu.memref_squeeze %dma_start3A_143 : memref<1x125xi32, #tpu.memory_space<vmem>> -> memref<125xi32, #tpu.memory_space<vmem>>
        %dma_start3A_145 = arith.constant 0 : i32
        %dma_start3A_146 = arith.constant 0 : i32
        %dma_start3A_147 = tpu.memref_slice %arg17[%dma_start3A_145, %dma_start3A_146] : memref<10240x128xf32, #tpu.memory_space<vmem_shared>> -> memref<10240x128xf32, #tpu.memory_space<vmem_shared>>
        tpu.enqueue_indirect_dma source(%dma_start3A_141 : memref<125x128xf32, #tpu.memory_space<vmem>>) target(%dma_start3A_147 : memref<10240x128xf32, #tpu.memory_space<vmem_shared>>) offsets(%dma_start3A_144 : memref<125xi32, #tpu.memory_space<vmem>>) semaphore(%arg19 : memref<!tpu.dma_semaphore, #tpu.memory_space<semaphore_mem>>) {add = true}
        %dma_start3A_148 = arith.constant 7 : i32
        %dma_start3A_149 = arith.constant 0 : i32
        %dma_start3A_150 = arith.constant 0 : i32
        %dma_start3A_151 = tpu.memref_slice %arg16[%scan3A_63, %dma_start3A_149, %dma_start3A_150] : memref<2x125x128xf32, #tpu.memory_space<vmem>> -> memref<1x125x128xf32, #tpu.memory_space<vmem>>
        %dma_start3A_152 = tpu.memref_squeeze %dma_start3A_151 : memref<1x125x128xf32, #tpu.memory_space<vmem>> -> memref<125x128xf32, #tpu.memory_space<vmem>>
        %dma_start3A_153 = arith.constant 0 : i32
        %dma_start3A_154 = tpu.memref_slice %arg14[%dma_start3A_148, %dma_start3A_153] : memref<16x125xi32, #tpu.memory_space<vmem>> -> memref<1x125xi32, #tpu.memory_space<vmem>>
        %dma_start3A_155 = tpu.memref_squeeze %dma_start3A_154 : memref<1x125xi32, #tpu.memory_space<vmem>> -> memref<125xi32, #tpu.memory_space<vmem>>
        %dma_start3A_156 = arith.constant 0 : i32
        %dma_start3A_157 = arith.constant 0 : i32
        %dma_start3A_158 = tpu.memref_slice %arg17[%dma_start3A_156, %dma_start3A_157] : memref<10240x128xf32, #tpu.memory_space<vmem_shared>> -> memref<10240x128xf32, #tpu.memory_space<vmem_shared>>
        tpu.enqueue_indirect_dma source(%dma_start3A_152 : memref<125x128xf32, #tpu.memory_space<vmem>>) target(%dma_start3A_158 : memref<10240x128xf32, #tpu.memory_space<vmem_shared>>) offsets(%dma_start3A_155 : memref<125xi32, #tpu.memory_space<vmem>>) semaphore(%arg19 : memref<!tpu.dma_semaphore, #tpu.memory_space<semaphore_mem>>) {add = true}
        %dma_start3A_159 = arith.constant 8 : i32
        %dma_start3A_160 = arith.constant 0 : i32
        %dma_start3A_161 = arith.constant 0 : i32
        %dma_start3A_162 = tpu.memref_slice %arg16[%scan3A_63, %dma_start3A_160, %dma_start3A_161] : memref<2x125x128xf32, #tpu.memory_space<vmem>> -> memref<1x125x128xf32, #tpu.memory_space<vmem>>
        %dma_start3A_163 = tpu.memref_squeeze %dma_start3A_162 : memref<1x125x128xf32, #tpu.memory_space<vmem>> -> memref<125x128xf32, #tpu.memory_space<vmem>>
        %dma_start3A_164 = arith.constant 0 : i32
        %dma_start3A_165 = tpu.memref_slice %arg14[%dma_start3A_159, %dma_start3A_164] : memref<16x125xi32, #tpu.memory_space<vmem>> -> memref<1x125xi32, #tpu.memory_space<vmem>>
        %dma_start3A_166 = tpu.memref_squeeze %dma_start3A_165 : memref<1x125xi32, #tpu.memory_space<vmem>> -> memref<125xi32, #tpu.memory_space<vmem>>
        %dma_start3A_167 = arith.constant 0 : i32
        %dma_start3A_168 = arith.constant 0 : i32
        %dma_start3A_169 = tpu.memref_slice %arg17[%dma_start3A_167, %dma_start3A_168] : memref<10240x128xf32, #tpu.memory_space<vmem_shared>> -> memref<10240x128xf32, #tpu.memory_space<vmem_shared>>
        tpu.enqueue_indirect_dma source(%dma_start3A_163 : memref<125x128xf32, #tpu.memory_space<vmem>>) target(%dma_start3A_169 : memref<10240x128xf32, #tpu.memory_space<vmem_shared>>) offsets(%dma_start3A_166 : memref<125xi32, #tpu.memory_space<vmem>>) semaphore(%arg19 : memref<!tpu.dma_semaphore, #tpu.memory_space<semaphore_mem>>) {add = true}
        %dma_start3A_170 = arith.constant 9 : i32
        %dma_start3A_171 = arith.constant 0 : i32
        %dma_start3A_172 = arith.constant 0 : i32
        %dma_start3A_173 = tpu.memref_slice %arg16[%scan3A_63, %dma_start3A_171, %dma_start3A_172] : memref<2x125x128xf32, #tpu.memory_space<vmem>> -> memref<1x125x128xf32, #tpu.memory_space<vmem>>
        %dma_start3A_174 = tpu.memref_squeeze %dma_start3A_173 : memref<1x125x128xf32, #tpu.memory_space<vmem>> -> memref<125x128xf32, #tpu.memory_space<vmem>>
        %dma_start3A_175 = arith.constant 0 : i32
        %dma_start3A_176 = tpu.memref_slice %arg14[%dma_start3A_170, %dma_start3A_175] : memref<16x125xi32, #tpu.memory_space<vmem>> -> memref<1x125xi32, #tpu.memory_space<vmem>>
        %dma_start3A_177 = tpu.memref_squeeze %dma_start3A_176 : memref<1x125xi32, #tpu.memory_space<vmem>> -> memref<125xi32, #tpu.memory_space<vmem>>
        %dma_start3A_178 = arith.constant 0 : i32
        %dma_start3A_179 = arith.constant 0 : i32
        %dma_start3A_180 = tpu.memref_slice %arg17[%dma_start3A_178, %dma_start3A_179] : memref<10240x128xf32, #tpu.memory_space<vmem_shared>> -> memref<10240x128xf32, #tpu.memory_space<vmem_shared>>
        tpu.enqueue_indirect_dma source(%dma_start3A_174 : memref<125x128xf32, #tpu.memory_space<vmem>>) target(%dma_start3A_180 : memref<10240x128xf32, #tpu.memory_space<vmem_shared>>) offsets(%dma_start3A_177 : memref<125xi32, #tpu.memory_space<vmem>>) semaphore(%arg19 : memref<!tpu.dma_semaphore, #tpu.memory_space<semaphore_mem>>) {add = true}
        %dma_start3A_181 = arith.constant 10 : i32
        %dma_start3A_182 = arith.constant 0 : i32
        %dma_start3A_183 = arith.constant 0 : i32
        %dma_start3A_184 = tpu.memref_slice %arg16[%scan3A_63, %dma_start3A_182, %dma_start3A_183] : memref<2x125x128xf32, #tpu.memory_space<vmem>> -> memref<1x125x128xf32, #tpu.memory_space<vmem>>
        %dma_start3A_185 = tpu.memref_squeeze %dma_start3A_184 : memref<1x125x128xf32, #tpu.memory_space<vmem>> -> memref<125x128xf32, #tpu.memory_space<vmem>>
        %dma_start3A_186 = arith.constant 0 : i32
        %dma_start3A_187 = tpu.memref_slice %arg14[%dma_start3A_181, %dma_start3A_186] : memref<16x125xi32, #tpu.memory_space<vmem>> -> memref<1x125xi32, #tpu.memory_space<vmem>>
        %dma_start3A_188 = tpu.memref_squeeze %dma_start3A_187 : memref<1x125xi32, #tpu.memory_space<vmem>> -> memref<125xi32, #tpu.memory_space<vmem>>
        %dma_start3A_189 = arith.constant 0 : i32
        %dma_start3A_190 = arith.constant 0 : i32
        %dma_start3A_191 = tpu.memref_slice %arg17[%dma_start3A_189, %dma_start3A_190] : memref<10240x128xf32, #tpu.memory_space<vmem_shared>> -> memref<10240x128xf32, #tpu.memory_space<vmem_shared>>
        tpu.enqueue_indirect_dma source(%dma_start3A_185 : memref<125x128xf32, #tpu.memory_space<vmem>>) target(%dma_start3A_191 : memref<10240x128xf32, #tpu.memory_space<vmem_shared>>) offsets(%dma_start3A_188 : memref<125xi32, #tpu.memory_space<vmem>>) semaphore(%arg19 : memref<!tpu.dma_semaphore, #tpu.memory_space<semaphore_mem>>) {add = true}
        %dma_start3A_192 = arith.constant 11 : i32
        %dma_start3A_193 = arith.constant 0 : i32
        %dma_start3A_194 = arith.constant 0 : i32
        %dma_start3A_195 = tpu.memref_slice %arg16[%scan3A_63, %dma_start3A_193, %dma_start3A_194] : memref<2x125x128xf32, #tpu.memory_space<vmem>> -> memref<1x125x128xf32, #tpu.memory_space<vmem>>
        %dma_start3A_196 = tpu.memref_squeeze %dma_start3A_195 : memref<1x125x128xf32, #tpu.memory_space<vmem>> -> memref<125x128xf32, #tpu.memory_space<vmem>>
        %dma_start3A_197 = arith.constant 0 : i32
        %dma_start3A_198 = tpu.memref_slice %arg14[%dma_start3A_192, %dma_start3A_197] : memref<16x125xi32, #tpu.memory_space<vmem>> -> memref<1x125xi32, #tpu.memory_space<vmem>>
        %dma_start3A_199 = tpu.memref_squeeze %dma_start3A_198 : memref<1x125xi32, #tpu.memory_space<vmem>> -> memref<125xi32, #tpu.memory_space<vmem>>
        %dma_start3A_200 = arith.constant 0 : i32
        %dma_start3A_201 = arith.constant 0 : i32
        %dma_start3A_202 = tpu.memref_slice %arg17[%dma_start3A_200, %dma_start3A_201] : memref<10240x128xf32, #tpu.memory_space<vmem_shared>> -> memref<10240x128xf32, #tpu.memory_space<vmem_shared>>
        tpu.enqueue_indirect_dma source(%dma_start3A_196 : memref<125x128xf32, #tpu.memory_space<vmem>>) target(%dma_start3A_202 : memref<10240x128xf32, #tpu.memory_space<vmem_shared>>) offsets(%dma_start3A_199 : memref<125xi32, #tpu.memory_space<vmem>>) semaphore(%arg19 : memref<!tpu.dma_semaphore, #tpu.memory_space<semaphore_mem>>) {add = true}
        %dma_start3A_203 = arith.constant 12 : i32
        %dma_start3A_204 = arith.constant 0 : i32
        %dma_start3A_205 = arith.constant 0 : i32
        %dma_start3A_206 = tpu.memref_slice %arg16[%scan3A_63, %dma_start3A_204, %dma_start3A_205] : memref<2x125x128xf32, #tpu.memory_space<vmem>> -> memref<1x125x128xf32, #tpu.memory_space<vmem>>
        %dma_start3A_207 = tpu.memref_squeeze %dma_start3A_206 : memref<1x125x128xf32, #tpu.memory_space<vmem>> -> memref<125x128xf32, #tpu.memory_space<vmem>>
        %dma_start3A_208 = arith.constant 0 : i32
        %dma_start3A_209 = tpu.memref_slice %arg14[%dma_start3A_203, %dma_start3A_208] : memref<16x125xi32, #tpu.memory_space<vmem>> -> memref<1x125xi32, #tpu.memory_space<vmem>>
        %dma_start3A_210 = tpu.memref_squeeze %dma_start3A_209 : memref<1x125xi32, #tpu.memory_space<vmem>> -> memref<125xi32, #tpu.memory_space<vmem>>
        %dma_start3A_211 = arith.constant 0 : i32
        %dma_start3A_212 = arith.constant 0 : i32
        %dma_start3A_213 = tpu.memref_slice %arg17[%dma_start3A_211, %dma_start3A_212] : memref<10240x128xf32, #tpu.memory_space<vmem_shared>> -> memref<10240x128xf32, #tpu.memory_space<vmem_shared>>
        tpu.enqueue_indirect_dma source(%dma_start3A_207 : memref<125x128xf32, #tpu.memory_space<vmem>>) target(%dma_start3A_213 : memref<10240x128xf32, #tpu.memory_space<vmem_shared>>) offsets(%dma_start3A_210 : memref<125xi32, #tpu.memory_space<vmem>>) semaphore(%arg19 : memref<!tpu.dma_semaphore, #tpu.memory_space<semaphore_mem>>) {add = true}
        %dma_start3A_214 = arith.constant 13 : i32
        %dma_start3A_215 = arith.constant 0 : i32
        %dma_start3A_216 = arith.constant 0 : i32
        %dma_start3A_217 = tpu.memref_slice %arg16[%scan3A_63, %dma_start3A_215, %dma_start3A_216] : memref<2x125x128xf32, #tpu.memory_space<vmem>> -> memref<1x125x128xf32, #tpu.memory_space<vmem>>
        %dma_start3A_218 = tpu.memref_squeeze %dma_start3A_217 : memref<1x125x128xf32, #tpu.memory_space<vmem>> -> memref<125x128xf32, #tpu.memory_space<vmem>>
        %dma_start3A_219 = arith.constant 0 : i32
        %dma_start3A_220 = tpu.memref_slice %arg14[%dma_start3A_214, %dma_start3A_219] : memref<16x125xi32, #tpu.memory_space<vmem>> -> memref<1x125xi32, #tpu.memory_space<vmem>>
        %dma_start3A_221 = tpu.memref_squeeze %dma_start3A_220 : memref<1x125xi32, #tpu.memory_space<vmem>> -> memref<125xi32, #tpu.memory_space<vmem>>
        %dma_start3A_222 = arith.constant 0 : i32
        %dma_start3A_223 = arith.constant 0 : i32
        %dma_start3A_224 = tpu.memref_slice %arg17[%dma_start3A_222, %dma_start3A_223] : memref<10240x128xf32, #tpu.memory_space<vmem_shared>> -> memref<10240x128xf32, #tpu.memory_space<vmem_shared>>
        tpu.enqueue_indirect_dma source(%dma_start3A_218 : memref<125x128xf32, #tpu.memory_space<vmem>>) target(%dma_start3A_224 : memref<10240x128xf32, #tpu.memory_space<vmem_shared>>) offsets(%dma_start3A_221 : memref<125xi32, #tpu.memory_space<vmem>>) semaphore(%arg19 : memref<!tpu.dma_semaphore, #tpu.memory_space<semaphore_mem>>) {add = true}
        %dma_start3A_225 = arith.constant 14 : i32
        %dma_start3A_226 = arith.constant 0 : i32
        %dma_start3A_227 = arith.constant 0 : i32
        %dma_start3A_228 = tpu.memref_slice %arg16[%scan3A_63, %dma_start3A_226, %dma_start3A_227] : memref<2x125x128xf32, #tpu.memory_space<vmem>> -> memref<1x125x128xf32, #tpu.memory_space<vmem>>
        %dma_start3A_229 = tpu.memref_squeeze %dma_start3A_228 : memref<1x125x128xf32, #tpu.memory_space<vmem>> -> memref<125x128xf32, #tpu.memory_space<vmem>>
        %dma_start3A_230 = arith.constant 0 : i32
        %dma_start3A_231 = tpu.memref_slice %arg14[%dma_start3A_225, %dma_start3A_230] : memref<16x125xi32, #tpu.memory_space<vmem>> -> memref<1x125xi32, #tpu.memory_space<vmem>>
        %dma_start3A_232 = tpu.memref_squeeze %dma_start3A_231 : memref<1x125xi32, #tpu.memory_space<vmem>> -> memref<125xi32, #tpu.memory_space<vmem>>
        %dma_start3A_233 = arith.constant 0 : i32
        %dma_start3A_234 = arith.constant 0 : i32
        %dma_start3A_235 = tpu.memref_slice %arg17[%dma_start3A_233, %dma_start3A_234] : memref<10240x128xf32, #tpu.memory_space<vmem_shared>> -> memref<10240x128xf32, #tpu.memory_space<vmem_shared>>
        tpu.enqueue_indirect_dma source(%dma_start3A_229 : memref<125x128xf32, #tpu.memory_space<vmem>>) target(%dma_start3A_235 : memref<10240x128xf32, #tpu.memory_space<vmem_shared>>) offsets(%dma_start3A_232 : memref<125xi32, #tpu.memory_space<vmem>>) semaphore(%arg19 : memref<!tpu.dma_semaphore, #tpu.memory_space<semaphore_mem>>) {add = true}
        %dma_start3A_236 = arith.constant 15 : i32
        %dma_start3A_237 = arith.constant 0 : i32
        %dma_start3A_238 = arith.constant 0 : i32
        %dma_start3A_239 = tpu.memref_slice %arg16[%scan3A_63, %dma_start3A_237, %dma_start3A_238] : memref<2x125x128xf32, #tpu.memory_space<vmem>> -> memref<1x125x128xf32, #tpu.memory_space<vmem>>
        %dma_start3A_240 = tpu.memref_squeeze %dma_start3A_239 : memref<1x125x128xf32, #tpu.memory_space<vmem>> -> memref<125x128xf32, #tpu.memory_space<vmem>>
        %dma_start3A_241 = arith.constant 0 : i32
        %dma_start3A_242 = tpu.memref_slice %arg14[%dma_start3A_236, %dma_start3A_241] : memref<16x125xi32, #tpu.memory_space<vmem>> -> memref<1x125xi32, #tpu.memory_space<vmem>>
        %dma_start3A_243 = tpu.memref_squeeze %dma_start3A_242 : memref<1x125xi32, #tpu.memory_space<vmem>> -> memref<125xi32, #tpu.memory_space<vmem>>
        %dma_start3A_244 = arith.constant 0 : i32
        %dma_start3A_245 = arith.constant 0 : i32
        %dma_start3A_246 = tpu.memref_slice %arg17[%dma_start3A_244, %dma_start3A_245] : memref<10240x128xf32, #tpu.memory_space<vmem_shared>> -> memref<10240x128xf32, #tpu.memory_space<vmem_shared>>
        tpu.enqueue_indirect_dma source(%dma_start3A_240 : memref<125x128xf32, #tpu.memory_space<vmem>>) target(%dma_start3A_246 : memref<10240x128xf32, #tpu.memory_space<vmem_shared>>) offsets(%dma_start3A_243 : memref<125xi32, #tpu.memory_space<vmem>>) semaphore(%arg19 : memref<!tpu.dma_semaphore, #tpu.memory_space<semaphore_mem>>) {add = true}
        %dma_wait3A = arith.constant 0 : i32
        %dma_wait3A_247 = arith.constant 0 : i32
        %dma_wait3A_248 = arith.constant 0 : i32
        %dma_wait3A_249 = tpu.memref_slice %arg16[%scan3A_63, %dma_wait3A_247, %dma_wait3A_248] : memref<2x125x128xf32, #tpu.memory_space<vmem>> -> memref<1x125x128xf32, #tpu.memory_space<vmem>>
        %dma_wait3A_250 = tpu.memref_squeeze %dma_wait3A_249 : memref<1x125x128xf32, #tpu.memory_space<vmem>> -> memref<125x128xf32, #tpu.memory_space<vmem>>
        %dma_wait3A_251 = arith.constant 0 : i32
        %dma_wait3A_252 = tpu.memref_slice %arg14[%dma_wait3A, %dma_wait3A_251] : memref<16x125xi32, #tpu.memory_space<vmem>> -> memref<1x125xi32, #tpu.memory_space<vmem>>
        %dma_wait3A_253 = tpu.memref_squeeze %dma_wait3A_252 : memref<1x125xi32, #tpu.memory_space<vmem>> -> memref<125xi32, #tpu.memory_space<vmem>>
        %dma_wait3A_254 = arith.constant 0 : i32
        %dma_wait3A_255 = arith.constant 0 : i32
        %dma_wait3A_256 = tpu.memref_slice %arg17[%dma_wait3A_254, %dma_wait3A_255] : memref<10240x128xf32, #tpu.memory_space<vmem_shared>> -> memref<10240x128xf32, #tpu.memory_space<vmem_shared>>
        tpu.wait_indirect_dma semaphore(%arg19 : memref<!tpu.dma_semaphore, #tpu.memory_space<semaphore_mem>>) src(%dma_wait3A_250 : memref<125x128xf32, #tpu.memory_space<vmem>>) dst(%dma_wait3A_256 : memref<10240x128xf32, #tpu.memory_space<vmem_shared>>)
        %dma_wait3A_257 = arith.constant 1 : i32
        %dma_wait3A_258 = arith.constant 0 : i32
        %dma_wait3A_259 = arith.constant 0 : i32
        %dma_wait3A_260 = tpu.memref_slice %arg16[%scan3A_63, %dma_wait3A_258, %dma_wait3A_259] : memref<2x125x128xf32, #tpu.memory_space<vmem>> -> memref<1x125x128xf32, #tpu.memory_space<vmem>>
        %dma_wait3A_261 = tpu.memref_squeeze %dma_wait3A_260 : memref<1x125x128xf32, #tpu.memory_space<vmem>> -> memref<125x128xf32, #tpu.memory_space<vmem>>
        %dma_wait3A_262 = arith.constant 0 : i32
        %dma_wait3A_263 = tpu.memref_slice %arg14[%dma_wait3A_257, %dma_wait3A_262] : memref<16x125xi32, #tpu.memory_space<vmem>> -> memref<1x125xi32, #tpu.memory_space<vmem>>
        %dma_wait3A_264 = tpu.memref_squeeze %dma_wait3A_263 : memref<1x125xi32, #tpu.memory_space<vmem>> -> memref<125xi32, #tpu.memory_space<vmem>>
        %dma_wait3A_265 = arith.constant 0 : i32
        %dma_wait3A_266 = arith.constant 0 : i32
        %dma_wait3A_267 = tpu.memref_slice %arg17[%dma_wait3A_265, %dma_wait3A_266] : memref<10240x128xf32, #tpu.memory_space<vmem_shared>> -> memref<10240x128xf32, #tpu.memory_space<vmem_shared>>
        tpu.wait_indirect_dma semaphore(%arg19 : memref<!tpu.dma_semaphore, #tpu.memory_space<semaphore_mem>>) src(%dma_wait3A_261 : memref<125x128xf32, #tpu.memory_space<vmem>>) dst(%dma_wait3A_267 : memref<10240x128xf32, #tpu.memory_space<vmem_shared>>)
        %dma_wait3A_268 = arith.constant 2 : i32
        %dma_wait3A_269 = arith.constant 0 : i32
        %dma_wait3A_270 = arith.constant 0 : i32
        %dma_wait3A_271 = tpu.memref_slice %arg16[%scan3A_63, %dma_wait3A_269, %dma_wait3A_270] : memref<2x125x128xf32, #tpu.memory_space<vmem>> -> memref<1x125x128xf32, #tpu.memory_space<vmem>>
        %dma_wait3A_272 = tpu.memref_squeeze %dma_wait3A_271 : memref<1x125x128xf32, #tpu.memory_space<vmem>> -> memref<125x128xf32, #tpu.memory_space<vmem>>
        %dma_wait3A_273 = arith.constant 0 : i32
        %dma_wait3A_274 = tpu.memref_slice %arg14[%dma_wait3A_268, %dma_wait3A_273] : memref<16x125xi32, #tpu.memory_space<vmem>> -> memref<1x125xi32, #tpu.memory_space<vmem>>
        %dma_wait3A_275 = tpu.memref_squeeze %dma_wait3A_274 : memref<1x125xi32, #tpu.memory_space<vmem>> -> memref<125xi32, #tpu.memory_space<vmem>>
        %dma_wait3A_276 = arith.constant 0 : i32
        %dma_wait3A_277 = arith.constant 0 : i32
        %dma_wait3A_278 = tpu.memref_slice %arg17[%dma_wait3A_276, %dma_wait3A_277] : memref<10240x128xf32, #tpu.memory_space<vmem_shared>> -> memref<10240x128xf32, #tpu.memory_space<vmem_shared>>
        tpu.wait_indirect_dma semaphore(%arg19 : memref<!tpu.dma_semaphore, #tpu.memory_space<semaphore_mem>>) src(%dma_wait3A_272 : memref<125x128xf32, #tpu.memory_space<vmem>>) dst(%dma_wait3A_278 : memref<10240x128xf32, #tpu.memory_space<vmem_shared>>)
        %dma_wait3A_279 = arith.constant 3 : i32
        %dma_wait3A_280 = arith.constant 0 : i32
        %dma_wait3A_281 = arith.constant 0 : i32
        %dma_wait3A_282 = tpu.memref_slice %arg16[%scan3A_63, %dma_wait3A_280, %dma_wait3A_281] : memref<2x125x128xf32, #tpu.memory_space<vmem>> -> memref<1x125x128xf32, #tpu.memory_space<vmem>>
        %dma_wait3A_283 = tpu.memref_squeeze %dma_wait3A_282 : memref<1x125x128xf32, #tpu.memory_space<vmem>> -> memref<125x128xf32, #tpu.memory_space<vmem>>
        %dma_wait3A_284 = arith.constant 0 : i32
        %dma_wait3A_285 = tpu.memref_slice %arg14[%dma_wait3A_279, %dma_wait3A_284] : memref<16x125xi32, #tpu.memory_space<vmem>> -> memref<1x125xi32, #tpu.memory_space<vmem>>
        %dma_wait3A_286 = tpu.memref_squeeze %dma_wait3A_285 : memref<1x125xi32, #tpu.memory_space<vmem>> -> memref<125xi32, #tpu.memory_space<vmem>>
        %dma_wait3A_287 = arith.constant 0 : i32
        %dma_wait3A_288 = arith.constant 0 : i32
        %dma_wait3A_289 = tpu.memref_slice %arg17[%dma_wait3A_287, %dma_wait3A_288] : memref<10240x128xf32, #tpu.memory_space<vmem_shared>> -> memref<10240x128xf32, #tpu.memory_space<vmem_shared>>
        tpu.wait_indirect_dma semaphore(%arg19 : memref<!tpu.dma_semaphore, #tpu.memory_space<semaphore_mem>>) src(%dma_wait3A_283 : memref<125x128xf32, #tpu.memory_space<vmem>>) dst(%dma_wait3A_289 : memref<10240x128xf32, #tpu.memory_space<vmem_shared>>)
        %dma_wait3A_290 = arith.constant 4 : i32
        %dma_wait3A_291 = arith.constant 0 : i32
        %dma_wait3A_292 = arith.constant 0 : i32
        %dma_wait3A_293 = tpu.memref_slice %arg16[%scan3A_63, %dma_wait3A_291, %dma_wait3A_292] : memref<2x125x128xf32, #tpu.memory_space<vmem>> -> memref<1x125x128xf32, #tpu.memory_space<vmem>>
        %dma_wait3A_294 = tpu.memref_squeeze %dma_wait3A_293 : memref<1x125x128xf32, #tpu.memory_space<vmem>> -> memref<125x128xf32, #tpu.memory_space<vmem>>
        %dma_wait3A_295 = arith.constant 0 : i32
        %dma_wait3A_296 = tpu.memref_slice %arg14[%dma_wait3A_290, %dma_wait3A_295] : memref<16x125xi32, #tpu.memory_space<vmem>> -> memref<1x125xi32, #tpu.memory_space<vmem>>
        %dma_wait3A_297 = tpu.memref_squeeze %dma_wait3A_296 : memref<1x125xi32, #tpu.memory_space<vmem>> -> memref<125xi32, #tpu.memory_space<vmem>>
        %dma_wait3A_298 = arith.constant 0 : i32
        %dma_wait3A_299 = arith.constant 0 : i32
        %dma_wait3A_300 = tpu.memref_slice %arg17[%dma_wait3A_298, %dma_wait3A_299] : memref<10240x128xf32, #tpu.memory_space<vmem_shared>> -> memref<10240x128xf32, #tpu.memory_space<vmem_shared>>
        tpu.wait_indirect_dma semaphore(%arg19 : memref<!tpu.dma_semaphore, #tpu.memory_space<semaphore_mem>>) src(%dma_wait3A_294 : memref<125x128xf32, #tpu.memory_space<vmem>>) dst(%dma_wait3A_300 : memref<10240x128xf32, #tpu.memory_space<vmem_shared>>)
        %dma_wait3A_301 = arith.constant 5 : i32
        %dma_wait3A_302 = arith.constant 0 : i32
        %dma_wait3A_303 = arith.constant 0 : i32
        %dma_wait3A_304 = tpu.memref_slice %arg16[%scan3A_63, %dma_wait3A_302, %dma_wait3A_303] : memref<2x125x128xf32, #tpu.memory_space<vmem>> -> memref<1x125x128xf32, #tpu.memory_space<vmem>>
        %dma_wait3A_305 = tpu.memref_squeeze %dma_wait3A_304 : memref<1x125x128xf32, #tpu.memory_space<vmem>> -> memref<125x128xf32, #tpu.memory_space<vmem>>
        %dma_wait3A_306 = arith.constant 0 : i32
        %dma_wait3A_307 = tpu.memref_slice %arg14[%dma_wait3A_301, %dma_wait3A_306] : memref<16x125xi32, #tpu.memory_space<vmem>> -> memref<1x125xi32, #tpu.memory_space<vmem>>
        %dma_wait3A_308 = tpu.memref_squeeze %dma_wait3A_307 : memref<1x125xi32, #tpu.memory_space<vmem>> -> memref<125xi32, #tpu.memory_space<vmem>>
        %dma_wait3A_309 = arith.constant 0 : i32
        %dma_wait3A_310 = arith.constant 0 : i32
        %dma_wait3A_311 = tpu.memref_slice %arg17[%dma_wait3A_309, %dma_wait3A_310] : memref<10240x128xf32, #tpu.memory_space<vmem_shared>> -> memref<10240x128xf32, #tpu.memory_space<vmem_shared>>
        tpu.wait_indirect_dma semaphore(%arg19 : memref<!tpu.dma_semaphore, #tpu.memory_space<semaphore_mem>>) src(%dma_wait3A_305 : memref<125x128xf32, #tpu.memory_space<vmem>>) dst(%dma_wait3A_311 : memref<10240x128xf32, #tpu.memory_space<vmem_shared>>)
        %dma_wait3A_312 = arith.constant 6 : i32
        %dma_wait3A_313 = arith.constant 0 : i32
        %dma_wait3A_314 = arith.constant 0 : i32
        %dma_wait3A_315 = tpu.memref_slice %arg16[%scan3A_63, %dma_wait3A_313, %dma_wait3A_314] : memref<2x125x128xf32, #tpu.memory_space<vmem>> -> memref<1x125x128xf32, #tpu.memory_space<vmem>>
        %dma_wait3A_316 = tpu.memref_squeeze %dma_wait3A_315 : memref<1x125x128xf32, #tpu.memory_space<vmem>> -> memref<125x128xf32, #tpu.memory_space<vmem>>
        %dma_wait3A_317 = arith.constant 0 : i32
        %dma_wait3A_318 = tpu.memref_slice %arg14[%dma_wait3A_312, %dma_wait3A_317] : memref<16x125xi32, #tpu.memory_space<vmem>> -> memref<1x125xi32, #tpu.memory_space<vmem>>
        %dma_wait3A_319 = tpu.memref_squeeze %dma_wait3A_318 : memref<1x125xi32, #tpu.memory_space<vmem>> -> memref<125xi32, #tpu.memory_space<vmem>>
        %dma_wait3A_320 = arith.constant 0 : i32
        %dma_wait3A_321 = arith.constant 0 : i32
        %dma_wait3A_322 = tpu.memref_slice %arg17[%dma_wait3A_320, %dma_wait3A_321] : memref<10240x128xf32, #tpu.memory_space<vmem_shared>> -> memref<10240x128xf32, #tpu.memory_space<vmem_shared>>
        tpu.wait_indirect_dma semaphore(%arg19 : memref<!tpu.dma_semaphore, #tpu.memory_space<semaphore_mem>>) src(%dma_wait3A_316 : memref<125x128xf32, #tpu.memory_space<vmem>>) dst(%dma_wait3A_322 : memref<10240x128xf32, #tpu.memory_space<vmem_shared>>)
        %dma_wait3A_323 = arith.constant 7 : i32
        %dma_wait3A_324 = arith.constant 0 : i32
        %dma_wait3A_325 = arith.constant 0 : i32
        %dma_wait3A_326 = tpu.memref_slice %arg16[%scan3A_63, %dma_wait3A_324, %dma_wait3A_325] : memref<2x125x128xf32, #tpu.memory_space<vmem>> -> memref<1x125x128xf32, #tpu.memory_space<vmem>>
        %dma_wait3A_327 = tpu.memref_squeeze %dma_wait3A_326 : memref<1x125x128xf32, #tpu.memory_space<vmem>> -> memref<125x128xf32, #tpu.memory_space<vmem>>
        %dma_wait3A_328 = arith.constant 0 : i32
        %dma_wait3A_329 = tpu.memref_slice %arg14[%dma_wait3A_323, %dma_wait3A_328] : memref<16x125xi32, #tpu.memory_space<vmem>> -> memref<1x125xi32, #tpu.memory_space<vmem>>
        %dma_wait3A_330 = tpu.memref_squeeze %dma_wait3A_329 : memref<1x125xi32, #tpu.memory_space<vmem>> -> memref<125xi32, #tpu.memory_space<vmem>>
        %dma_wait3A_331 = arith.constant 0 : i32
        %dma_wait3A_332 = arith.constant 0 : i32
        %dma_wait3A_333 = tpu.memref_slice %arg17[%dma_wait3A_331, %dma_wait3A_332] : memref<10240x128xf32, #tpu.memory_space<vmem_shared>> -> memref<10240x128xf32, #tpu.memory_space<vmem_shared>>
        tpu.wait_indirect_dma semaphore(%arg19 : memref<!tpu.dma_semaphore, #tpu.memory_space<semaphore_mem>>) src(%dma_wait3A_327 : memref<125x128xf32, #tpu.memory_space<vmem>>) dst(%dma_wait3A_333 : memref<10240x128xf32, #tpu.memory_space<vmem_shared>>)
        %dma_wait3A_334 = arith.constant 8 : i32
        %dma_wait3A_335 = arith.constant 0 : i32
        %dma_wait3A_336 = arith.constant 0 : i32
        %dma_wait3A_337 = tpu.memref_slice %arg16[%scan3A_63, %dma_wait3A_335, %dma_wait3A_336] : memref<2x125x128xf32, #tpu.memory_space<vmem>> -> memref<1x125x128xf32, #tpu.memory_space<vmem>>
        %dma_wait3A_338 = tpu.memref_squeeze %dma_wait3A_337 : memref<1x125x128xf32, #tpu.memory_space<vmem>> -> memref<125x128xf32, #tpu.memory_space<vmem>>
        %dma_wait3A_339 = arith.constant 0 : i32
        %dma_wait3A_340 = tpu.memref_slice %arg14[%dma_wait3A_334, %dma_wait3A_339] : memref<16x125xi32, #tpu.memory_space<vmem>> -> memref<1x125xi32, #tpu.memory_space<vmem>>
        %dma_wait3A_341 = tpu.memref_squeeze %dma_wait3A_340 : memref<1x125xi32, #tpu.memory_space<vmem>> -> memref<125xi32, #tpu.memory_space<vmem>>
        %dma_wait3A_342 = arith.constant 0 : i32
        %dma_wait3A_343 = arith.constant 0 : i32
        %dma_wait3A_344 = tpu.memref_slice %arg17[%dma_wait3A_342, %dma_wait3A_343] : memref<10240x128xf32, #tpu.memory_space<vmem_shared>> -> memref<10240x128xf32, #tpu.memory_space<vmem_shared>>
        tpu.wait_indirect_dma semaphore(%arg19 : memref<!tpu.dma_semaphore, #tpu.memory_space<semaphore_mem>>) src(%dma_wait3A_338 : memref<125x128xf32, #tpu.memory_space<vmem>>) dst(%dma_wait3A_344 : memref<10240x128xf32, #tpu.memory_space<vmem_shared>>)
        %dma_wait3A_345 = arith.constant 9 : i32
        %dma_wait3A_346 = arith.constant 0 : i32
        %dma_wait3A_347 = arith.constant 0 : i32
        %dma_wait3A_348 = tpu.memref_slice %arg16[%scan3A_63, %dma_wait3A_346, %dma_wait3A_347] : memref<2x125x128xf32, #tpu.memory_space<vmem>> -> memref<1x125x128xf32, #tpu.memory_space<vmem>>
        %dma_wait3A_349 = tpu.memref_squeeze %dma_wait3A_348 : memref<1x125x128xf32, #tpu.memory_space<vmem>> -> memref<125x128xf32, #tpu.memory_space<vmem>>
        %dma_wait3A_350 = arith.constant 0 : i32
        %dma_wait3A_351 = tpu.memref_slice %arg14[%dma_wait3A_345, %dma_wait3A_350] : memref<16x125xi32, #tpu.memory_space<vmem>> -> memref<1x125xi32, #tpu.memory_space<vmem>>
        %dma_wait3A_352 = tpu.memref_squeeze %dma_wait3A_351 : memref<1x125xi32, #tpu.memory_space<vmem>> -> memref<125xi32, #tpu.memory_space<vmem>>
        %dma_wait3A_353 = arith.constant 0 : i32
        %dma_wait3A_354 = arith.constant 0 : i32
        %dma_wait3A_355 = tpu.memref_slice %arg17[%dma_wait3A_353, %dma_wait3A_354] : memref<10240x128xf32, #tpu.memory_space<vmem_shared>> -> memref<10240x128xf32, #tpu.memory_space<vmem_shared>>
        tpu.wait_indirect_dma semaphore(%arg19 : memref<!tpu.dma_semaphore, #tpu.memory_space<semaphore_mem>>) src(%dma_wait3A_349 : memref<125x128xf32, #tpu.memory_space<vmem>>) dst(%dma_wait3A_355 : memref<10240x128xf32, #tpu.memory_space<vmem_shared>>)
        %dma_wait3A_356 = arith.constant 10 : i32
        %dma_wait3A_357 = arith.constant 0 : i32
        %dma_wait3A_358 = arith.constant 0 : i32
        %dma_wait3A_359 = tpu.memref_slice %arg16[%scan3A_63, %dma_wait3A_357, %dma_wait3A_358] : memref<2x125x128xf32, #tpu.memory_space<vmem>> -> memref<1x125x128xf32, #tpu.memory_space<vmem>>
        %dma_wait3A_360 = tpu.memref_squeeze %dma_wait3A_359 : memref<1x125x128xf32, #tpu.memory_space<vmem>> -> memref<125x128xf32, #tpu.memory_space<vmem>>
        %dma_wait3A_361 = arith.constant 0 : i32
        %dma_wait3A_362 = tpu.memref_slice %arg14[%dma_wait3A_356, %dma_wait3A_361] : memref<16x125xi32, #tpu.memory_space<vmem>> -> memref<1x125xi32, #tpu.memory_space<vmem>>
        %dma_wait3A_363 = tpu.memref_squeeze %dma_wait3A_362 : memref<1x125xi32, #tpu.memory_space<vmem>> -> memref<125xi32, #tpu.memory_space<vmem>>
        %dma_wait3A_364 = arith.constant 0 : i32
        %dma_wait3A_365 = arith.constant 0 : i32
        %dma_wait3A_366 = tpu.memref_slice %arg17[%dma_wait3A_364, %dma_wait3A_365] : memref<10240x128xf32, #tpu.memory_space<vmem_shared>> -> memref<10240x128xf32, #tpu.memory_space<vmem_shared>>
        tpu.wait_indirect_dma semaphore(%arg19 : memref<!tpu.dma_semaphore, #tpu.memory_space<semaphore_mem>>) src(%dma_wait3A_360 : memref<125x128xf32, #tpu.memory_space<vmem>>) dst(%dma_wait3A_366 : memref<10240x128xf32, #tpu.memory_space<vmem_shared>>)
        %dma_wait3A_367 = arith.constant 11 : i32
        %dma_wait3A_368 = arith.constant 0 : i32
        %dma_wait3A_369 = arith.constant 0 : i32
        %dma_wait3A_370 = tpu.memref_slice %arg16[%scan3A_63, %dma_wait3A_368, %dma_wait3A_369] : memref<2x125x128xf32, #tpu.memory_space<vmem>> -> memref<1x125x128xf32, #tpu.memory_space<vmem>>
        %dma_wait3A_371 = tpu.memref_squeeze %dma_wait3A_370 : memref<1x125x128xf32, #tpu.memory_space<vmem>> -> memref<125x128xf32, #tpu.memory_space<vmem>>
        %dma_wait3A_372 = arith.constant 0 : i32
        %dma_wait3A_373 = tpu.memref_slice %arg14[%dma_wait3A_367, %dma_wait3A_372] : memref<16x125xi32, #tpu.memory_space<vmem>> -> memref<1x125xi32, #tpu.memory_space<vmem>>
        %dma_wait3A_374 = tpu.memref_squeeze %dma_wait3A_373 : memref<1x125xi32, #tpu.memory_space<vmem>> -> memref<125xi32, #tpu.memory_space<vmem>>
        %dma_wait3A_375 = arith.constant 0 : i32
        %dma_wait3A_376 = arith.constant 0 : i32
        %dma_wait3A_377 = tpu.memref_slice %arg17[%dma_wait3A_375, %dma_wait3A_376] : memref<10240x128xf32, #tpu.memory_space<vmem_shared>> -> memref<10240x128xf32, #tpu.memory_space<vmem_shared>>
        tpu.wait_indirect_dma semaphore(%arg19 : memref<!tpu.dma_semaphore, #tpu.memory_space<semaphore_mem>>) src(%dma_wait3A_371 : memref<125x128xf32, #tpu.memory_space<vmem>>) dst(%dma_wait3A_377 : memref<10240x128xf32, #tpu.memory_space<vmem_shared>>)
        %dma_wait3A_378 = arith.constant 12 : i32
        %dma_wait3A_379 = arith.constant 0 : i32
        %dma_wait3A_380 = arith.constant 0 : i32
        %dma_wait3A_381 = tpu.memref_slice %arg16[%scan3A_63, %dma_wait3A_379, %dma_wait3A_380] : memref<2x125x128xf32, #tpu.memory_space<vmem>> -> memref<1x125x128xf32, #tpu.memory_space<vmem>>
        %dma_wait3A_382 = tpu.memref_squeeze %dma_wait3A_381 : memref<1x125x128xf32, #tpu.memory_space<vmem>> -> memref<125x128xf32, #tpu.memory_space<vmem>>
        %dma_wait3A_383 = arith.constant 0 : i32
        %dma_wait3A_384 = tpu.memref_slice %arg14[%dma_wait3A_378, %dma_wait3A_383] : memref<16x125xi32, #tpu.memory_space<vmem>> -> memref<1x125xi32, #tpu.memory_space<vmem>>
        %dma_wait3A_385 = tpu.memref_squeeze %dma_wait3A_384 : memref<1x125xi32, #tpu.memory_space<vmem>> -> memref<125xi32, #tpu.memory_space<vmem>>
        %dma_wait3A_386 = arith.constant 0 : i32
        %dma_wait3A_387 = arith.constant 0 : i32
        %dma_wait3A_388 = tpu.memref_slice %arg17[%dma_wait3A_386, %dma_wait3A_387] : memref<10240x128xf32, #tpu.memory_space<vmem_shared>> -> memref<10240x128xf32, #tpu.memory_space<vmem_shared>>
        tpu.wait_indirect_dma semaphore(%arg19 : memref<!tpu.dma_semaphore, #tpu.memory_space<semaphore_mem>>) src(%dma_wait3A_382 : memref<125x128xf32, #tpu.memory_space<vmem>>) dst(%dma_wait3A_388 : memref<10240x128xf32, #tpu.memory_space<vmem_shared>>)
        %dma_wait3A_389 = arith.constant 13 : i32
        %dma_wait3A_390 = arith.constant 0 : i32
        %dma_wait3A_391 = arith.constant 0 : i32
        %dma_wait3A_392 = tpu.memref_slice %arg16[%scan3A_63, %dma_wait3A_390, %dma_wait3A_391] : memref<2x125x128xf32, #tpu.memory_space<vmem>> -> memref<1x125x128xf32, #tpu.memory_space<vmem>>
        %dma_wait3A_393 = tpu.memref_squeeze %dma_wait3A_392 : memref<1x125x128xf32, #tpu.memory_space<vmem>> -> memref<125x128xf32, #tpu.memory_space<vmem>>
        %dma_wait3A_394 = arith.constant 0 : i32
        %dma_wait3A_395 = tpu.memref_slice %arg14[%dma_wait3A_389, %dma_wait3A_394] : memref<16x125xi32, #tpu.memory_space<vmem>> -> memref<1x125xi32, #tpu.memory_space<vmem>>
        %dma_wait3A_396 = tpu.memref_squeeze %dma_wait3A_395 : memref<1x125xi32, #tpu.memory_space<vmem>> -> memref<125xi32, #tpu.memory_space<vmem>>
        %dma_wait3A_397 = arith.constant 0 : i32
        %dma_wait3A_398 = arith.constant 0 : i32
        %dma_wait3A_399 = tpu.memref_slice %arg17[%dma_wait3A_397, %dma_wait3A_398] : memref<10240x128xf32, #tpu.memory_space<vmem_shared>> -> memref<10240x128xf32, #tpu.memory_space<vmem_shared>>
        tpu.wait_indirect_dma semaphore(%arg19 : memref<!tpu.dma_semaphore, #tpu.memory_space<semaphore_mem>>) src(%dma_wait3A_393 : memref<125x128xf32, #tpu.memory_space<vmem>>) dst(%dma_wait3A_399 : memref<10240x128xf32, #tpu.memory_space<vmem_shared>>)
        %dma_wait3A_400 = arith.constant 14 : i32
        %dma_wait3A_401 = arith.constant 0 : i32
        %dma_wait3A_402 = arith.constant 0 : i32
        %dma_wait3A_403 = tpu.memref_slice %arg16[%scan3A_63, %dma_wait3A_401, %dma_wait3A_402] : memref<2x125x128xf32, #tpu.memory_space<vmem>> -> memref<1x125x128xf32, #tpu.memory_space<vmem>>
        %dma_wait3A_404 = tpu.memref_squeeze %dma_wait3A_403 : memref<1x125x128xf32, #tpu.memory_space<vmem>> -> memref<125x128xf32, #tpu.memory_space<vmem>>
        %dma_wait3A_405 = arith.constant 0 : i32
        %dma_wait3A_406 = tpu.memref_slice %arg14[%dma_wait3A_400, %dma_wait3A_405] : memref<16x125xi32, #tpu.memory_space<vmem>> -> memref<1x125xi32, #tpu.memory_space<vmem>>
        %dma_wait3A_407 = tpu.memref_squeeze %dma_wait3A_406 : memref<1x125xi32, #tpu.memory_space<vmem>> -> memref<125xi32, #tpu.memory_space<vmem>>
        %dma_wait3A_408 = arith.constant 0 : i32
        %dma_wait3A_409 = arith.constant 0 : i32
        %dma_wait3A_410 = tpu.memref_slice %arg17[%dma_wait3A_408, %dma_wait3A_409] : memref<10240x128xf32, #tpu.memory_space<vmem_shared>> -> memref<10240x128xf32, #tpu.memory_space<vmem_shared>>
        tpu.wait_indirect_dma semaphore(%arg19 : memref<!tpu.dma_semaphore, #tpu.memory_space<semaphore_mem>>) src(%dma_wait3A_404 : memref<125x128xf32, #tpu.memory_space<vmem>>) dst(%dma_wait3A_410 : memref<10240x128xf32, #tpu.memory_space<vmem_shared>>)
        %dma_wait3A_411 = arith.constant 15 : i32
        %dma_wait3A_412 = arith.constant 0 : i32
        %dma_wait3A_413 = arith.constant 0 : i32
        %dma_wait3A_414 = tpu.memref_slice %arg16[%scan3A_63, %dma_wait3A_412, %dma_wait3A_413] : memref<2x125x128xf32, #tpu.memory_space<vmem>> -> memref<1x125x128xf32, #tpu.memory_space<vmem>>
        %dma_wait3A_415 = tpu.memref_squeeze %dma_wait3A_414 : memref<1x125x128xf32, #tpu.memory_space<vmem>> -> memref<125x128xf32, #tpu.memory_space<vmem>>
        %dma_wait3A_416 = arith.constant 0 : i32
        %dma_wait3A_417 = tpu.memref_slice %arg14[%dma_wait3A_411, %dma_wait3A_416] : memref<16x125xi32, #tpu.memory_space<vmem>> -> memref<1x125xi32, #tpu.memory_space<vmem>>
        %dma_wait3A_418 = tpu.memref_squeeze %dma_wait3A_417 : memref<1x125xi32, #tpu.memory_space<vmem>> -> memref<125xi32, #tpu.memory_space<vmem>>
        %dma_wait3A_419 = arith.constant 0 : i32
        %dma_wait3A_420 = arith.constant 0 : i32
        %dma_wait3A_421 = tpu.memref_slice %arg17[%dma_wait3A_419, %dma_wait3A_420] : memref<10240x128xf32, #tpu.memory_space<vmem_shared>> -> memref<10240x128xf32, #tpu.memory_space<vmem_shared>>
        tpu.wait_indirect_dma semaphore(%arg19 : memref<!tpu.dma_semaphore, #tpu.memory_space<semaphore_mem>>) src(%dma_wait3A_415 : memref<125x128xf32, #tpu.memory_space<vmem>>) dst(%dma_wait3A_421 : memref<10240x128xf32, #tpu.memory_space<vmem_shared>>)
      }
      %scan3A_68 = arith.constant 5 : i32
    } else {
    }
    %eq3A_47 = arith.constant 1 : i32
    %eq3A_48 = arith.cmpi eq, %arg0, %eq3A_47 : i32
    %convert_element_type3A_49 = arith.extui %eq3A_48 : i1 to i32
    %cond3A_50 = arith.constant 0 : i32
    %cond3A_51 = arith.cmpi ne, %convert_element_type3A_49, %cond3A_50 : i32
    scf.if %cond3A_51 {
      %scan3A = arith.constant 0 : i32
      %scan3A_63 = arith.constant 0 : i32
      %scan3A_64 = arith.constant 0 : i32
      %scan3A_65 = arith.constant 5 : i32
      %scan3A_66 = arith.addi %scan3A_64, %scan3A_65 : i32
      %scan3A_67 = arith.constant 1 : i32
      scf.for %scan3A_69 = %scan3A_64 to %scan3A_66 step %scan3A_67  : i32 {
        %mul3A_70 = arith.constant 16 : i32
        %mul3A_71 = arith.muli %scan3A_69, %mul3A_70 : i32
        %multiple_of3A = tpu.assume_multiple %mul3A_71, 16 : i32
        "tpu.region"() ({
          %run_scoped3A_422 = tpu.sem_alloc : memref<!tpu.dma_semaphore, #tpu.memory_space<semaphore_mem>>
          %dma_start3A_423 = arith.constant 0 : i32
          %dma_start3A_424 = tpu.memref_slice %arg2[%arg1, %multiple_of3A, %dma_start3A_423] : memref<16x80x125xi32, #tpu.memory_space<hbm>> -> memref<1x16x125xi32, #tpu.memory_space<hbm>>
          %dma_start3A_425 = tpu.memref_squeeze %dma_start3A_424 : memref<1x16x125xi32, #tpu.memory_space<hbm>> -> memref<16x125xi32, #tpu.memory_space<hbm>>
          %dma_start3A_426 = arith.constant 0 : i32
          %dma_start3A_427 = tpu.memref_slice %arg2[%arg1, %multiple_of3A, %dma_start3A_426] : memref<16x80x125xi32, #tpu.memory_space<hbm>> -> memref<1x16x125xi32, #tpu.memory_space<hbm>>
          %dma_start3A_428 = tpu.memref_squeeze %dma_start3A_427 : memref<1x16x125xi32, #tpu.memory_space<hbm>> -> memref<16x125xi32, #tpu.memory_space<hbm>>
          tpu.enqueue_dma source(%dma_start3A_428 : memref<16x125xi32, #tpu.memory_space<hbm>>) target(%arg14 : memref<16x125xi32, #tpu.memory_space<vmem>>) target_semaphore(%run_scoped3A_422 : memref<!tpu.dma_semaphore, #tpu.memory_space<semaphore_mem>>)
          %dma_wait3A_429 = arith.constant 0 : i32
          %dma_wait3A_430 = tpu.memref_slice %arg2[%arg1, %multiple_of3A, %dma_wait3A_429] : memref<16x80x125xi32, #tpu.memory_space<hbm>> -> memref<1x16x125xi32, #tpu.memory_space<hbm>>
          %dma_wait3A_431 = tpu.memref_squeeze %dma_wait3A_430 : memref<1x16x125xi32, #tpu.memory_space<hbm>> -> memref<16x125xi32, #tpu.memory_space<hbm>>
          %dma_wait3A_432 = arith.constant 0 : i32
          %dma_wait3A_433 = tpu.memref_slice %arg2[%arg1, %multiple_of3A, %dma_wait3A_432] : memref<16x80x125xi32, #tpu.memory_space<hbm>> -> memref<1x16x125xi32, #tpu.memory_space<hbm>>
          %dma_wait3A_434 = tpu.memref_squeeze %dma_wait3A_433 : memref<1x16x125xi32, #tpu.memory_space<hbm>> -> memref<16x125xi32, #tpu.memory_space<hbm>>
          tpu.wait_dma2 semaphore(%run_scoped3A_422 : memref<!tpu.dma_semaphore, #tpu.memory_space<semaphore_mem>>) src(%dma_wait3A_434 : memref<16x125xi32, #tpu.memory_space<hbm>>) dst(%arg14 : memref<16x125xi32, #tpu.memory_space<vmem>>)
          tpu.yield
        }) : () -> ()
        %dma_start3A = arith.constant 0 : i32
        %dma_start3A_72 = arith.constant 0 : i32
        %dma_start3A_73 = arith.constant 0 : i32
        %dma_start3A_74 = tpu.memref_slice %arg16[%scan3A_63, %dma_start3A_72, %dma_start3A_73] : memref<2x125x128xf32, #tpu.memory_space<vmem>> -> memref<1x125x128xf32, #tpu.memory_space<vmem>>
        %dma_start3A_75 = tpu.memref_squeeze %dma_start3A_74 : memref<1x125x128xf32, #tpu.memory_space<vmem>> -> memref<125x128xf32, #tpu.memory_space<vmem>>
        %dma_start3A_76 = arith.constant 0 : i32
        %dma_start3A_77 = tpu.memref_slice %arg14[%dma_start3A, %dma_start3A_76] : memref<16x125xi32, #tpu.memory_space<vmem>> -> memref<1x125xi32, #tpu.memory_space<vmem>>
        %dma_start3A_78 = tpu.memref_squeeze %dma_start3A_77 : memref<1x125xi32, #tpu.memory_space<vmem>> -> memref<125xi32, #tpu.memory_space<vmem>>
        %dma_start3A_79 = arith.constant 0 : i32
        %dma_start3A_80 = arith.constant 0 : i32
        %dma_start3A_81 = tpu.memref_slice %arg17[%dma_start3A_79, %dma_start3A_80] : memref<10240x128xf32, #tpu.memory_space<vmem_shared>> -> memref<10240x128xf32, #tpu.memory_space<vmem_shared>>
        tpu.enqueue_indirect_dma source(%dma_start3A_75 : memref<125x128xf32, #tpu.memory_space<vmem>>) target(%dma_start3A_81 : memref<10240x128xf32, #tpu.memory_space<vmem_shared>>) offsets(%dma_start3A_78 : memref<125xi32, #tpu.memory_space<vmem>>) semaphore(%arg19 : memref<!tpu.dma_semaphore, #tpu.memory_space<semaphore_mem>>) {add = true}
        %dma_start3A_82 = arith.constant 1 : i32
        %dma_start3A_83 = arith.constant 0 : i32
        %dma_start3A_84 = arith.constant 0 : i32
        %dma_start3A_85 = tpu.memref_slice %arg16[%scan3A_63, %dma_start3A_83, %dma_start3A_84] : memref<2x125x128xf32, #tpu.memory_space<vmem>> -> memref<1x125x128xf32, #tpu.memory_space<vmem>>
        %dma_start3A_86 = tpu.memref_squeeze %dma_start3A_85 : memref<1x125x128xf32, #tpu.memory_space<vmem>> -> memref<125x128xf32, #tpu.memory_space<vmem>>
        %dma_start3A_87 = arith.constant 0 : i32
        %dma_start3A_88 = tpu.memref_slice %arg14[%dma_start3A_82, %dma_start3A_87] : memref<16x125xi32, #tpu.memory_space<vmem>> -> memref<1x125xi32, #tpu.memory_space<vmem>>
        %dma_start3A_89 = tpu.memref_squeeze %dma_start3A_88 : memref<1x125xi32, #tpu.memory_space<vmem>> -> memref<125xi32, #tpu.memory_space<vmem>>
        %dma_start3A_90 = arith.constant 0 : i32
        %dma_start3A_91 = arith.constant 0 : i32
        %dma_start3A_92 = tpu.memref_slice %arg17[%dma_start3A_90, %dma_start3A_91] : memref<10240x128xf32, #tpu.memory_space<vmem_shared>> -> memref<10240x128xf32, #tpu.memory_space<vmem_shared>>
        tpu.enqueue_indirect_dma source(%dma_start3A_86 : memref<125x128xf32, #tpu.memory_space<vmem>>) target(%dma_start3A_92 : memref<10240x128xf32, #tpu.memory_space<vmem_shared>>) offsets(%dma_start3A_89 : memref<125xi32, #tpu.memory_space<vmem>>) semaphore(%arg19 : memref<!tpu.dma_semaphore, #tpu.memory_space<semaphore_mem>>) {add = true}
        %dma_start3A_93 = arith.constant 2 : i32
        %dma_start3A_94 = arith.constant 0 : i32
        %dma_start3A_95 = arith.constant 0 : i32
        %dma_start3A_96 = tpu.memref_slice %arg16[%scan3A_63, %dma_start3A_94, %dma_start3A_95] : memref<2x125x128xf32, #tpu.memory_space<vmem>> -> memref<1x125x128xf32, #tpu.memory_space<vmem>>
        %dma_start3A_97 = tpu.memref_squeeze %dma_start3A_96 : memref<1x125x128xf32, #tpu.memory_space<vmem>> -> memref<125x128xf32, #tpu.memory_space<vmem>>
        %dma_start3A_98 = arith.constant 0 : i32
        %dma_start3A_99 = tpu.memref_slice %arg14[%dma_start3A_93, %dma_start3A_98] : memref<16x125xi32, #tpu.memory_space<vmem>> -> memref<1x125xi32, #tpu.memory_space<vmem>>
        %dma_start3A_100 = tpu.memref_squeeze %dma_start3A_99 : memref<1x125xi32, #tpu.memory_space<vmem>> -> memref<125xi32, #tpu.memory_space<vmem>>
        %dma_start3A_101 = arith.constant 0 : i32
        %dma_start3A_102 = arith.constant 0 : i32
        %dma_start3A_103 = tpu.memref_slice %arg17[%dma_start3A_101, %dma_start3A_102] : memref<10240x128xf32, #tpu.memory_space<vmem_shared>> -> memref<10240x128xf32, #tpu.memory_space<vmem_shared>>
        tpu.enqueue_indirect_dma source(%dma_start3A_97 : memref<125x128xf32, #tpu.memory_space<vmem>>) target(%dma_start3A_103 : memref<10240x128xf32, #tpu.memory_space<vmem_shared>>) offsets(%dma_start3A_100 : memref<125xi32, #tpu.memory_space<vmem>>) semaphore(%arg19 : memref<!tpu.dma_semaphore, #tpu.memory_space<semaphore_mem>>) {add = true}
        %dma_start3A_104 = arith.constant 3 : i32
        %dma_start3A_105 = arith.constant 0 : i32
        %dma_start3A_106 = arith.constant 0 : i32
        %dma_start3A_107 = tpu.memref_slice %arg16[%scan3A_63, %dma_start3A_105, %dma_start3A_106] : memref<2x125x128xf32, #tpu.memory_space<vmem>> -> memref<1x125x128xf32, #tpu.memory_space<vmem>>
        %dma_start3A_108 = tpu.memref_squeeze %dma_start3A_107 : memref<1x125x128xf32, #tpu.memory_space<vmem>> -> memref<125x128xf32, #tpu.memory_space<vmem>>
        %dma_start3A_109 = arith.constant 0 : i32
        %dma_start3A_110 = tpu.memref_slice %arg14[%dma_start3A_104, %dma_start3A_109] : memref<16x125xi32, #tpu.memory_space<vmem>> -> memref<1x125xi32, #tpu.memory_space<vmem>>
        %dma_start3A_111 = tpu.memref_squeeze %dma_start3A_110 : memref<1x125xi32, #tpu.memory_space<vmem>> -> memref<125xi32, #tpu.memory_space<vmem>>
        %dma_start3A_112 = arith.constant 0 : i32
        %dma_start3A_113 = arith.constant 0 : i32
        %dma_start3A_114 = tpu.memref_slice %arg17[%dma_start3A_112, %dma_start3A_113] : memref<10240x128xf32, #tpu.memory_space<vmem_shared>> -> memref<10240x128xf32, #tpu.memory_space<vmem_shared>>
        tpu.enqueue_indirect_dma source(%dma_start3A_108 : memref<125x128xf32, #tpu.memory_space<vmem>>) target(%dma_start3A_114 : memref<10240x128xf32, #tpu.memory_space<vmem_shared>>) offsets(%dma_start3A_111 : memref<125xi32, #tpu.memory_space<vmem>>) semaphore(%arg19 : memref<!tpu.dma_semaphore, #tpu.memory_space<semaphore_mem>>) {add = true}
        %dma_start3A_115 = arith.constant 4 : i32
        %dma_start3A_116 = arith.constant 0 : i32
        %dma_start3A_117 = arith.constant 0 : i32
        %dma_start3A_118 = tpu.memref_slice %arg16[%scan3A_63, %dma_start3A_116, %dma_start3A_117] : memref<2x125x128xf32, #tpu.memory_space<vmem>> -> memref<1x125x128xf32, #tpu.memory_space<vmem>>
        %dma_start3A_119 = tpu.memref_squeeze %dma_start3A_118 : memref<1x125x128xf32, #tpu.memory_space<vmem>> -> memref<125x128xf32, #tpu.memory_space<vmem>>
        %dma_start3A_120 = arith.constant 0 : i32
        %dma_start3A_121 = tpu.memref_slice %arg14[%dma_start3A_115, %dma_start3A_120] : memref<16x125xi32, #tpu.memory_space<vmem>> -> memref<1x125xi32, #tpu.memory_space<vmem>>
        %dma_start3A_122 = tpu.memref_squeeze %dma_start3A_121 : memref<1x125xi32, #tpu.memory_space<vmem>> -> memref<125xi32, #tpu.memory_space<vmem>>
        %dma_start3A_123 = arith.constant 0 : i32
        %dma_start3A_124 = arith.constant 0 : i32
        %dma_start3A_125 = tpu.memref_slice %arg17[%dma_start3A_123, %dma_start3A_124] : memref<10240x128xf32, #tpu.memory_space<vmem_shared>> -> memref<10240x128xf32, #tpu.memory_space<vmem_shared>>
        tpu.enqueue_indirect_dma source(%dma_start3A_119 : memref<125x128xf32, #tpu.memory_space<vmem>>) target(%dma_start3A_125 : memref<10240x128xf32, #tpu.memory_space<vmem_shared>>) offsets(%dma_start3A_122 : memref<125xi32, #tpu.memory_space<vmem>>) semaphore(%arg19 : memref<!tpu.dma_semaphore, #tpu.memory_space<semaphore_mem>>) {add = true}
        %dma_start3A_126 = arith.constant 5 : i32
        %dma_start3A_127 = arith.constant 0 : i32
        %dma_start3A_128 = arith.constant 0 : i32
        %dma_start3A_129 = tpu.memref_slice %arg16[%scan3A_63, %dma_start3A_127, %dma_start3A_128] : memref<2x125x128xf32, #tpu.memory_space<vmem>> -> memref<1x125x128xf32, #tpu.memory_space<vmem>>
        %dma_start3A_130 = tpu.memref_squeeze %dma_start3A_129 : memref<1x125x128xf32, #tpu.memory_space<vmem>> -> memref<125x128xf32, #tpu.memory_space<vmem>>
        %dma_start3A_131 = arith.constant 0 : i32
        %dma_start3A_132 = tpu.memref_slice %arg14[%dma_start3A_126, %dma_start3A_131] : memref<16x125xi32, #tpu.memory_space<vmem>> -> memref<1x125xi32, #tpu.memory_space<vmem>>
        %dma_start3A_133 = tpu.memref_squeeze %dma_start3A_132 : memref<1x125xi32, #tpu.memory_space<vmem>> -> memref<125xi32, #tpu.memory_space<vmem>>
        %dma_start3A_134 = arith.constant 0 : i32
        %dma_start3A_135 = arith.constant 0 : i32
        %dma_start3A_136 = tpu.memref_slice %arg17[%dma_start3A_134, %dma_start3A_135] : memref<10240x128xf32, #tpu.memory_space<vmem_shared>> -> memref<10240x128xf32, #tpu.memory_space<vmem_shared>>
        tpu.enqueue_indirect_dma source(%dma_start3A_130 : memref<125x128xf32, #tpu.memory_space<vmem>>) target(%dma_start3A_136 : memref<10240x128xf32, #tpu.memory_space<vmem_shared>>) offsets(%dma_start3A_133 : memref<125xi32, #tpu.memory_space<vmem>>) semaphore(%arg19 : memref<!tpu.dma_semaphore, #tpu.memory_space<semaphore_mem>>) {add = true}
        %dma_start3A_137 = arith.constant 6 : i32
        %dma_start3A_138 = arith.constant 0 : i32
        %dma_start3A_139 = arith.constant 0 : i32
        %dma_start3A_140 = tpu.memref_slice %arg16[%scan3A_63, %dma_start3A_138, %dma_start3A_139] : memref<2x125x128xf32, #tpu.memory_space<vmem>> -> memref<1x125x128xf32, #tpu.memory_space<vmem>>
        %dma_start3A_141 = tpu.memref_squeeze %dma_start3A_140 : memref<1x125x128xf32, #tpu.memory_space<vmem>> -> memref<125x128xf32, #tpu.memory_space<vmem>>
        %dma_start3A_142 = arith.constant 0 : i32
        %dma_start3A_143 = tpu.memref_slice %arg14[%dma_start3A_137, %dma_start3A_142] : memref<16x125xi32, #tpu.memory_space<vmem>> -> memref<1x125xi32, #tpu.memory_space<vmem>>
        %dma_start3A_144 = tpu.memref_squeeze %dma_start3A_143 : memref<1x125xi32, #tpu.memory_space<vmem>> -> memref<125xi32, #tpu.memory_space<vmem>>
        %dma_start3A_145 = arith.constant 0 : i32
        %dma_start3A_146 = arith.constant 0 : i32
        %dma_start3A_147 = tpu.memref_slice %arg17[%dma_start3A_145, %dma_start3A_146] : memref<10240x128xf32, #tpu.memory_space<vmem_shared>> -> memref<10240x128xf32, #tpu.memory_space<vmem_shared>>
        tpu.enqueue_indirect_dma source(%dma_start3A_141 : memref<125x128xf32, #tpu.memory_space<vmem>>) target(%dma_start3A_147 : memref<10240x128xf32, #tpu.memory_space<vmem_shared>>) offsets(%dma_start3A_144 : memref<125xi32, #tpu.memory_space<vmem>>) semaphore(%arg19 : memref<!tpu.dma_semaphore, #tpu.memory_space<semaphore_mem>>) {add = true}
        %dma_start3A_148 = arith.constant 7 : i32
        %dma_start3A_149 = arith.constant 0 : i32
        %dma_start3A_150 = arith.constant 0 : i32
        %dma_start3A_151 = tpu.memref_slice %arg16[%scan3A_63, %dma_start3A_149, %dma_start3A_150] : memref<2x125x128xf32, #tpu.memory_space<vmem>> -> memref<1x125x128xf32, #tpu.memory_space<vmem>>
        %dma_start3A_152 = tpu.memref_squeeze %dma_start3A_151 : memref<1x125x128xf32, #tpu.memory_space<vmem>> -> memref<125x128xf32, #tpu.memory_space<vmem>>
        %dma_start3A_153 = arith.constant 0 : i32
        %dma_start3A_154 = tpu.memref_slice %arg14[%dma_start3A_148, %dma_start3A_153] : memref<16x125xi32, #tpu.memory_space<vmem>> -> memref<1x125xi32, #tpu.memory_space<vmem>>
        %dma_start3A_155 = tpu.memref_squeeze %dma_start3A_154 : memref<1x125xi32, #tpu.memory_space<vmem>> -> memref<125xi32, #tpu.memory_space<vmem>>
        %dma_start3A_156 = arith.constant 0 : i32
        %dma_start3A_157 = arith.constant 0 : i32
        %dma_start3A_158 = tpu.memref_slice %arg17[%dma_start3A_156, %dma_start3A_157] : memref<10240x128xf32, #tpu.memory_space<vmem_shared>> -> memref<10240x128xf32, #tpu.memory_space<vmem_shared>>
        tpu.enqueue_indirect_dma source(%dma_start3A_152 : memref<125x128xf32, #tpu.memory_space<vmem>>) target(%dma_start3A_158 : memref<10240x128xf32, #tpu.memory_space<vmem_shared>>) offsets(%dma_start3A_155 : memref<125xi32, #tpu.memory_space<vmem>>) semaphore(%arg19 : memref<!tpu.dma_semaphore, #tpu.memory_space<semaphore_mem>>) {add = true}
        %dma_start3A_159 = arith.constant 8 : i32
        %dma_start3A_160 = arith.constant 0 : i32
        %dma_start3A_161 = arith.constant 0 : i32
        %dma_start3A_162 = tpu.memref_slice %arg16[%scan3A_63, %dma_start3A_160, %dma_start3A_161] : memref<2x125x128xf32, #tpu.memory_space<vmem>> -> memref<1x125x128xf32, #tpu.memory_space<vmem>>
        %dma_start3A_163 = tpu.memref_squeeze %dma_start3A_162 : memref<1x125x128xf32, #tpu.memory_space<vmem>> -> memref<125x128xf32, #tpu.memory_space<vmem>>
        %dma_start3A_164 = arith.constant 0 : i32
        %dma_start3A_165 = tpu.memref_slice %arg14[%dma_start3A_159, %dma_start3A_164] : memref<16x125xi32, #tpu.memory_space<vmem>> -> memref<1x125xi32, #tpu.memory_space<vmem>>
        %dma_start3A_166 = tpu.memref_squeeze %dma_start3A_165 : memref<1x125xi32, #tpu.memory_space<vmem>> -> memref<125xi32, #tpu.memory_space<vmem>>
        %dma_start3A_167 = arith.constant 0 : i32
        %dma_start3A_168 = arith.constant 0 : i32
        %dma_start3A_169 = tpu.memref_slice %arg17[%dma_start3A_167, %dma_start3A_168] : memref<10240x128xf32, #tpu.memory_space<vmem_shared>> -> memref<10240x128xf32, #tpu.memory_space<vmem_shared>>
        tpu.enqueue_indirect_dma source(%dma_start3A_163 : memref<125x128xf32, #tpu.memory_space<vmem>>) target(%dma_start3A_169 : memref<10240x128xf32, #tpu.memory_space<vmem_shared>>) offsets(%dma_start3A_166 : memref<125xi32, #tpu.memory_space<vmem>>) semaphore(%arg19 : memref<!tpu.dma_semaphore, #tpu.memory_space<semaphore_mem>>) {add = true}
        %dma_start3A_170 = arith.constant 9 : i32
        %dma_start3A_171 = arith.constant 0 : i32
        %dma_start3A_172 = arith.constant 0 : i32
        %dma_start3A_173 = tpu.memref_slice %arg16[%scan3A_63, %dma_start3A_171, %dma_start3A_172] : memref<2x125x128xf32, #tpu.memory_space<vmem>> -> memref<1x125x128xf32, #tpu.memory_space<vmem>>
        %dma_start3A_174 = tpu.memref_squeeze %dma_start3A_173 : memref<1x125x128xf32, #tpu.memory_space<vmem>> -> memref<125x128xf32, #tpu.memory_space<vmem>>
        %dma_start3A_175 = arith.constant 0 : i32
        %dma_start3A_176 = tpu.memref_slice %arg14[%dma_start3A_170, %dma_start3A_175] : memref<16x125xi32, #tpu.memory_space<vmem>> -> memref<1x125xi32, #tpu.memory_space<vmem>>
        %dma_start3A_177 = tpu.memref_squeeze %dma_start3A_176 : memref<1x125xi32, #tpu.memory_space<vmem>> -> memref<125xi32, #tpu.memory_space<vmem>>
        %dma_start3A_178 = arith.constant 0 : i32
        %dma_start3A_179 = arith.constant 0 : i32
        %dma_start3A_180 = tpu.memref_slice %arg17[%dma_start3A_178, %dma_start3A_179] : memref<10240x128xf32, #tpu.memory_space<vmem_shared>> -> memref<10240x128xf32, #tpu.memory_space<vmem_shared>>
        tpu.enqueue_indirect_dma source(%dma_start3A_174 : memref<125x128xf32, #tpu.memory_space<vmem>>) target(%dma_start3A_180 : memref<10240x128xf32, #tpu.memory_space<vmem_shared>>) offsets(%dma_start3A_177 : memref<125xi32, #tpu.memory_space<vmem>>) semaphore(%arg19 : memref<!tpu.dma_semaphore, #tpu.memory_space<semaphore_mem>>) {add = true}
        %dma_start3A_181 = arith.constant 10 : i32
        %dma_start3A_182 = arith.constant 0 : i32
        %dma_start3A_183 = arith.constant 0 : i32
        %dma_start3A_184 = tpu.memref_slice %arg16[%scan3A_63, %dma_start3A_182, %dma_start3A_183] : memref<2x125x128xf32, #tpu.memory_space<vmem>> -> memref<1x125x128xf32, #tpu.memory_space<vmem>>
        %dma_start3A_185 = tpu.memref_squeeze %dma_start3A_184 : memref<1x125x128xf32, #tpu.memory_space<vmem>> -> memref<125x128xf32, #tpu.memory_space<vmem>>
        %dma_start3A_186 = arith.constant 0 : i32
        %dma_start3A_187 = tpu.memref_slice %arg14[%dma_start3A_181, %dma_start3A_186] : memref<16x125xi32, #tpu.memory_space<vmem>> -> memref<1x125xi32, #tpu.memory_space<vmem>>
        %dma_start3A_188 = tpu.memref_squeeze %dma_start3A_187 : memref<1x125xi32, #tpu.memory_space<vmem>> -> memref<125xi32, #tpu.memory_space<vmem>>
        %dma_start3A_189 = arith.constant 0 : i32
        %dma_start3A_190 = arith.constant 0 : i32
        %dma_start3A_191 = tpu.memref_slice %arg17[%dma_start3A_189, %dma_start3A_190] : memref<10240x128xf32, #tpu.memory_space<vmem_shared>> -> memref<10240x128xf32, #tpu.memory_space<vmem_shared>>
        tpu.enqueue_indirect_dma source(%dma_start3A_185 : memref<125x128xf32, #tpu.memory_space<vmem>>) target(%dma_start3A_191 : memref<10240x128xf32, #tpu.memory_space<vmem_shared>>) offsets(%dma_start3A_188 : memref<125xi32, #tpu.memory_space<vmem>>) semaphore(%arg19 : memref<!tpu.dma_semaphore, #tpu.memory_space<semaphore_mem>>) {add = true}
        %dma_start3A_192 = arith.constant 11 : i32
        %dma_start3A_193 = arith.constant 0 : i32
        %dma_start3A_194 = arith.constant 0 : i32
        %dma_start3A_195 = tpu.memref_slice %arg16[%scan3A_63, %dma_start3A_193, %dma_start3A_194] : memref<2x125x128xf32, #tpu.memory_space<vmem>> -> memref<1x125x128xf32, #tpu.memory_space<vmem>>
        %dma_start3A_196 = tpu.memref_squeeze %dma_start3A_195 : memref<1x125x128xf32, #tpu.memory_space<vmem>> -> memref<125x128xf32, #tpu.memory_space<vmem>>
        %dma_start3A_197 = arith.constant 0 : i32
        %dma_start3A_198 = tpu.memref_slice %arg14[%dma_start3A_192, %dma_start3A_197] : memref<16x125xi32, #tpu.memory_space<vmem>> -> memref<1x125xi32, #tpu.memory_space<vmem>>
        %dma_start3A_199 = tpu.memref_squeeze %dma_start3A_198 : memref<1x125xi32, #tpu.memory_space<vmem>> -> memref<125xi32, #tpu.memory_space<vmem>>
        %dma_start3A_200 = arith.constant 0 : i32
        %dma_start3A_201 = arith.constant 0 : i32
        %dma_start3A_202 = tpu.memref_slice %arg17[%dma_start3A_200, %dma_start3A_201] : memref<10240x128xf32, #tpu.memory_space<vmem_shared>> -> memref<10240x128xf32, #tpu.memory_space<vmem_shared>>
        tpu.enqueue_indirect_dma source(%dma_start3A_196 : memref<125x128xf32, #tpu.memory_space<vmem>>) target(%dma_start3A_202 : memref<10240x128xf32, #tpu.memory_space<vmem_shared>>) offsets(%dma_start3A_199 : memref<125xi32, #tpu.memory_space<vmem>>) semaphore(%arg19 : memref<!tpu.dma_semaphore, #tpu.memory_space<semaphore_mem>>) {add = true}
        %dma_start3A_203 = arith.constant 12 : i32
        %dma_start3A_204 = arith.constant 0 : i32
        %dma_start3A_205 = arith.constant 0 : i32
        %dma_start3A_206 = tpu.memref_slice %arg16[%scan3A_63, %dma_start3A_204, %dma_start3A_205] : memref<2x125x128xf32, #tpu.memory_space<vmem>> -> memref<1x125x128xf32, #tpu.memory_space<vmem>>
        %dma_start3A_207 = tpu.memref_squeeze %dma_start3A_206 : memref<1x125x128xf32, #tpu.memory_space<vmem>> -> memref<125x128xf32, #tpu.memory_space<vmem>>
        %dma_start3A_208 = arith.constant 0 : i32
        %dma_start3A_209 = tpu.memref_slice %arg14[%dma_start3A_203, %dma_start3A_208] : memref<16x125xi32, #tpu.memory_space<vmem>> -> memref<1x125xi32, #tpu.memory_space<vmem>>
        %dma_start3A_210 = tpu.memref_squeeze %dma_start3A_209 : memref<1x125xi32, #tpu.memory_space<vmem>> -> memref<125xi32, #tpu.memory_space<vmem>>
        %dma_start3A_211 = arith.constant 0 : i32
        %dma_start3A_212 = arith.constant 0 : i32
        %dma_start3A_213 = tpu.memref_slice %arg17[%dma_start3A_211, %dma_start3A_212] : memref<10240x128xf32, #tpu.memory_space<vmem_shared>> -> memref<10240x128xf32, #tpu.memory_space<vmem_shared>>
        tpu.enqueue_indirect_dma source(%dma_start3A_207 : memref<125x128xf32, #tpu.memory_space<vmem>>) target(%dma_start3A_213 : memref<10240x128xf32, #tpu.memory_space<vmem_shared>>) offsets(%dma_start3A_210 : memref<125xi32, #tpu.memory_space<vmem>>) semaphore(%arg19 : memref<!tpu.dma_semaphore, #tpu.memory_space<semaphore_mem>>) {add = true}
        %dma_start3A_214 = arith.constant 13 : i32
        %dma_start3A_215 = arith.constant 0 : i32
        %dma_start3A_216 = arith.constant 0 : i32
        %dma_start3A_217 = tpu.memref_slice %arg16[%scan3A_63, %dma_start3A_215, %dma_start3A_216] : memref<2x125x128xf32, #tpu.memory_space<vmem>> -> memref<1x125x128xf32, #tpu.memory_space<vmem>>
        %dma_start3A_218 = tpu.memref_squeeze %dma_start3A_217 : memref<1x125x128xf32, #tpu.memory_space<vmem>> -> memref<125x128xf32, #tpu.memory_space<vmem>>
        %dma_start3A_219 = arith.constant 0 : i32
        %dma_start3A_220 = tpu.memref_slice %arg14[%dma_start3A_214, %dma_start3A_219] : memref<16x125xi32, #tpu.memory_space<vmem>> -> memref<1x125xi32, #tpu.memory_space<vmem>>
        %dma_start3A_221 = tpu.memref_squeeze %dma_start3A_220 : memref<1x125xi32, #tpu.memory_space<vmem>> -> memref<125xi32, #tpu.memory_space<vmem>>
        %dma_start3A_222 = arith.constant 0 : i32
        %dma_start3A_223 = arith.constant 0 : i32
        %dma_start3A_224 = tpu.memref_slice %arg17[%dma_start3A_222, %dma_start3A_223] : memref<10240x128xf32, #tpu.memory_space<vmem_shared>> -> memref<10240x128xf32, #tpu.memory_space<vmem_shared>>
        tpu.enqueue_indirect_dma source(%dma_start3A_218 : memref<125x128xf32, #tpu.memory_space<vmem>>) target(%dma_start3A_224 : memref<10240x128xf32, #tpu.memory_space<vmem_shared>>) offsets(%dma_start3A_221 : memref<125xi32, #tpu.memory_space<vmem>>) semaphore(%arg19 : memref<!tpu.dma_semaphore, #tpu.memory_space<semaphore_mem>>) {add = true}
        %dma_start3A_225 = arith.constant 14 : i32
        %dma_start3A_226 = arith.constant 0 : i32
        %dma_start3A_227 = arith.constant 0 : i32
        %dma_start3A_228 = tpu.memref_slice %arg16[%scan3A_63, %dma_start3A_226, %dma_start3A_227] : memref<2x125x128xf32, #tpu.memory_space<vmem>> -> memref<1x125x128xf32, #tpu.memory_space<vmem>>
        %dma_start3A_229 = tpu.memref_squeeze %dma_start3A_228 : memref<1x125x128xf32, #tpu.memory_space<vmem>> -> memref<125x128xf32, #tpu.memory_space<vmem>>
        %dma_start3A_230 = arith.constant 0 : i32
        %dma_start3A_231 = tpu.memref_slice %arg14[%dma_start3A_225, %dma_start3A_230] : memref<16x125xi32, #tpu.memory_space<vmem>> -> memref<1x125xi32, #tpu.memory_space<vmem>>
        %dma_start3A_232 = tpu.memref_squeeze %dma_start3A_231 : memref<1x125xi32, #tpu.memory_space<vmem>> -> memref<125xi32, #tpu.memory_space<vmem>>
        %dma_start3A_233 = arith.constant 0 : i32
        %dma_start3A_234 = arith.constant 0 : i32
        %dma_start3A_235 = tpu.memref_slice %arg17[%dma_start3A_233, %dma_start3A_234] : memref<10240x128xf32, #tpu.memory_space<vmem_shared>> -> memref<10240x128xf32, #tpu.memory_space<vmem_shared>>
        tpu.enqueue_indirect_dma source(%dma_start3A_229 : memref<125x128xf32, #tpu.memory_space<vmem>>) target(%dma_start3A_235 : memref<10240x128xf32, #tpu.memory_space<vmem_shared>>) offsets(%dma_start3A_232 : memref<125xi32, #tpu.memory_space<vmem>>) semaphore(%arg19 : memref<!tpu.dma_semaphore, #tpu.memory_space<semaphore_mem>>) {add = true}
        %dma_start3A_236 = arith.constant 15 : i32
        %dma_start3A_237 = arith.constant 0 : i32
        %dma_start3A_238 = arith.constant 0 : i32
        %dma_start3A_239 = tpu.memref_slice %arg16[%scan3A_63, %dma_start3A_237, %dma_start3A_238] : memref<2x125x128xf32, #tpu.memory_space<vmem>> -> memref<1x125x128xf32, #tpu.memory_space<vmem>>
        %dma_start3A_240 = tpu.memref_squeeze %dma_start3A_239 : memref<1x125x128xf32, #tpu.memory_space<vmem>> -> memref<125x128xf32, #tpu.memory_space<vmem>>
        %dma_start3A_241 = arith.constant 0 : i32
        %dma_start3A_242 = tpu.memref_slice %arg14[%dma_start3A_236, %dma_start3A_241] : memref<16x125xi32, #tpu.memory_space<vmem>> -> memref<1x125xi32, #tpu.memory_space<vmem>>
        %dma_start3A_243 = tpu.memref_squeeze %dma_start3A_242 : memref<1x125xi32, #tpu.memory_space<vmem>> -> memref<125xi32, #tpu.memory_space<vmem>>
        %dma_start3A_244 = arith.constant 0 : i32
        %dma_start3A_245 = arith.constant 0 : i32
        %dma_start3A_246 = tpu.memref_slice %arg17[%dma_start3A_244, %dma_start3A_245] : memref<10240x128xf32, #tpu.memory_space<vmem_shared>> -> memref<10240x128xf32, #tpu.memory_space<vmem_shared>>
        tpu.enqueue_indirect_dma source(%dma_start3A_240 : memref<125x128xf32, #tpu.memory_space<vmem>>) target(%dma_start3A_246 : memref<10240x128xf32, #tpu.memory_space<vmem_shared>>) offsets(%dma_start3A_243 : memref<125xi32, #tpu.memory_space<vmem>>) semaphore(%arg19 : memref<!tpu.dma_semaphore, #tpu.memory_space<semaphore_mem>>) {add = true}
        %dma_wait3A = arith.constant 0 : i32
        %dma_wait3A_247 = arith.constant 0 : i32
        %dma_wait3A_248 = arith.constant 0 : i32
        %dma_wait3A_249 = tpu.memref_slice %arg16[%scan3A_63, %dma_wait3A_247, %dma_wait3A_248] : memref<2x125x128xf32, #tpu.memory_space<vmem>> -> memref<1x125x128xf32, #tpu.memory_space<vmem>>
        %dma_wait3A_250 = tpu.memref_squeeze %dma_wait3A_249 : memref<1x125x128xf32, #tpu.memory_space<vmem>> -> memref<125x128xf32, #tpu.memory_space<vmem>>
        %dma_wait3A_251 = arith.constant 0 : i32
        %dma_wait3A_252 = tpu.memref_slice %arg14[%dma_wait3A, %dma_wait3A_251] : memref<16x125xi32, #tpu.memory_space<vmem>> -> memref<1x125xi32, #tpu.memory_space<vmem>>
        %dma_wait3A_253 = tpu.memref_squeeze %dma_wait3A_252 : memref<1x125xi32, #tpu.memory_space<vmem>> -> memref<125xi32, #tpu.memory_space<vmem>>
        %dma_wait3A_254 = arith.constant 0 : i32
        %dma_wait3A_255 = arith.constant 0 : i32
        %dma_wait3A_256 = tpu.memref_slice %arg17[%dma_wait3A_254, %dma_wait3A_255] : memref<10240x128xf32, #tpu.memory_space<vmem_shared>> -> memref<10240x128xf32, #tpu.memory_space<vmem_shared>>
        tpu.wait_indirect_dma semaphore(%arg19 : memref<!tpu.dma_semaphore, #tpu.memory_space<semaphore_mem>>) src(%dma_wait3A_250 : memref<125x128xf32, #tpu.memory_space<vmem>>) dst(%dma_wait3A_256 : memref<10240x128xf32, #tpu.memory_space<vmem_shared>>)
        %dma_wait3A_257 = arith.constant 1 : i32
        %dma_wait3A_258 = arith.constant 0 : i32
        %dma_wait3A_259 = arith.constant 0 : i32
        %dma_wait3A_260 = tpu.memref_slice %arg16[%scan3A_63, %dma_wait3A_258, %dma_wait3A_259] : memref<2x125x128xf32, #tpu.memory_space<vmem>> -> memref<1x125x128xf32, #tpu.memory_space<vmem>>
        %dma_wait3A_261 = tpu.memref_squeeze %dma_wait3A_260 : memref<1x125x128xf32, #tpu.memory_space<vmem>> -> memref<125x128xf32, #tpu.memory_space<vmem>>
        %dma_wait3A_262 = arith.constant 0 : i32
        %dma_wait3A_263 = tpu.memref_slice %arg14[%dma_wait3A_257, %dma_wait3A_262] : memref<16x125xi32, #tpu.memory_space<vmem>> -> memref<1x125xi32, #tpu.memory_space<vmem>>
        %dma_wait3A_264 = tpu.memref_squeeze %dma_wait3A_263 : memref<1x125xi32, #tpu.memory_space<vmem>> -> memref<125xi32, #tpu.memory_space<vmem>>
        %dma_wait3A_265 = arith.constant 0 : i32
        %dma_wait3A_266 = arith.constant 0 : i32
        %dma_wait3A_267 = tpu.memref_slice %arg17[%dma_wait3A_265, %dma_wait3A_266] : memref<10240x128xf32, #tpu.memory_space<vmem_shared>> -> memref<10240x128xf32, #tpu.memory_space<vmem_shared>>
        tpu.wait_indirect_dma semaphore(%arg19 : memref<!tpu.dma_semaphore, #tpu.memory_space<semaphore_mem>>) src(%dma_wait3A_261 : memref<125x128xf32, #tpu.memory_space<vmem>>) dst(%dma_wait3A_267 : memref<10240x128xf32, #tpu.memory_space<vmem_shared>>)
        %dma_wait3A_268 = arith.constant 2 : i32
        %dma_wait3A_269 = arith.constant 0 : i32
        %dma_wait3A_270 = arith.constant 0 : i32
        %dma_wait3A_271 = tpu.memref_slice %arg16[%scan3A_63, %dma_wait3A_269, %dma_wait3A_270] : memref<2x125x128xf32, #tpu.memory_space<vmem>> -> memref<1x125x128xf32, #tpu.memory_space<vmem>>
        %dma_wait3A_272 = tpu.memref_squeeze %dma_wait3A_271 : memref<1x125x128xf32, #tpu.memory_space<vmem>> -> memref<125x128xf32, #tpu.memory_space<vmem>>
        %dma_wait3A_273 = arith.constant 0 : i32
        %dma_wait3A_274 = tpu.memref_slice %arg14[%dma_wait3A_268, %dma_wait3A_273] : memref<16x125xi32, #tpu.memory_space<vmem>> -> memref<1x125xi32, #tpu.memory_space<vmem>>
        %dma_wait3A_275 = tpu.memref_squeeze %dma_wait3A_274 : memref<1x125xi32, #tpu.memory_space<vmem>> -> memref<125xi32, #tpu.memory_space<vmem>>
        %dma_wait3A_276 = arith.constant 0 : i32
        %dma_wait3A_277 = arith.constant 0 : i32
        %dma_wait3A_278 = tpu.memref_slice %arg17[%dma_wait3A_276, %dma_wait3A_277] : memref<10240x128xf32, #tpu.memory_space<vmem_shared>> -> memref<10240x128xf32, #tpu.memory_space<vmem_shared>>
        tpu.wait_indirect_dma semaphore(%arg19 : memref<!tpu.dma_semaphore, #tpu.memory_space<semaphore_mem>>) src(%dma_wait3A_272 : memref<125x128xf32, #tpu.memory_space<vmem>>) dst(%dma_wait3A_278 : memref<10240x128xf32, #tpu.memory_space<vmem_shared>>)
        %dma_wait3A_279 = arith.constant 3 : i32
        %dma_wait3A_280 = arith.constant 0 : i32
        %dma_wait3A_281 = arith.constant 0 : i32
        %dma_wait3A_282 = tpu.memref_slice %arg16[%scan3A_63, %dma_wait3A_280, %dma_wait3A_281] : memref<2x125x128xf32, #tpu.memory_space<vmem>> -> memref<1x125x128xf32, #tpu.memory_space<vmem>>
        %dma_wait3A_283 = tpu.memref_squeeze %dma_wait3A_282 : memref<1x125x128xf32, #tpu.memory_space<vmem>> -> memref<125x128xf32, #tpu.memory_space<vmem>>
        %dma_wait3A_284 = arith.constant 0 : i32
        %dma_wait3A_285 = tpu.memref_slice %arg14[%dma_wait3A_279, %dma_wait3A_284] : memref<16x125xi32, #tpu.memory_space<vmem>> -> memref<1x125xi32, #tpu.memory_space<vmem>>
        %dma_wait3A_286 = tpu.memref_squeeze %dma_wait3A_285 : memref<1x125xi32, #tpu.memory_space<vmem>> -> memref<125xi32, #tpu.memory_space<vmem>>
        %dma_wait3A_287 = arith.constant 0 : i32
        %dma_wait3A_288 = arith.constant 0 : i32
        %dma_wait3A_289 = tpu.memref_slice %arg17[%dma_wait3A_287, %dma_wait3A_288] : memref<10240x128xf32, #tpu.memory_space<vmem_shared>> -> memref<10240x128xf32, #tpu.memory_space<vmem_shared>>
        tpu.wait_indirect_dma semaphore(%arg19 : memref<!tpu.dma_semaphore, #tpu.memory_space<semaphore_mem>>) src(%dma_wait3A_283 : memref<125x128xf32, #tpu.memory_space<vmem>>) dst(%dma_wait3A_289 : memref<10240x128xf32, #tpu.memory_space<vmem_shared>>)
        %dma_wait3A_290 = arith.constant 4 : i32
        %dma_wait3A_291 = arith.constant 0 : i32
        %dma_wait3A_292 = arith.constant 0 : i32
        %dma_wait3A_293 = tpu.memref_slice %arg16[%scan3A_63, %dma_wait3A_291, %dma_wait3A_292] : memref<2x125x128xf32, #tpu.memory_space<vmem>> -> memref<1x125x128xf32, #tpu.memory_space<vmem>>
        %dma_wait3A_294 = tpu.memref_squeeze %dma_wait3A_293 : memref<1x125x128xf32, #tpu.memory_space<vmem>> -> memref<125x128xf32, #tpu.memory_space<vmem>>
        %dma_wait3A_295 = arith.constant 0 : i32
        %dma_wait3A_296 = tpu.memref_slice %arg14[%dma_wait3A_290, %dma_wait3A_295] : memref<16x125xi32, #tpu.memory_space<vmem>> -> memref<1x125xi32, #tpu.memory_space<vmem>>
        %dma_wait3A_297 = tpu.memref_squeeze %dma_wait3A_296 : memref<1x125xi32, #tpu.memory_space<vmem>> -> memref<125xi32, #tpu.memory_space<vmem>>
        %dma_wait3A_298 = arith.constant 0 : i32
        %dma_wait3A_299 = arith.constant 0 : i32
        %dma_wait3A_300 = tpu.memref_slice %arg17[%dma_wait3A_298, %dma_wait3A_299] : memref<10240x128xf32, #tpu.memory_space<vmem_shared>> -> memref<10240x128xf32, #tpu.memory_space<vmem_shared>>
        tpu.wait_indirect_dma semaphore(%arg19 : memref<!tpu.dma_semaphore, #tpu.memory_space<semaphore_mem>>) src(%dma_wait3A_294 : memref<125x128xf32, #tpu.memory_space<vmem>>) dst(%dma_wait3A_300 : memref<10240x128xf32, #tpu.memory_space<vmem_shared>>)
        %dma_wait3A_301 = arith.constant 5 : i32
        %dma_wait3A_302 = arith.constant 0 : i32
        %dma_wait3A_303 = arith.constant 0 : i32
        %dma_wait3A_304 = tpu.memref_slice %arg16[%scan3A_63, %dma_wait3A_302, %dma_wait3A_303] : memref<2x125x128xf32, #tpu.memory_space<vmem>> -> memref<1x125x128xf32, #tpu.memory_space<vmem>>
        %dma_wait3A_305 = tpu.memref_squeeze %dma_wait3A_304 : memref<1x125x128xf32, #tpu.memory_space<vmem>> -> memref<125x128xf32, #tpu.memory_space<vmem>>
        %dma_wait3A_306 = arith.constant 0 : i32
        %dma_wait3A_307 = tpu.memref_slice %arg14[%dma_wait3A_301, %dma_wait3A_306] : memref<16x125xi32, #tpu.memory_space<vmem>> -> memref<1x125xi32, #tpu.memory_space<vmem>>
        %dma_wait3A_308 = tpu.memref_squeeze %dma_wait3A_307 : memref<1x125xi32, #tpu.memory_space<vmem>> -> memref<125xi32, #tpu.memory_space<vmem>>
        %dma_wait3A_309 = arith.constant 0 : i32
        %dma_wait3A_310 = arith.constant 0 : i32
        %dma_wait3A_311 = tpu.memref_slice %arg17[%dma_wait3A_309, %dma_wait3A_310] : memref<10240x128xf32, #tpu.memory_space<vmem_shared>> -> memref<10240x128xf32, #tpu.memory_space<vmem_shared>>
        tpu.wait_indirect_dma semaphore(%arg19 : memref<!tpu.dma_semaphore, #tpu.memory_space<semaphore_mem>>) src(%dma_wait3A_305 : memref<125x128xf32, #tpu.memory_space<vmem>>) dst(%dma_wait3A_311 : memref<10240x128xf32, #tpu.memory_space<vmem_shared>>)
        %dma_wait3A_312 = arith.constant 6 : i32
        %dma_wait3A_313 = arith.constant 0 : i32
        %dma_wait3A_314 = arith.constant 0 : i32
        %dma_wait3A_315 = tpu.memref_slice %arg16[%scan3A_63, %dma_wait3A_313, %dma_wait3A_314] : memref<2x125x128xf32, #tpu.memory_space<vmem>> -> memref<1x125x128xf32, #tpu.memory_space<vmem>>
        %dma_wait3A_316 = tpu.memref_squeeze %dma_wait3A_315 : memref<1x125x128xf32, #tpu.memory_space<vmem>> -> memref<125x128xf32, #tpu.memory_space<vmem>>
        %dma_wait3A_317 = arith.constant 0 : i32
        %dma_wait3A_318 = tpu.memref_slice %arg14[%dma_wait3A_312, %dma_wait3A_317] : memref<16x125xi32, #tpu.memory_space<vmem>> -> memref<1x125xi32, #tpu.memory_space<vmem>>
        %dma_wait3A_319 = tpu.memref_squeeze %dma_wait3A_318 : memref<1x125xi32, #tpu.memory_space<vmem>> -> memref<125xi32, #tpu.memory_space<vmem>>
        %dma_wait3A_320 = arith.constant 0 : i32
        %dma_wait3A_321 = arith.constant 0 : i32
        %dma_wait3A_322 = tpu.memref_slice %arg17[%dma_wait3A_320, %dma_wait3A_321] : memref<10240x128xf32, #tpu.memory_space<vmem_shared>> -> memref<10240x128xf32, #tpu.memory_space<vmem_shared>>
        tpu.wait_indirect_dma semaphore(%arg19 : memref<!tpu.dma_semaphore, #tpu.memory_space<semaphore_mem>>) src(%dma_wait3A_316 : memref<125x128xf32, #tpu.memory_space<vmem>>) dst(%dma_wait3A_322 : memref<10240x128xf32, #tpu.memory_space<vmem_shared>>)
        %dma_wait3A_323 = arith.constant 7 : i32
        %dma_wait3A_324 = arith.constant 0 : i32
        %dma_wait3A_325 = arith.constant 0 : i32
        %dma_wait3A_326 = tpu.memref_slice %arg16[%scan3A_63, %dma_wait3A_324, %dma_wait3A_325] : memref<2x125x128xf32, #tpu.memory_space<vmem>> -> memref<1x125x128xf32, #tpu.memory_space<vmem>>
        %dma_wait3A_327 = tpu.memref_squeeze %dma_wait3A_326 : memref<1x125x128xf32, #tpu.memory_space<vmem>> -> memref<125x128xf32, #tpu.memory_space<vmem>>
        %dma_wait3A_328 = arith.constant 0 : i32
        %dma_wait3A_329 = tpu.memref_slice %arg14[%dma_wait3A_323, %dma_wait3A_328] : memref<16x125xi32, #tpu.memory_space<vmem>> -> memref<1x125xi32, #tpu.memory_space<vmem>>
        %dma_wait3A_330 = tpu.memref_squeeze %dma_wait3A_329 : memref<1x125xi32, #tpu.memory_space<vmem>> -> memref<125xi32, #tpu.memory_space<vmem>>
        %dma_wait3A_331 = arith.constant 0 : i32
        %dma_wait3A_332 = arith.constant 0 : i32
        %dma_wait3A_333 = tpu.memref_slice %arg17[%dma_wait3A_331, %dma_wait3A_332] : memref<10240x128xf32, #tpu.memory_space<vmem_shared>> -> memref<10240x128xf32, #tpu.memory_space<vmem_shared>>
        tpu.wait_indirect_dma semaphore(%arg19 : memref<!tpu.dma_semaphore, #tpu.memory_space<semaphore_mem>>) src(%dma_wait3A_327 : memref<125x128xf32, #tpu.memory_space<vmem>>) dst(%dma_wait3A_333 : memref<10240x128xf32, #tpu.memory_space<vmem_shared>>)
        %dma_wait3A_334 = arith.constant 8 : i32
        %dma_wait3A_335 = arith.constant 0 : i32
        %dma_wait3A_336 = arith.constant 0 : i32
        %dma_wait3A_337 = tpu.memref_slice %arg16[%scan3A_63, %dma_wait3A_335, %dma_wait3A_336] : memref<2x125x128xf32, #tpu.memory_space<vmem>> -> memref<1x125x128xf32, #tpu.memory_space<vmem>>
        %dma_wait3A_338 = tpu.memref_squeeze %dma_wait3A_337 : memref<1x125x128xf32, #tpu.memory_space<vmem>> -> memref<125x128xf32, #tpu.memory_space<vmem>>
        %dma_wait3A_339 = arith.constant 0 : i32
        %dma_wait3A_340 = tpu.memref_slice %arg14[%dma_wait3A_334, %dma_wait3A_339] : memref<16x125xi32, #tpu.memory_space<vmem>> -> memref<1x125xi32, #tpu.memory_space<vmem>>
        %dma_wait3A_341 = tpu.memref_squeeze %dma_wait3A_340 : memref<1x125xi32, #tpu.memory_space<vmem>> -> memref<125xi32, #tpu.memory_space<vmem>>
        %dma_wait3A_342 = arith.constant 0 : i32
        %dma_wait3A_343 = arith.constant 0 : i32
        %dma_wait3A_344 = tpu.memref_slice %arg17[%dma_wait3A_342, %dma_wait3A_343] : memref<10240x128xf32, #tpu.memory_space<vmem_shared>> -> memref<10240x128xf32, #tpu.memory_space<vmem_shared>>
        tpu.wait_indirect_dma semaphore(%arg19 : memref<!tpu.dma_semaphore, #tpu.memory_space<semaphore_mem>>) src(%dma_wait3A_338 : memref<125x128xf32, #tpu.memory_space<vmem>>) dst(%dma_wait3A_344 : memref<10240x128xf32, #tpu.memory_space<vmem_shared>>)
        %dma_wait3A_345 = arith.constant 9 : i32
        %dma_wait3A_346 = arith.constant 0 : i32
        %dma_wait3A_347 = arith.constant 0 : i32
        %dma_wait3A_348 = tpu.memref_slice %arg16[%scan3A_63, %dma_wait3A_346, %dma_wait3A_347] : memref<2x125x128xf32, #tpu.memory_space<vmem>> -> memref<1x125x128xf32, #tpu.memory_space<vmem>>
        %dma_wait3A_349 = tpu.memref_squeeze %dma_wait3A_348 : memref<1x125x128xf32, #tpu.memory_space<vmem>> -> memref<125x128xf32, #tpu.memory_space<vmem>>
        %dma_wait3A_350 = arith.constant 0 : i32
        %dma_wait3A_351 = tpu.memref_slice %arg14[%dma_wait3A_345, %dma_wait3A_350] : memref<16x125xi32, #tpu.memory_space<vmem>> -> memref<1x125xi32, #tpu.memory_space<vmem>>
        %dma_wait3A_352 = tpu.memref_squeeze %dma_wait3A_351 : memref<1x125xi32, #tpu.memory_space<vmem>> -> memref<125xi32, #tpu.memory_space<vmem>>
        %dma_wait3A_353 = arith.constant 0 : i32
        %dma_wait3A_354 = arith.constant 0 : i32
        %dma_wait3A_355 = tpu.memref_slice %arg17[%dma_wait3A_353, %dma_wait3A_354] : memref<10240x128xf32, #tpu.memory_space<vmem_shared>> -> memref<10240x128xf32, #tpu.memory_space<vmem_shared>>
        tpu.wait_indirect_dma semaphore(%arg19 : memref<!tpu.dma_semaphore, #tpu.memory_space<semaphore_mem>>) src(%dma_wait3A_349 : memref<125x128xf32, #tpu.memory_space<vmem>>) dst(%dma_wait3A_355 : memref<10240x128xf32, #tpu.memory_space<vmem_shared>>)
        %dma_wait3A_356 = arith.constant 10 : i32
        %dma_wait3A_357 = arith.constant 0 : i32
        %dma_wait3A_358 = arith.constant 0 : i32
        %dma_wait3A_359 = tpu.memref_slice %arg16[%scan3A_63, %dma_wait3A_357, %dma_wait3A_358] : memref<2x125x128xf32, #tpu.memory_space<vmem>> -> memref<1x125x128xf32, #tpu.memory_space<vmem>>
        %dma_wait3A_360 = tpu.memref_squeeze %dma_wait3A_359 : memref<1x125x128xf32, #tpu.memory_space<vmem>> -> memref<125x128xf32, #tpu.memory_space<vmem>>
        %dma_wait3A_361 = arith.constant 0 : i32
        %dma_wait3A_362 = tpu.memref_slice %arg14[%dma_wait3A_356, %dma_wait3A_361] : memref<16x125xi32, #tpu.memory_space<vmem>> -> memref<1x125xi32, #tpu.memory_space<vmem>>
        %dma_wait3A_363 = tpu.memref_squeeze %dma_wait3A_362 : memref<1x125xi32, #tpu.memory_space<vmem>> -> memref<125xi32, #tpu.memory_space<vmem>>
        %dma_wait3A_364 = arith.constant 0 : i32
        %dma_wait3A_365 = arith.constant 0 : i32
        %dma_wait3A_366 = tpu.memref_slice %arg17[%dma_wait3A_364, %dma_wait3A_365] : memref<10240x128xf32, #tpu.memory_space<vmem_shared>> -> memref<10240x128xf32, #tpu.memory_space<vmem_shared>>
        tpu.wait_indirect_dma semaphore(%arg19 : memref<!tpu.dma_semaphore, #tpu.memory_space<semaphore_mem>>) src(%dma_wait3A_360 : memref<125x128xf32, #tpu.memory_space<vmem>>) dst(%dma_wait3A_366 : memref<10240x128xf32, #tpu.memory_space<vmem_shared>>)
        %dma_wait3A_367 = arith.constant 11 : i32
        %dma_wait3A_368 = arith.constant 0 : i32
        %dma_wait3A_369 = arith.constant 0 : i32
        %dma_wait3A_370 = tpu.memref_slice %arg16[%scan3A_63, %dma_wait3A_368, %dma_wait3A_369] : memref<2x125x128xf32, #tpu.memory_space<vmem>> -> memref<1x125x128xf32, #tpu.memory_space<vmem>>
        %dma_wait3A_371 = tpu.memref_squeeze %dma_wait3A_370 : memref<1x125x128xf32, #tpu.memory_space<vmem>> -> memref<125x128xf32, #tpu.memory_space<vmem>>
        %dma_wait3A_372 = arith.constant 0 : i32
        %dma_wait3A_373 = tpu.memref_slice %arg14[%dma_wait3A_367, %dma_wait3A_372] : memref<16x125xi32, #tpu.memory_space<vmem>> -> memref<1x125xi32, #tpu.memory_space<vmem>>
        %dma_wait3A_374 = tpu.memref_squeeze %dma_wait3A_373 : memref<1x125xi32, #tpu.memory_space<vmem>> -> memref<125xi32, #tpu.memory_space<vmem>>
        %dma_wait3A_375 = arith.constant 0 : i32
        %dma_wait3A_376 = arith.constant 0 : i32
        %dma_wait3A_377 = tpu.memref_slice %arg17[%dma_wait3A_375, %dma_wait3A_376] : memref<10240x128xf32, #tpu.memory_space<vmem_shared>> -> memref<10240x128xf32, #tpu.memory_space<vmem_shared>>
        tpu.wait_indirect_dma semaphore(%arg19 : memref<!tpu.dma_semaphore, #tpu.memory_space<semaphore_mem>>) src(%dma_wait3A_371 : memref<125x128xf32, #tpu.memory_space<vmem>>) dst(%dma_wait3A_377 : memref<10240x128xf32, #tpu.memory_space<vmem_shared>>)
        %dma_wait3A_378 = arith.constant 12 : i32
        %dma_wait3A_379 = arith.constant 0 : i32
        %dma_wait3A_380 = arith.constant 0 : i32
        %dma_wait3A_381 = tpu.memref_slice %arg16[%scan3A_63, %dma_wait3A_379, %dma_wait3A_380] : memref<2x125x128xf32, #tpu.memory_space<vmem>> -> memref<1x125x128xf32, #tpu.memory_space<vmem>>
        %dma_wait3A_382 = tpu.memref_squeeze %dma_wait3A_381 : memref<1x125x128xf32, #tpu.memory_space<vmem>> -> memref<125x128xf32, #tpu.memory_space<vmem>>
        %dma_wait3A_383 = arith.constant 0 : i32
        %dma_wait3A_384 = tpu.memref_slice %arg14[%dma_wait3A_378, %dma_wait3A_383] : memref<16x125xi32, #tpu.memory_space<vmem>> -> memref<1x125xi32, #tpu.memory_space<vmem>>
        %dma_wait3A_385 = tpu.memref_squeeze %dma_wait3A_384 : memref<1x125xi32, #tpu.memory_space<vmem>> -> memref<125xi32, #tpu.memory_space<vmem>>
        %dma_wait3A_386 = arith.constant 0 : i32
        %dma_wait3A_387 = arith.constant 0 : i32
        %dma_wait3A_388 = tpu.memref_slice %arg17[%dma_wait3A_386, %dma_wait3A_387] : memref<10240x128xf32, #tpu.memory_space<vmem_shared>> -> memref<10240x128xf32, #tpu.memory_space<vmem_shared>>
        tpu.wait_indirect_dma semaphore(%arg19 : memref<!tpu.dma_semaphore, #tpu.memory_space<semaphore_mem>>) src(%dma_wait3A_382 : memref<125x128xf32, #tpu.memory_space<vmem>>) dst(%dma_wait3A_388 : memref<10240x128xf32, #tpu.memory_space<vmem_shared>>)
        %dma_wait3A_389 = arith.constant 13 : i32
        %dma_wait3A_390 = arith.constant 0 : i32
        %dma_wait3A_391 = arith.constant 0 : i32
        %dma_wait3A_392 = tpu.memref_slice %arg16[%scan3A_63, %dma_wait3A_390, %dma_wait3A_391] : memref<2x125x128xf32, #tpu.memory_space<vmem>> -> memref<1x125x128xf32, #tpu.memory_space<vmem>>
        %dma_wait3A_393 = tpu.memref_squeeze %dma_wait3A_392 : memref<1x125x128xf32, #tpu.memory_space<vmem>> -> memref<125x128xf32, #tpu.memory_space<vmem>>
        %dma_wait3A_394 = arith.constant 0 : i32
        %dma_wait3A_395 = tpu.memref_slice %arg14[%dma_wait3A_389, %dma_wait3A_394] : memref<16x125xi32, #tpu.memory_space<vmem>> -> memref<1x125xi32, #tpu.memory_space<vmem>>
        %dma_wait3A_396 = tpu.memref_squeeze %dma_wait3A_395 : memref<1x125xi32, #tpu.memory_space<vmem>> -> memref<125xi32, #tpu.memory_space<vmem>>
        %dma_wait3A_397 = arith.constant 0 : i32
        %dma_wait3A_398 = arith.constant 0 : i32
        %dma_wait3A_399 = tpu.memref_slice %arg17[%dma_wait3A_397, %dma_wait3A_398] : memref<10240x128xf32, #tpu.memory_space<vmem_shared>> -> memref<10240x128xf32, #tpu.memory_space<vmem_shared>>
        tpu.wait_indirect_dma semaphore(%arg19 : memref<!tpu.dma_semaphore, #tpu.memory_space<semaphore_mem>>) src(%dma_wait3A_393 : memref<125x128xf32, #tpu.memory_space<vmem>>) dst(%dma_wait3A_399 : memref<10240x128xf32, #tpu.memory_space<vmem_shared>>)
        %dma_wait3A_400 = arith.constant 14 : i32
        %dma_wait3A_401 = arith.constant 0 : i32
        %dma_wait3A_402 = arith.constant 0 : i32
        %dma_wait3A_403 = tpu.memref_slice %arg16[%scan3A_63, %dma_wait3A_401, %dma_wait3A_402] : memref<2x125x128xf32, #tpu.memory_space<vmem>> -> memref<1x125x128xf32, #tpu.memory_space<vmem>>
        %dma_wait3A_404 = tpu.memref_squeeze %dma_wait3A_403 : memref<1x125x128xf32, #tpu.memory_space<vmem>> -> memref<125x128xf32, #tpu.memory_space<vmem>>
        %dma_wait3A_405 = arith.constant 0 : i32
        %dma_wait3A_406 = tpu.memref_slice %arg14[%dma_wait3A_400, %dma_wait3A_405] : memref<16x125xi32, #tpu.memory_space<vmem>> -> memref<1x125xi32, #tpu.memory_space<vmem>>
        %dma_wait3A_407 = tpu.memref_squeeze %dma_wait3A_406 : memref<1x125xi32, #tpu.memory_space<vmem>> -> memref<125xi32, #tpu.memory_space<vmem>>
        %dma_wait3A_408 = arith.constant 0 : i32
        %dma_wait3A_409 = arith.constant 0 : i32
        %dma_wait3A_410 = tpu.memref_slice %arg17[%dma_wait3A_408, %dma_wait3A_409] : memref<10240x128xf32, #tpu.memory_space<vmem_shared>> -> memref<10240x128xf32, #tpu.memory_space<vmem_shared>>
        tpu.wait_indirect_dma semaphore(%arg19 : memref<!tpu.dma_semaphore, #tpu.memory_space<semaphore_mem>>) src(%dma_wait3A_404 : memref<125x128xf32, #tpu.memory_space<vmem>>) dst(%dma_wait3A_410 : memref<10240x128xf32, #tpu.memory_space<vmem_shared>>)
        %dma_wait3A_411 = arith.constant 15 : i32
        %dma_wait3A_412 = arith.constant 0 : i32
        %dma_wait3A_413 = arith.constant 0 : i32
        %dma_wait3A_414 = tpu.memref_slice %arg16[%scan3A_63, %dma_wait3A_412, %dma_wait3A_413] : memref<2x125x128xf32, #tpu.memory_space<vmem>> -> memref<1x125x128xf32, #tpu.memory_space<vmem>>
        %dma_wait3A_415 = tpu.memref_squeeze %dma_wait3A_414 : memref<1x125x128xf32, #tpu.memory_space<vmem>> -> memref<125x128xf32, #tpu.memory_space<vmem>>
        %dma_wait3A_416 = arith.constant 0 : i32
        %dma_wait3A_417 = tpu.memref_slice %arg14[%dma_wait3A_411, %dma_wait3A_416] : memref<16x125xi32, #tpu.memory_space<vmem>> -> memref<1x125xi32, #tpu.memory_space<vmem>>
        %dma_wait3A_418 = tpu.memref_squeeze %dma_wait3A_417 : memref<1x125xi32, #tpu.memory_space<vmem>> -> memref<125xi32, #tpu.memory_space<vmem>>
        %dma_wait3A_419 = arith.constant 0 : i32
        %dma_wait3A_420 = arith.constant 0 : i32
        %dma_wait3A_421 = tpu.memref_slice %arg17[%dma_wait3A_419, %dma_wait3A_420] : memref<10240x128xf32, #tpu.memory_space<vmem_shared>> -> memref<10240x128xf32, #tpu.memory_space<vmem_shared>>
        tpu.wait_indirect_dma semaphore(%arg19 : memref<!tpu.dma_semaphore, #tpu.memory_space<semaphore_mem>>) src(%dma_wait3A_415 : memref<125x128xf32, #tpu.memory_space<vmem>>) dst(%dma_wait3A_421 : memref<10240x128xf32, #tpu.memory_space<vmem_shared>>)
      }
      %scan3A_68 = arith.constant 5 : i32
    } else {
    }
    %barrier3A_52 = arith.constant 0 : index
    tpu.barrier barrier_id(%barrier3A_52)
    %eq3A_53 = arith.constant 0 : i32
    %eq3A_54 = arith.cmpi eq, %arg0, %eq3A_53 : i32
    %convert_element_type3A_55 = arith.extui %eq3A_54 : i1 to i32
    %cond3A_56 = arith.constant 0 : i32
    %cond3A_57 = arith.cmpi ne, %convert_element_type3A_55, %cond3A_56 : i32
    scf.if %cond3A_57 {
      "tpu.region"() ({
        %run_scoped3A_63 = tpu.sem_alloc : memref<!tpu.dma_semaphore, #tpu.memory_space<semaphore_mem>>
        %dma_start3A = arith.constant 0 : i32
        %dma_start3A_64 = tpu.memref_slice %arg12[%mul3A_0, %dma_start3A] : memref<10240x128xf32, #tpu.memory_space<hbm>> -> memref<640x128xf32, #tpu.memory_space<hbm>>
        %dma_start3A_65 = arith.constant 0 : i32
        %dma_start3A_66 = tpu.memref_slice %arg17[%mul3A_0, %dma_start3A_65] : memref<10240x128xf32, #tpu.memory_space<vmem_shared>> -> memref<640x128xf32, #tpu.memory_space<vmem_shared>>
        tpu.enqueue_dma source(%dma_start3A_66 : memref<640x128xf32, #tpu.memory_space<vmem_shared>>) target(%dma_start3A_64 : memref<640x128xf32, #tpu.memory_space<hbm>>) target_semaphore(%run_scoped3A_63 : memref<!tpu.dma_semaphore, #tpu.memory_space<semaphore_mem>>)
        %dma_wait3A = arith.constant 0 : i32
        %dma_wait3A_67 = tpu.memref_slice %arg12[%mul3A_0, %dma_wait3A] : memref<10240x128xf32, #tpu.memory_space<hbm>> -> memref<640x128xf32, #tpu.memory_space<hbm>>
        %dma_wait3A_68 = arith.constant 0 : i32
        %dma_wait3A_69 = tpu.memref_slice %arg17[%mul3A_0, %dma_wait3A_68] : memref<10240x128xf32, #tpu.memory_space<vmem_shared>> -> memref<640x128xf32, #tpu.memory_space<vmem_shared>>
        tpu.wait_dma2 semaphore(%run_scoped3A_63 : memref<!tpu.dma_semaphore, #tpu.memory_space<semaphore_mem>>) src(%dma_wait3A_69 : memref<640x128xf32, #tpu.memory_space<vmem_shared>>) dst(%dma_wait3A_67 : memref<640x128xf32, #tpu.memory_space<hbm>>)
        tpu.yield
      }) : () -> ()
    } else {
    }
    %eq3A_58 = arith.constant 1 : i32
    %eq3A_59 = arith.cmpi eq, %arg0, %eq3A_58 : i32
    %convert_element_type3A_60 = arith.extui %eq3A_59 : i1 to i32
    %cond3A_61 = arith.constant 0 : i32
    %cond3A_62 = arith.cmpi ne, %convert_element_type3A_60, %cond3A_61 : i32
    scf.if %cond3A_62 {
      "tpu.region"() ({
        %run_scoped3A_63 = tpu.sem_alloc : memref<!tpu.dma_semaphore, #tpu.memory_space<semaphore_mem>>
        %dma_start3A = arith.constant 0 : i32
        %dma_start3A_64 = tpu.memref_slice %arg13[%mul3A_0, %dma_start3A] : memref<10240x128xf32, #tpu.memory_space<hbm>> -> memref<640x128xf32, #tpu.memory_space<hbm>>
        %dma_start3A_65 = arith.constant 0 : i32
        %dma_start3A_66 = tpu.memref_slice %arg17[%mul3A_0, %dma_start3A_65] : memref<10240x128xf32, #tpu.memory_space<vmem_shared>> -> memref<640x128xf32, #tpu.memory_space<vmem_shared>>
        tpu.enqueue_dma source(%dma_start3A_66 : memref<640x128xf32, #tpu.memory_space<vmem_shared>>) target(%dma_start3A_64 : memref<640x128xf32, #tpu.memory_space<hbm>>) target_semaphore(%run_scoped3A_63 : memref<!tpu.dma_semaphore, #tpu.memory_space<semaphore_mem>>)
        %dma_wait3A = arith.constant 0 : i32
        %dma_wait3A_67 = tpu.memref_slice %arg13[%mul3A_0, %dma_wait3A] : memref<10240x128xf32, #tpu.memory_space<hbm>> -> memref<640x128xf32, #tpu.memory_space<hbm>>
        %dma_wait3A_68 = arith.constant 0 : i32
        %dma_wait3A_69 = tpu.memref_slice %arg17[%mul3A_0, %dma_wait3A_68] : memref<10240x128xf32, #tpu.memory_space<vmem_shared>> -> memref<640x128xf32, #tpu.memory_space<vmem_shared>>
        tpu.wait_dma2 semaphore(%run_scoped3A_63 : memref<!tpu.dma_semaphore, #tpu.memory_space<semaphore_mem>>) src(%dma_wait3A_69 : memref<640x128xf32, #tpu.memory_space<vmem_shared>>) dst(%dma_wait3A_67 : memref<640x128xf32, #tpu.memory_space<hbm>>)
        tpu.yield
      }) : () -> ()
    } else {
    }
    return
  }
}

module attributes {stable_mosaic.version = 14 : i64} {
  func.func @_gru_body(%arg0: i32, %arg1: memref<1000x256xf32, #tpu.memory_space<vmem>>, %arg2: memref<1000x128xf32, #tpu.memory_space<vmem>>, %arg3: memref<1000x128xf32, #tpu.memory_space<vmem>>, %arg4: memref<1000x128xf32, #tpu.memory_space<vmem>>, %arg5: memref<1000x128xf32, #tpu.memory_space<vmem>>, %arg6: memref<1000x128xf32, #tpu.memory_space<vmem>>, %arg7: memref<1000x128xf32, #tpu.memory_space<vmem>>, %arg8: memref<256x256xf32, #tpu.memory_space<vmem>>, %arg9: memref<256x256xf32, #tpu.memory_space<vmem>>, %arg10: memref<256x768xf32, #tpu.memory_space<vmem>>, %arg11: memref<256x768xf32, #tpu.memory_space<vmem>>, %arg12: memref<256x768xf32, #tpu.memory_space<vmem>>, %arg13: memref<1x256xf32, #tpu.memory_space<vmem>>, %arg14: memref<1x256xf32, #tpu.memory_space<vmem>>, %arg15: memref<1x768xf32, #tpu.memory_space<vmem>>, %arg16: memref<1x768xf32, #tpu.memory_space<vmem>>, %arg17: memref<1000x256xf32, #tpu.memory_space<vmem>>) attributes {dimension_semantics = [#tpu.dimension_semantics<arbitrary>], iteration_bounds = array<i64: 10>, scalar_prefetch = 0 : i64, scratch_operands = 0 : i64, tpu.core_type = #tpu.core_type<tc>, window_params = [{transform_indices = @transform_0, window_bounds = array<i64: 1000, 256>}, {transform_indices = @transform_1, window_bounds = array<i64: 1000, 128>}, {transform_indices = @transform_2, window_bounds = array<i64: 1000, 128>}, {transform_indices = @transform_3, window_bounds = array<i64: 1000, 128>}, {transform_indices = @transform_4, window_bounds = array<i64: 1000, 128>}, {transform_indices = @transform_5, window_bounds = array<i64: 1000, 128>}, {transform_indices = @transform_6, window_bounds = array<i64: 1000, 128>}, {pipeline_mode = #tpu.pipeline_mode<synchronous>, transform_indices = @transform_7, window_bounds = array<i64: 256, 256>}, {pipeline_mode = #tpu.pipeline_mode<synchronous>, transform_indices = @transform_8, window_bounds = array<i64: 256, 256>}, {pipeline_mode = #tpu.pipeline_mode<synchronous>, transform_indices = @transform_9, window_bounds = array<i64: 256, 768>}, {pipeline_mode = #tpu.pipeline_mode<synchronous>, transform_indices = @transform_10, window_bounds = array<i64: 256, 768>}, {pipeline_mode = #tpu.pipeline_mode<synchronous>, transform_indices = @transform_11, window_bounds = array<i64: 256, 768>}, {pipeline_mode = #tpu.pipeline_mode<synchronous>, transform_indices = @transform_12, window_bounds = array<i64: 1, 256>}, {pipeline_mode = #tpu.pipeline_mode<synchronous>, transform_indices = @transform_13, window_bounds = array<i64: 1, 256>}, {pipeline_mode = #tpu.pipeline_mode<synchronous>, transform_indices = @transform_14, window_bounds = array<i64: 1, 768>}, {pipeline_mode = #tpu.pipeline_mode<synchronous>, transform_indices = @transform_15, window_bounds = array<i64: 1, 768>}, {transform_indices = @transform_16, window_bounds = array<i64: 1000, 256>}]} {
    %get3A = arith.constant 0 : index
    %get3A_0 = arith.constant 0 : index
    %get3A_1 = vector.load %arg6[%get3A, %get3A_0] : memref<1000x128xf32, #tpu.memory_space<vmem>>, vector<1000x1xf32>
    %get3A_2 = arith.constant 0 : index
    %get3A_3 = arith.constant 0 : index
    %get3A_4 = vector.load %arg7[%get3A_2, %get3A_3] : memref<1000x128xf32, #tpu.memory_space<vmem>>, vector<1000x1xf32>
    %get3A_5 = arith.constant 0 : index
    %get3A_6 = arith.constant 0 : index
    %get3A_7 = vector.load %arg2[%get3A_5, %get3A_6] : memref<1000x128xf32, #tpu.memory_space<vmem>>, vector<1000x128xf32>
    %get3A_8 = arith.constant 0 : index
    %get3A_9 = arith.constant 0 : index
    %get3A_10 = vector.load %arg3[%get3A_8, %get3A_9] : memref<1000x128xf32, #tpu.memory_space<vmem>>, vector<1000x128xf32>
    %concatenate3A = tpu.concatenate %get3A_7, %get3A_10 in 1 : vector<1000x128xf32>, vector<1000x128xf32> -> vector<1000x256xf32>
    %get3A_11 = arith.constant 0 : index
    %get3A_12 = arith.constant 0 : index
    %get3A_13 = vector.load %arg4[%get3A_11, %get3A_12] : memref<1000x128xf32, #tpu.memory_space<vmem>>, vector<1000x128xf32>
    %get3A_14 = arith.constant 0 : index
    %get3A_15 = arith.constant 0 : index
    %get3A_16 = vector.load %arg5[%get3A_14, %get3A_15] : memref<1000x128xf32, #tpu.memory_space<vmem>>, vector<1000x128xf32>
    %concatenate3A_17 = tpu.concatenate %get3A_13, %get3A_16 in 1 : vector<1000x128xf32>, vector<1000x128xf32> -> vector<1000x256xf32>
    %get3A_18 = arith.constant 0 : index
    %get3A_19 = arith.constant 0 : index
    %get3A_20 = vector.load %arg1[%get3A_18, %get3A_19] : memref<1000x256xf32, #tpu.memory_space<vmem>>, vector<1000x256xf32>
    %gt3A = arith.constant 0.000000e+00 : f32
    %gt3A_21 = vector.broadcast %gt3A : f32 to vector<1000x1xf32>
    %gt3A_22 = arith.cmpf ogt, %get3A_1, %gt3A_21 : vector<1000x1xf32>
    %jit3A = arith.constant 1.000000e+00 : f32
    %jit3A_23 = arith.constant 0.000000e+00 : f32
    %broadcast_in_dim3A = vector.broadcast %jit3A : f32 to vector<1000x1xf32>
    %broadcast_in_dim3A_24 = vector.broadcast %jit3A_23 : f32 to vector<1000x1xf32>
    %select_n3A = arith.select %gt3A_22, %broadcast_in_dim3A, %broadcast_in_dim3A_24 : vector<1000x1xi1>, vector<1000x1xf32>
    %gt3A_25 = arith.constant 0.000000e+00 : f32
    %gt3A_26 = vector.broadcast %gt3A_25 : f32 to vector<1000x1xf32>
    %gt3A_27 = arith.cmpf ogt, %get3A_4, %gt3A_26 : vector<1000x1xf32>
    %jit3A_28 = arith.constant 1.000000e+00 : f32
    %jit3A_29 = arith.constant 0.000000e+00 : f32
    %broadcast_in_dim3A_30 = vector.broadcast %jit3A_28 : f32 to vector<1000x1xf32>
    %broadcast_in_dim3A_31 = vector.broadcast %jit3A_29 : f32 to vector<1000x1xf32>
    %select_n3A_32 = arith.select %gt3A_27, %broadcast_in_dim3A_30, %broadcast_in_dim3A_31 : vector<1000x1xi1>, vector<1000x1xf32>
    %max3A = arith.constant 1.000000e+00 : f32
    %max3A_33 = vector.broadcast %max3A : f32 to vector<1000x1xf32>
    %max3A_34 = arith.maximumf %get3A_1, %max3A_33 : vector<1000x1xf32>
    %div3A = arith.constant 1.000000e+00 : f32
    %div3A_35 = vector.broadcast %div3A : f32 to vector<1000x1xf32>
    %div3A_36 = arith.divf %div3A_35, %max3A_34 : vector<1000x1xf32>
    %mul3A = vector.broadcast %div3A_36 : vector<1000x1xf32> to vector<1000x256xf32>
    %mul3A_37 = arith.mulf %concatenate3A, %mul3A : vector<1000x256xf32>
    %get3A_38 = arith.constant 0 : index
    %get3A_39 = arith.constant 0 : index
    %get3A_40 = vector.load %arg8[%get3A_38, %get3A_39] : memref<256x256xf32, #tpu.memory_space<vmem>>, vector<256x256xf32>
    %dot_general3A = arith.constant dense<0.000000e+00> : vector<1000x256xf32>
    %dot_general3A_41 = tpu.matmul %mul3A_37, %get3A_40, %dot_general3A {dimension_numbers = #tpu.dot_dimension_numbers<[1], [0], [0], [1], [0, 0, 1, 1], [], []>, transpose_lhs_hint = false} : vector<1000x256xf32>, vector<256x256xf32>, vector<1000x256xf32> -> vector<1000x256xf32>
    %get3A_42 = arith.constant 0 : index
    %get3A_43 = arith.constant 0 : index
    %get3A_44 = vector.load %arg13[%get3A_42, %get3A_43] : memref<1x256xf32, #tpu.memory_space<vmem>>, vector<1x256xf32>
    %mul3A_45 = vector.broadcast %select_n3A : vector<1000x1xf32> to vector<1000x256xf32>
    %mul3A_46 = vector.broadcast %get3A_44 : vector<1x256xf32> to vector<1000x256xf32>
    %mul3A_47 = arith.mulf %mul3A_45, %mul3A_46 : vector<1000x256xf32>
    %add3A = arith.addf %dot_general3A_41, %mul3A_47 : vector<1000x256xf32>
    %max3A_48 = arith.constant 1.000000e+00 : f32
    %max3A_49 = vector.broadcast %max3A_48 : f32 to vector<1000x1xf32>
    %max3A_50 = arith.maximumf %get3A_4, %max3A_49 : vector<1000x1xf32>
    %div3A_51 = arith.constant 1.000000e+00 : f32
    %div3A_52 = vector.broadcast %div3A_51 : f32 to vector<1000x1xf32>
    %div3A_53 = arith.divf %div3A_52, %max3A_50 : vector<1000x1xf32>
    %mul3A_54 = vector.broadcast %div3A_53 : vector<1000x1xf32> to vector<1000x256xf32>
    %mul3A_55 = arith.mulf %concatenate3A_17, %mul3A_54 : vector<1000x256xf32>
    %get3A_56 = arith.constant 0 : index
    %get3A_57 = arith.constant 0 : index
    %get3A_58 = vector.load %arg9[%get3A_56, %get3A_57] : memref<256x256xf32, #tpu.memory_space<vmem>>, vector<256x256xf32>
    %dot_general3A_59 = arith.constant dense<0.000000e+00> : vector<1000x256xf32>
    %dot_general3A_60 = tpu.matmul %mul3A_55, %get3A_58, %dot_general3A_59 {dimension_numbers = #tpu.dot_dimension_numbers<[1], [0], [0], [1], [0, 0, 1, 1], [], []>, transpose_lhs_hint = false} : vector<1000x256xf32>, vector<256x256xf32>, vector<1000x256xf32> -> vector<1000x256xf32>
    %get3A_61 = arith.constant 0 : index
    %get3A_62 = arith.constant 0 : index
    %get3A_63 = vector.load %arg14[%get3A_61, %get3A_62] : memref<1x256xf32, #tpu.memory_space<vmem>>, vector<1x256xf32>
    %mul3A_64 = vector.broadcast %select_n3A_32 : vector<1000x1xf32> to vector<1000x256xf32>
    %mul3A_65 = vector.broadcast %get3A_63 : vector<1x256xf32> to vector<1000x256xf32>
    %mul3A_66 = arith.mulf %mul3A_64, %mul3A_65 : vector<1000x256xf32>
    %add3A_67 = arith.addf %dot_general3A_60, %mul3A_66 : vector<1000x256xf32>
    %get3A_68 = arith.constant 0 : index
    %get3A_69 = arith.constant 0 : index
    %get3A_70 = vector.load %arg10[%get3A_68, %get3A_69] : memref<256x768xf32, #tpu.memory_space<vmem>>, vector<256x768xf32>
    %dot_general3A_71 = arith.constant dense<0.000000e+00> : vector<1000x768xf32>
    %dot_general3A_72 = tpu.matmul %add3A, %get3A_70, %dot_general3A_71 {dimension_numbers = #tpu.dot_dimension_numbers<[1], [0], [0], [1], [0, 0, 1, 1], [], []>, transpose_lhs_hint = false} : vector<1000x256xf32>, vector<256x768xf32>, vector<1000x768xf32> -> vector<1000x768xf32>
    %get3A_73 = arith.constant 0 : index
    %get3A_74 = arith.constant 0 : index
    %get3A_75 = vector.load %arg11[%get3A_73, %get3A_74] : memref<256x768xf32, #tpu.memory_space<vmem>>, vector<256x768xf32>
    %dot_general3A_76 = arith.constant dense<0.000000e+00> : vector<1000x768xf32>
    %dot_general3A_77 = tpu.matmul %add3A_67, %get3A_75, %dot_general3A_76 {dimension_numbers = #tpu.dot_dimension_numbers<[1], [0], [0], [1], [0, 0, 1, 1], [], []>, transpose_lhs_hint = false} : vector<1000x256xf32>, vector<256x768xf32>, vector<1000x768xf32> -> vector<1000x768xf32>
    %add3A_78 = arith.addf %dot_general3A_72, %dot_general3A_77 : vector<1000x768xf32>
    %get3A_79 = arith.constant 0 : index
    %get3A_80 = arith.constant 0 : index
    %get3A_81 = vector.load %arg15[%get3A_79, %get3A_80] : memref<1x768xf32, #tpu.memory_space<vmem>>, vector<1x768xf32>
    %add3A_82 = vector.broadcast %get3A_81 : vector<1x768xf32> to vector<1000x768xf32>
    %add3A_83 = arith.addf %add3A_78, %add3A_82 : vector<1000x768xf32>
    %get3A_84 = arith.constant 0 : index
    %get3A_85 = arith.constant 0 : index
    %get3A_86 = vector.load %arg12[%get3A_84, %get3A_85] : memref<256x768xf32, #tpu.memory_space<vmem>>, vector<256x768xf32>
    %dot_general3A_87 = arith.constant dense<0.000000e+00> : vector<1000x768xf32>
    %dot_general3A_88 = tpu.matmul %get3A_20, %get3A_86, %dot_general3A_87 {dimension_numbers = #tpu.dot_dimension_numbers<[1], [0], [0], [1], [0, 0, 1, 1], [], []>, transpose_lhs_hint = false} : vector<1000x256xf32>, vector<256x768xf32>, vector<1000x768xf32> -> vector<1000x768xf32>
    %get3A_89 = arith.constant 0 : index
    %get3A_90 = arith.constant 0 : index
    %get3A_91 = vector.load %arg16[%get3A_89, %get3A_90] : memref<1x768xf32, #tpu.memory_space<vmem>>, vector<1x768xf32>
    %add3A_92 = vector.broadcast %get3A_91 : vector<1x768xf32> to vector<1000x768xf32>
    %add3A_93 = arith.addf %dot_general3A_88, %add3A_92 : vector<1000x768xf32>
    %slice3A = vector.extract_strided_slice %add3A_83 {offsets = [0, 0], sizes = [1000, 256], strides = [1, 1]} : vector<1000x768xf32> to vector<1000x256xf32>
    %slice3A_94 = vector.extract_strided_slice %add3A_93 {offsets = [0, 0], sizes = [1000, 256], strides = [1, 1]} : vector<1000x768xf32> to vector<1000x256xf32>
    %add3A_95 = arith.addf %slice3A, %slice3A_94 : vector<1000x256xf32>
    %logistic3A = arith.negf %add3A_95 : vector<1000x256xf32>
    %logistic3A_96 = math.exp %logistic3A : vector<1000x256xf32>
    %logistic3A_97 = arith.constant 1.000000e+00 : f32
    %logistic3A_98 = vector.broadcast %logistic3A_97 : f32 to vector<1000x256xf32>
    %logistic3A_99 = arith.addf %logistic3A_98, %logistic3A_96 : vector<1000x256xf32>
    %logistic3A_100 = arith.divf %logistic3A_98, %logistic3A_99 : vector<1000x256xf32>
    %slice3A_101 = vector.extract_strided_slice %add3A_83 {offsets = [0, 256], sizes = [1000, 256], strides = [1, 1]} : vector<1000x768xf32> to vector<1000x256xf32>
    %slice3A_102 = vector.extract_strided_slice %add3A_93 {offsets = [0, 256], sizes = [1000, 256], strides = [1, 1]} : vector<1000x768xf32> to vector<1000x256xf32>
    %add3A_103 = arith.addf %slice3A_101, %slice3A_102 : vector<1000x256xf32>
    %logistic3A_104 = arith.negf %add3A_103 : vector<1000x256xf32>
    %logistic3A_105 = math.exp %logistic3A_104 : vector<1000x256xf32>
    %logistic3A_106 = arith.constant 1.000000e+00 : f32
    %logistic3A_107 = vector.broadcast %logistic3A_106 : f32 to vector<1000x256xf32>
    %logistic3A_108 = arith.addf %logistic3A_107, %logistic3A_105 : vector<1000x256xf32>
    %logistic3A_109 = arith.divf %logistic3A_107, %logistic3A_108 : vector<1000x256xf32>
    %slice3A_110 = vector.extract_strided_slice %add3A_83 {offsets = [0, 512], sizes = [1000, 256], strides = [1, 1]} : vector<1000x768xf32> to vector<1000x256xf32>
    %slice3A_111 = vector.extract_strided_slice %add3A_93 {offsets = [0, 512], sizes = [1000, 256], strides = [1, 1]} : vector<1000x768xf32> to vector<1000x256xf32>
    %mul3A_112 = arith.mulf %logistic3A_100, %slice3A_111 : vector<1000x256xf32>
    %add3A_113 = arith.addf %slice3A_110, %mul3A_112 : vector<1000x256xf32>
    %tanh3A = math.tanh %add3A_113 : vector<1000x256xf32>
    %sub3A = arith.constant 1.000000e+00 : f32
    %sub3A_114 = vector.broadcast %sub3A : f32 to vector<1000x256xf32>
    %sub3A_115 = arith.subf %sub3A_114, %logistic3A_109 : vector<1000x256xf32>
    %mul3A_116 = arith.mulf %sub3A_115, %get3A_20 : vector<1000x256xf32>
    %mul3A_117 = arith.mulf %logistic3A_109, %tanh3A : vector<1000x256xf32>
    %add3A_118 = arith.addf %mul3A_116, %mul3A_117 : vector<1000x256xf32>
    %swap3A = arith.constant 0 : index
    %swap3A_119 = arith.constant 0 : index
    %swap3A_120 = vector.load %arg17[%swap3A, %swap3A_119] : memref<1000x256xf32, #tpu.memory_space<vmem>>, vector<1000x256xf32>
    tpu.vector_store %arg17[%swap3A, %swap3A_119], %add3A_118 {strides = array<i32>} : memref<1000x256xf32, #tpu.memory_space<vmem>>, vector<1000x256xf32>,
    return
  }
  func.func @transform_0(%arg0: i32) -> (i32, i32) {
    %c0_i32 = arith.constant 0 : i32
    %c0_i32_0 = arith.constant 0 : i32
    return %arg0, %c0_i32 : i32, i32
  }
  func.func @transform_1(%arg0: i32) -> (i32, i32) {
    %c0_i32 = arith.constant 0 : i32
    %c0_i32_0 = arith.constant 0 : i32
    return %arg0, %c0_i32 : i32, i32
  }
  func.func @transform_2(%arg0: i32) -> (i32, i32) {
    %c0_i32 = arith.constant 0 : i32
    %c0_i32_0 = arith.constant 0 : i32
    return %arg0, %c0_i32 : i32, i32
  }
  func.func @transform_3(%arg0: i32) -> (i32, i32) {
    %c0_i32 = arith.constant 0 : i32
    %c0_i32_0 = arith.constant 0 : i32
    return %arg0, %c0_i32 : i32, i32
  }
  func.func @transform_4(%arg0: i32) -> (i32, i32) {
    %c0_i32 = arith.constant 0 : i32
    %c0_i32_0 = arith.constant 0 : i32
    return %arg0, %c0_i32 : i32, i32
  }
  func.func @transform_5(%arg0: i32) -> (i32, i32) {
    %c0_i32 = arith.constant 0 : i32
    %c0_i32_0 = arith.constant 0 : i32
    return %arg0, %c0_i32 : i32, i32
  }
  func.func @transform_6(%arg0: i32) -> (i32, i32) {
    %c0_i32 = arith.constant 0 : i32
    %c0_i32_0 = arith.constant 0 : i32
    return %arg0, %c0_i32 : i32, i32
  }
  func.func @transform_7(%arg0: i32) -> (i32, i32) {
    %c0_i32 = arith.constant 0 : i32
    %c0_i32_0 = arith.constant 0 : i32
    %c0_i32_1 = arith.constant 0 : i32
    return %c0_i32, %c0_i32_0 : i32, i32
  }
  func.func @transform_8(%arg0: i32) -> (i32, i32) {
    %c0_i32 = arith.constant 0 : i32
    %c0_i32_0 = arith.constant 0 : i32
    %c0_i32_1 = arith.constant 0 : i32
    return %c0_i32, %c0_i32_0 : i32, i32
  }
  func.func @transform_9(%arg0: i32) -> (i32, i32) {
    %c0_i32 = arith.constant 0 : i32
    %c0_i32_0 = arith.constant 0 : i32
    %c0_i32_1 = arith.constant 0 : i32
    return %c0_i32, %c0_i32_0 : i32, i32
  }
  func.func @transform_10(%arg0: i32) -> (i32, i32) {
    %c0_i32 = arith.constant 0 : i32
    %c0_i32_0 = arith.constant 0 : i32
    %c0_i32_1 = arith.constant 0 : i32
    return %c0_i32, %c0_i32_0 : i32, i32
  }
  func.func @transform_11(%arg0: i32) -> (i32, i32) {
    %c0_i32 = arith.constant 0 : i32
    %c0_i32_0 = arith.constant 0 : i32
    %c0_i32_1 = arith.constant 0 : i32
    return %c0_i32, %c0_i32_0 : i32, i32
  }
  func.func @transform_12(%arg0: i32) -> (i32, i32) {
    %c0_i32 = arith.constant 0 : i32
    %c0_i32_0 = arith.constant 0 : i32
    %c0_i32_1 = arith.constant 0 : i32
    return %c0_i32, %c0_i32_0 : i32, i32
  }
  func.func @transform_13(%arg0: i32) -> (i32, i32) {
    %c0_i32 = arith.constant 0 : i32
    %c0_i32_0 = arith.constant 0 : i32
    %c0_i32_1 = arith.constant 0 : i32
    return %c0_i32, %c0_i32_0 : i32, i32
  }
  func.func @transform_14(%arg0: i32) -> (i32, i32) {
    %c0_i32 = arith.constant 0 : i32
    %c0_i32_0 = arith.constant 0 : i32
    %c0_i32_1 = arith.constant 0 : i32
    return %c0_i32, %c0_i32_0 : i32, i32
  }
  func.func @transform_15(%arg0: i32) -> (i32, i32) {
    %c0_i32 = arith.constant 0 : i32
    %c0_i32_0 = arith.constant 0 : i32
    %c0_i32_1 = arith.constant 0 : i32
    return %c0_i32, %c0_i32_0 : i32, i32
  }
  func.func @transform_16(%arg0: i32) -> (i32, i32) {
    %c0_i32 = arith.constant 0 : i32
    %c0_i32_0 = arith.constant 0 : i32
    return %arg0, %c0_i32 : i32, i32
  }
}

</mosaic_0001>

<sc_bundles>
// kernel: kernel.4.cloned.1.call-start
scs
__scs_entry_jumppad:
0x0: {  	(pc) =	sbr.rel $0x88, $3  }
0x1: {  	(tag) =	ssettag $0x0;
	lr =	simm.s32 $0x1  }
0x2: {  	[smem:$0x3F97] =	sst lr;
	_ =	strace $0xD0000000  }
0x3: {  	_ = 	snop  }
0x4: {  	_ = 	snop  }
0x5: {  	_ = 	snop  }
0x6: {  	_ = 	snop  }
0x7: {  	_ = 	snop  }
__scs_overlays_trampoline_lowered:
0x8: {  	[smem:$0x3FA6] =	sst s0  }
0x9: {  	[smem:$0x3FA7] =	sst s1  }
0xa: {  	[smem:$0x3FA8] =	sst s2  }
0xb: {  	[smem:$0x3FA9] =	sst s3  }
0xc: {  	[smem:$0x3FAA] =	sst s4  }
0xd: {  	[smem:$0x3FAB] =	sst s5  }
0xe: {  	[smem:$0x3FAC] =	sst s6  }
0xf: {  	[smem:$0x3FAD] =	sst s7  }
0x10: {  	[smem:$0x3FAE] =	sst s8  }
0x11: {  	[smem:$0x3FAF] =	sst s9;
	s0 =	simm.s32 @!p0 $0x0  }
0x12: {  	s1 =	sld [smem:$0x3F95];
	s0 =	simm.s32 @p0 $0x1  }
0x13: {  	[smem:$0x3FB0] =	sst s0;
	s0 =	simm.s32 @!p1 $0x0  }
0x14: {  	s2 =	sld [smem:$0x3F94];
	s0 =	simm.s32 @p1 $0x1  }
0x15: {  	[smem:$0x3FB1] =	sst s0;
	s0 =	simm.s32 @!p2 $0x0  }
0x16: {  	s3 =	sld [smem:$0x3FDB];
	s0 =	simm.s32 @p2 $0x1  }
0x17: {  	s4 =	simm.s32 $0x1BF5;
	[smem:$0x3FB3] =	sst s0  }
0x18: {  	s0 =	sld [smem:$0x3F96];
	_ =	swait.ge [sflag:s4], $0x0  }
0x19: {  	s7 =	sld [smem:$0x3F97]  }
0x1a: {  	s8 =	sadd.s32 $0xFFFFE003, lr  }
0x1b: {  	s9 =	sadd.s32 $0xFFFFFEF7, lr;
	s5 =	simm.s32 $0xFFFFFFFF;
	p2 =	slt.u32 s8, $0xFFFFF086  }
0x1c: {  	p1 =	slt.u32 s9, $0xF7A;
	s5 =	simm.s32 @!p2 $0x0  }
0x1d: {  	s5 =	simm.s32 @p1 $0x1;
	p0 =	seq.s32 s7, s2  }
0x1e: {  	s7 =	smul.u32 @!p0 $0xF7A, s2;
	p2 =	seq.s32 @!p0 s5, $0x0  }
0x1f: {  	s9 =	smul.u32 $0xF7A, s1;
	s8 =	simm.s32 @!p0 $0x1BF5;
	p2 =	por !p2, p0  }
0x20: {  	[sflag:s8] =	ssyncset.s32 @!p0 $0xFFFFF086;
	s6 =	sadd.s32 @!p0 s3, s7;
	s7 =	simm.s32 @!p0 $0x108  }
0x21: {  	s3 =	sadd.s32 s3, s9;
	s6 =	sadd.s32 @!p0 $0x88, s6;
	s7 =	simm.s32 @p2 $0x1082  }
0x22: {  	[simem:s7], [sflag:s8] =	dma.local @!p0 [hbm:s6], $0xF7A  }
0x23: {  	s9 =	sor.u32 $0xD0000000, s2;
	s6 =	simm.s32 $0x108;
	_ =	swait.ge @!p0 [sflag:s8], $0x0  }
0x24: {  	s3 =	sadd.s32 $0x88, s3;
	s6 =	simm.s32 @!p1 $0x1082;
	[sflag:s4] =	ssyncset.s32 $0xFFFFF086  }
0x25: {  	[simem:s6], [sflag:s4] =	dma.local [hbm:s3], $0xF7A  }
0x26: {  	[smem:$0x3F97] =	sst s1;
	(tag) =	ssettag s2;
	_ =	strace s9  }
0x27: {  	s1 =	sld [smem:$0x3FA7]  }
0x28: {  	s2 =	sld [smem:$0x3FA8]  }
0x29: {  	s4 =	sld [smem:$0x3FAA]  }
0x2a: {  	p0 =	seq.s32 s5, $0x0;
	s5 =	sld [smem:$0x3FAB]  }
0x2b: {  	s6 =	sld [smem:$0x3FAC]  }
0x2c: {  	s7 =	sld [smem:$0x3FAD]  }
0x2d: {  	s3 =	simm.s32 $0x108;
	s8 =	sld [smem:$0x3FAE]  }
0x2e: {  	s3 =	simm.s32 @!p0 $0x1082;
	s9 =	sld [smem:$0x3FAF]  }
0x2f: {  	lr =	sadd.s32 s0, s3;
	s0 =	sld [smem:$0x3FA6]  }
0x30: {  	s3 =	sld [smem:$0x3FA9]  }
0x31: {  	[smem:$0x3FB2] =	sst s10  }
0x32: {  	s10 =	sld [smem:$0x3FB0];
	_ =	sdelay $0x3  }
0x33: {  	p0 =	seq.s32 s10, $0x1;
	s10 =	sld [smem:$0x3FB2];
	_ =	sdelay $0x3  }
0x34: {  	[smem:$0x3FB2] =	sst s10  }
0x35: {  	s10 =	sld [smem:$0x3FB1];
	_ =	sdelay $0x3  }
0x36: {  	p1 =	seq.s32 s10, $0x1;
	s10 =	sld [smem:$0x3FB2];
	_ =	sdelay $0x3  }
0x37: {  	[smem:$0x3FB2] =	sst s10  }
0x38: {  	s10 =	sld [smem:$0x3FB3]  }
0x39: {  	_ = 	snop;
	(pc) =	sbr.ind lr, $3  }
0x3a: {  	_ = 	snop  }
0x3b: {  	_ = 	snop  }
0x3c: {  	p2 =	seq.s32 s10, $0x1;
	s10 =	sld [smem:$0x3FB2]  }
0x3d: {  	_ =	shalt  }
0x3e: {  	_ =	shalt  }
0x3f: {  	_ =	shalt  }
0x40: {  	_ =	shalt  }
0x41: {  	_ =	shalt  }
0x42: {  	_ =	shalt  }
0x43: {  	_ =	shalt  }
0x44: {  	_ =	shalt  }
0x45: {  	_ =	shalt  }
0x46: {  	_ =	shalt  }
0x47: {  	_ =	shalt  }
0x48: {  	_ =	shalt  }
0x49: {  	_ =	shalt  }
0x4a: {  	_ =	shalt  }
0x4b: {  	_ =	shalt  }
0x4c: {  	_ =	shalt  }
0x4d: {  	_ =	shalt  }
0x4e: {  	_ =	shalt  }
0x4f: {  	_ =	shalt  }
0x50: {  	_ =	shalt  }
0x51: {  	_ =	shalt  }
0x52: {  	_ =	shalt  }
0x53: {  	_ =	shalt  }
0x54: {  	_ =	shalt  }
0x55: {  	_ =	shalt  }
0x56: {  	_ =	shalt  }
0x57: {  	_ =	shalt  }
0x58: {  	_ =	shalt  }
0x59: {  	_ =	shalt  }
0x5a: {  	_ =	shalt  }
0x5b: {  	_ =	shalt  }
0x5c: {  	_ =	shalt  }
0x5d: {  	_ =	shalt  }
0x5e: {  	_ =	shalt  }
0x5f: {  	_ =	shalt  }
0x60: {  	_ =	shalt  }
0x61: {  	_ =	shalt  }
0x62: {  	_ =	shalt  }
0x63: {  	_ =	shalt  }
0x64: {  	_ =	shalt  }
0x65: {  	_ =	shalt  }
0x66: {  	_ =	shalt  }
0x67: {  	_ =	shalt  }
0x68: {  	_ =	shalt  }
0x69: {  	_ =	shalt  }
0x6a: {  	_ =	shalt  }
0x6b: {  	_ =	shalt  }
0x6c: {  	_ =	shalt  }
0x6d: {  	_ =	shalt  }
0x6e: {  	_ =	shalt  }
0x6f: {  	_ =	shalt  }
0x70: {  	_ =	shalt  }
0x71: {  	_ =	shalt  }
0x72: {  	_ =	shalt  }
0x73: {  	_ =	shalt  }
0x74: {  	_ =	shalt  }
0x75: {  	_ =	shalt  }
0x76: {  	_ =	shalt  }
0x77: {  	_ =	shalt  }
0x78: {  	_ =	shalt  }
0x79: {  	_ =	shalt  }
0x7a: {  	_ =	shalt  }
0x7b: {  	_ =	shalt  }
0x7c: {  	_ =	shalt  }
0x7d: {  	_ =	shalt  }
0x7e: {  	_ =	shalt  }
0x7f: {  	_ =	shalt  }
0x80: {  	_ =	shalt  }
0x81: {  	_ =	shalt  }
0x82: {  	_ =	shalt  }
0x83: {  	_ =	shalt  }
0x84: {  	_ =	shalt  }
0x85: {  	_ =	shalt  }
0x86: {  	_ =	shalt  }
0x87: {  	_ =	shalt  }
.Lfunc_end0:
.L_simem_size_0:
called_computation_lowered:
.L_overlay_start_0:
0x88: {  	s2 =	sld [smem:$0x3FD9]  }
0x89: {  	s3 =	sld [smem:$0x3FFE];
	_ =	sdelay $0x1  }
0x8a: {  	s1 =	srdreg.scid  }
0x8b: {  	s0 =	sand.u32 $0x1, s1  }
0x8c: {  	s17 =	sshll.u32 s0, $0xA;
	s2 =	sadd.s32 s3, s2  }
0x8d: {  	s2 =	sadd.s32 s2, s17  }
0x8e: {  	[smem:$0x3FBE] =	sst s2  }
0x8f: {  	_ = 	snop  }
0x90: {  	s2 =	sld [smem:$0x3FD0];
	(tm) =	ssettm $0x1  }
0x91: {  	s18 =	sld [smem:$0x3FFB];
	_ =	sdelay $0x3  }
0x92: {  	_ =	strace s18  }
0x93: {  	s3 =	sld [smem:$0x3FFC];
	_ =	sdelay $0x3  }
0x94: {  	_ =	strace s3  }
0x95: {  	s3 =	sld [smem:$0x3FFD];
	_ =	sdelay $0x3  }
0x96: {  	_ =	strace s3  }
0x97: {  	_ =	strace $0x8FFFFFFF  }
0x98: {  	s19 =	sld [smem:$0x3FDB];
	_ =	sdelay $0x1  }
0x99: {  	s4 =	simm.s32 $_scs_section_size  }
0x9a: {  	s5 =	simm.s32 $_size__tile_overlayer_lowered;
	s6 =	simm.s32 $_tile_overlayer_lowered  }
0x9b: {  	s22 =	simm.s32 $0x1BFF;
	s21 =	sshll.u32 s6, $0x1;
	s3 =	sadd.s32 s4, s19  }
0x9c: {  	s7 =	simm.s32 $0x0;
	s20 =	sshll.u32 s5, $0x1;
	s5 =	sadd.s32 s21, s3  }
0x9d: {  	[timem:s7], [sflag:s22] =	dma.local [hbm:s5], s20  }
0x9e: {  	_ =	swait.ge [sflag:s22], s20  }
0x9f: {  	s4 =	ssub.s32 $0x0, s20;
	[sflag:s22] =	ssyncset.done $0x0  }
0xa0: {  	[sflag:s22] =	ssyncadd.s32 s4;
	_ =	sdelay $0x1  }
0xa1: {  	s23 =	simm.s32 $0x1B8B  }
0xa2: {  	_ =	swait.ge [sflag:s23], $0x1  }
0xa3: {  	[sflag:s23] =	ssyncset.done $0x0  }
0xa4: {  	s25 =	simm.s32 $0x1B8E;
	s24 =	sld [smem:$0x3FFE];
	[sflag:s23] =	ssyncadd.s32 $0xFFFFFFFF  }
0xa5: {  	s26 =	simm.s32 $execute0_lowered;
	[smem:$0x3FD2] =	sst s25  }
0xa6: {  	s5 =	sshll.u32 s26, $0x1;
	_ =	strace $0x80000046;
	[dreg:$0x1] =	wrdreg $0xFFFFFFFF  }
0xa7: {  	s28 =	simm.s32 $_size_execute0_lowered;
	s3 =	sadd.s32 s3, s5;
	[dreg:$0x0] =	wrdreg $0x0  }
0xa8: {  	s5 =	sshll.u32 s28, $0x1;
	[dreg:$0x2] =	wrdreg s3  }
0xa9: {  	[dreg:$0x3] =	wrdreg s5  }
0xaa: {  	[dreg:$0x4] =	wrdreg $0xC0  }
0xab: {  	_ =	task [dreg:s7], $0x5FFFF  }
0xac: {  	[dreg:$0x1] =	wrdreg $0xFFFFFFFF  }
0xad: {  	[dreg:$0x0] =	wrdreg $0x60  }
0xae: {  	[dreg:$0x2] =	wrdreg s24  }
0xaf: {  	[dreg:$0x3] =	wrdreg s2  }
0xb0: {  	[dreg:$0x4] =	wrdreg $0x89000  }
0xb1: {  	[dreg:$0x5] =	wrdreg $0x9  }
0xb2: {  	_ =	task.clear_ibuf [dreg:s7], $0x6FFFF;
	_ =	strace $0x90000046  }
0xb3: {  	s29 =	simm.s32 $0x9;
	_ =	strace $0x80000048  }
0xb4: {  	_ =	swait.ge [sflag:s29], $0x1  }
0xb5: {  	[sflag:s29] =	ssyncadd.s32 $0xFFFFFFFF  }
0xb6: {  	_ =	strace $0x90000048  }
0xb7: {  	_ =	sfence  }
0xb8: {  	s30 =	sld [smem:$0x0];
	_ =	sdelay $0x2  }
0xb9: {  	s31 =	sshll.u32 s1, $0xD;
	s1 =	sshrl.u32 s1, $0x2  }
0xba: {  	s3 =	sand.u32 $0x4000, s31;
	s1 =	sadd.s32 s1, s30  }
0xbb: {  	s0 =	sor.u32 s3, s0;
	s1 =	sshll.u32 s1, $0x11  }
0xbc: {  	s0 =	sor.u32 s1, s0  }
0xbd: {  	s0 =	sadd.s32 $0x8F2B, s0  }
0xbe: {  	[sflag:s0] =	ssyncadd.remote.s32 $0x1  }
0xbf: {  	_ =	sfence.sel $0xFFFF  }
0xc0: {  	[dreg:$0x0] =	wrdreg $0xFFFFFFFF;
	(pc) =	sbr.abs _section_cstart, $3  }
0xc1: {  	[dreg:$0x1] =	wrdreg $0xFFFFFFFF  }
0xc2: {  	_ =	task.clear_ibuf [dreg:s7], $0x2FFFF;
	_ =	strace $0x9FFFFFFF  }
0xc3: {  	(tm) =	ssettm $0x7FFFFFFF  }
tec
execute0_lowered:
.L_overlay_start_1:
0x0: {  	(tag) =	ssettag $0x1  }
0x1: {  	s0 =	rddreg [dreg:$0x0]  }
0x2: {  	s3 =	rddreg [dreg:$0x1]  }
0x3: {  	s1 =	rddreg [dreg:$0x2]  }
0x4: {  	s2 =	simm.s32 $0x0;
	s9 =	stileid.u32;
	s16 =	srdreg.scid  }
0x5: {  	s31 =	simm.s32 $0x4;
	s28 =	simm.s32 $0x380;
	s29 =	simm.s32 $0x400  }
0x6: {  	s30 =	simm.s32 $0x480;
	[smem:$0x7FF] =	sst s2;
	s4 =	sadd.s32 $0x28E00, s0  }
0x7: {  	s5 =	sadd.s32 $0x5A000, s0;
	_ =	strace $0x80000047;
	[dreg:$0x6] =	wrdreg s4  }
0x8: {  	s10 =	sadd.s32 $0x50000, s0;
	s17 =	sadd.s32 $0x5C800, s0;
	[dreg:$0x9] =	wrdreg s5  }
0x9: {  	s11 =	sadd.s32 $0x55000, s0;
	s13 =	sadd.s32 $0xD5000, s0;
	[dreg:$0xa] =	wrdreg s17  }
0xa: {  	s24 =	sadd.s32 $0x1C00, s0;
	s12 =	smul.u32 $0x2800, s9;
	[dreg:$0xb] =	wrdreg s13  }
0xb: {  	s8 =	smul.u32 $0x50000, s9;
	s21 =	sshll.u32 s9, $0x6;
	[dreg:$0x5] =	wrdreg s11  }
0xc: {  	s4 =	sand.u32 $0x1, s16;
	s17 =	smul.u32 $0x500, s9;
	[dreg:$0x4] =	wrdreg s10  }
0xd: {  	s13 =	simm.s32 $0x80;
	s9 =	simm.s32 $0x680;
	[dreg:$0x7] =	wrdreg s24  }
0xe: {  	s18 =	ssub.s32 $0x2, s4;
	s6 =	sadd.s32 s12, s0;
	s0 =	sadd.s32 $0xFD000, s0  }
0xf: {  	s20 =	sshrl.u32 s8, $0x2;
	s22 =	sshrl.u32 s12, $0x3;
	[dreg:$0x8] =	wrdreg s12  }
0x10: {  	s3 =	sadd.s32 s3, s12;
	p0 =	sne.s32 s4, $0x0;
	[dreg:$0xc] =	wrdreg s0  }
0x11: {  	s12 =	simm.s32 $0x500;
	s5 =	sadd.s32 s20, s1;
	[dreg:$0x11] =	wrdreg s3  }
0x12: {  	s7 =	sshrl.u32 s18, $0x1;
	s26 =	sadd.s32 $0x5D000, s6;
	[dreg:$0xd] =	wrdreg s5  }
0x13: {  	s23 =	sadd.s32 s10, s22;
	s15 =	sadd.s32 $0xAD000, s6;
	[dreg:$0x10] =	wrdreg s26  }
0x14: {  	s14 =	sadd.s32 s11, s22;
	s6 =	sadd.s32 $0x85000, s6;
	[dreg:$0x13] =	wrdreg s15  }
0x15: {  	s16 =	sor.u32 $0x20, s22;
	s20 =	sadd.s32 s17, s11;
	[dreg:$0x14] =	wrdreg s6  }
0x16: {  	s25 =	sadd.s32 s17, s10;
	s3 =	simm.s32 $0x7D;
	[dreg:$0xf] =	wrdreg s23  }
0x17: {  	s17 =	simm.s32 $0x180;
	s19 =	ssub.s32 s18, s7;
	[dreg:$0x12] =	wrdreg s14  }
0x18: {  	s7 =	sor.u32 $0x1C04, s21;
	s18 =	sadd.s32 s10, s16;
	[dreg:$0x18] =	wrdreg s20  }
0x19: {  	s21 =	sadd.s32 $0x10, s23;
	s22 =	sadd.s32 $0x10, s14;
	[dreg:$0x16] =	wrdreg s18  }
0x1a: {  	s23 =	sadd.s32 $0x10, s20;
	s26 =	sadd.s32 $0x10, s25;
	[dreg:$0x19] =	wrdreg s21  }
0x1b: {  	s14 =	simm.s32 $0x800;
	s10 =	simm.s32 $0x780;
	[dreg:$0x1a] =	wrdreg s22  }
0x1c: {  	s15 =	simm.s32 $0x580;
	s0 =	smax.u32 s19, $0x1;
	[dreg:$0x1b] =	wrdreg s23  }
.Ltmp0:
0x1d: {  	s19 =	sadd.s32 s11, s16;
	[dreg:$0x1c] =	wrdreg s26;
	(pc) =	sbr.rel .LBB2_1-.Ltmp0, $4  }
0x1e: {  	s11 =	simm.s32 $0x900;
	s16 =	simm.s32 $0x2;
	s21 =	simm.s32 $0x100  }
0x1f: {  	s22 =	simm.s32 $0x200;
	s23 =	simm.s32 $0x280;
	[dreg:$0xe] =	wrdreg s7  }
0x20: {  	s26 =	simm.s32 $0x300;
	s18 =	simm.s32 $0x600;
	[dreg:$0x15] =	wrdreg s0  }
0x21: {  	[dreg:$0x17] =	wrdreg s19;
	s0 =	simm.s32 $0x700;
	s19 =	simm.s32 $0x0  }
.LBB2_30:
0x22: {  	s4 =	sadd.s32 s14, s25;
	[sflag:s16] =	ssyncadd.s32 $0xFFFFC180  }
0x23: {  	[tilespmem:s2], [sflag:$0x4] =	stream.linear.gather [hbm4b:s4+s2], $0x800, $0x38;
	[tilespmem:$0x1C900] =	vst v63  }
0x24: {  	_ =	swait.ge [sflag:s31], $0x800  }
0x25: {  	[sflag:s31] =	ssyncset.done $0x0  }
0x26: {  	[sflag:s31] =	ssyncadd.s32 $0xFFFFF800  }
0x27: {  	[spmem:s1] =	stream.indirect.scatter.add.f32 [tilespmem:s11], [sflag:$0x2], $0x80, s2, s3, $0xb8;
	[tilespmem:$0x1C900] =	vst v63  }
0x28: {  	_ = 	snop  }
0x29: {  	[spmem:s1] =	stream.indirect.scatter.add.f32 [tilespmem:s11], [sflag:$0x2], $0x80, s13, s3, $0xb8;
	[tilespmem:$0x1C900] =	vst v63  }
0x2a: {  	_ = 	snop  }
0x2b: {  	[spmem:s1] =	stream.indirect.scatter.add.f32 [tilespmem:s11], [sflag:$0x2], $0x80, s21, s3, $0xb8;
	[tilespmem:$0x1C900] =	vst v63  }
0x2c: {  	_ = 	snop  }
0x2d: {  	[spmem:s1] =	stream.indirect.scatter.add.f32 [tilespmem:s11], [sflag:$0x2], $0x80, s17, s3, $0xb8;
	[tilespmem:$0x1C900] =	vst v63  }
0x2e: {  	_ = 	snop  }
0x2f: {  	[spmem:s1] =	stream.indirect.scatter.add.f32 [tilespmem:s11], [sflag:$0x2], $0x80, s22, s3, $0xb8;
	[tilespmem:$0x1C900] =	vst v63  }
0x30: {  	_ = 	snop  }
0x31: {  	[spmem:s1] =	stream.indirect.scatter.add.f32 [tilespmem:s11], [sflag:$0x2], $0x80, s23, s3, $0xb8;
	[tilespmem:$0x1C900] =	vst v63  }
0x32: {  	_ = 	snop  }
0x33: {  	[spmem:s1] =	stream.indirect.scatter.add.f32 [tilespmem:s11], [sflag:$0x2], $0x80, s26, s3, $0xb8;
	[tilespmem:$0x1C900] =	vst v63  }
0x34: {  	_ = 	snop  }
0x35: {  	[spmem:s1] =	stream.indirect.scatter.add.f32 [tilespmem:s11], [sflag:$0x2], $0x80, s28, s3, $0xb8;
	[tilespmem:$0x1C900] =	vst v63  }
0x36: {  	_ = 	snop  }
0x37: {  	[spmem:s1] =	stream.indirect.scatter.add.f32 [tilespmem:s11], [sflag:$0x2], $0x80, s29, s3, $0xb8;
	[tilespmem:$0x1C900] =	vst v63  }
0x38: {  	_ = 	snop  }
0x39: {  	[spmem:s1] =	stream.indirect.scatter.add.f32 [tilespmem:s11], [sflag:$0x2], $0x80, s30, s3, $0xb8;
	[tilespmem:$0x1C900] =	vst v63  }
0x3a: {  	_ = 	snop  }
0x3b: {  	[spmem:s1] =	stream.indirect.scatter.add.f32 [tilespmem:s11], [sflag:$0x2], $0x80, s12, s3, $0xb8;
	[tilespmem:$0x1C900] =	vst v63  }
0x3c: {  	_ = 	snop  }
0x3d: {  	[spmem:s1] =	stream.indirect.scatter.add.f32 [tilespmem:s11], [sflag:$0x2], $0x80, s15, s3, $0xb8;
	[tilespmem:$0x1C900] =	vst v63  }
0x3e: {  	_ = 	snop  }
0x3f: {  	[spmem:s1] =	stream.indirect.scatter.add.f32 [tilespmem:s11], [sflag:$0x2], $0x80, s18, s3, $0xb8;
	[tilespmem:$0x1C900] =	vst v63  }
0x40: {  	_ = 	snop  }
0x41: {  	[spmem:s1] =	stream.indirect.scatter.add.f32 [tilespmem:s11], [sflag:$0x2], $0x80, s9, s3, $0xb8;
	[tilespmem:$0x1C900] =	vst v63  }
0x42: {  	_ = 	snop  }
0x43: {  	[spmem:s1] =	stream.indirect.scatter.add.f32 [tilespmem:s11], [sflag:$0x2], $0x80, s0, s3, $0xb8;
	[tilespmem:$0x1C900] =	vst v63  }
0x44: {  	_ = 	snop  }
0x45: {  	[spmem:s1] =	stream.indirect.scatter.add.f32 [tilespmem:s11], [sflag:$0x2], $0x80, s10, s3, $0xb8;
	[tilespmem:$0x1C900] =	vst v63  }
0x46: {  	_ =	swait.ge [sflag:s16], $0x3E80  }
0x47: {  	[sflag:s16] =	ssyncset.done $0x0  }
0x48: {  	[sflag:s16] =	ssyncadd.s32 $0xFFFFC180  }
0x49: {  	_ =	swait.ge [sflag:s16], $0x3E80  }
0x4a: {  	[sflag:s16] =	ssyncset.done $0x0  }
0x4b: {  	[sflag:s16] =	ssyncadd.s32 $0xFFFFC180  }
0x4c: {  	_ =	swait.ge [sflag:s16], $0x3E80  }
0x4d: {  	[sflag:s16] =	ssyncset.done $0x0  }
0x4e: {  	[sflag:s16] =	ssyncadd.s32 $0xFFFFC180  }
0x4f: {  	_ =	swait.ge [sflag:s16], $0x3E80  }
0x50: {  	[sflag:s16] =	ssyncset.done $0x0  }
0x51: {  	[sflag:s16] =	ssyncadd.s32 $0xFFFFC180  }
0x52: {  	_ =	swait.ge [sflag:s16], $0x3E80  }
0x53: {  	[sflag:s16] =	ssyncset.done $0x0  }
0x54: {  	[sflag:s16] =	ssyncadd.s32 $0xFFFFC180  }
0x55: {  	_ =	swait.ge [sflag:s16], $0x3E80  }
0x56: {  	[sflag:s16] =	ssyncset.done $0x0  }
0x57: {  	[sflag:s16] =	ssyncadd.s32 $0xFFFFC180  }
0x58: {  	_ =	swait.ge [sflag:s16], $0x3E80  }
0x59: {  	[sflag:s16] =	ssyncset.done $0x0  }
0x5a: {  	[sflag:s16] =	ssyncadd.s32 $0xFFFFC180  }
0x5b: {  	_ =	swait.ge [sflag:s16], $0x3E80  }
0x5c: {  	[sflag:s16] =	ssyncset.done $0x0  }
0x5d: {  	[sflag:s16] =	ssyncadd.s32 $0xFFFFC180  }
0x5e: {  	_ =	swait.ge [sflag:s16], $0x3E80  }
0x5f: {  	[sflag:s16] =	ssyncset.done $0x0  }
0x60: {  	[sflag:s16] =	ssyncadd.s32 $0xFFFFC180  }
0x61: {  	_ =	swait.ge [sflag:s16], $0x3E80  }
0x62: {  	[sflag:s16] =	ssyncset.done $0x0  }
0x63: {  	[sflag:s16] =	ssyncadd.s32 $0xFFFFC180  }
0x64: {  	_ =	swait.ge [sflag:s16], $0x3E80  }
0x65: {  	[sflag:s16] =	ssyncset.done $0x0  }
0x66: {  	[sflag:s16] =	ssyncadd.s32 $0xFFFFC180  }
0x67: {  	_ =	swait.ge [sflag:s16], $0x3E80  }
0x68: {  	[sflag:s16] =	ssyncset.done $0x0  }
0x69: {  	[sflag:s16] =	ssyncadd.s32 $0xFFFFC180  }
0x6a: {  	_ =	swait.ge [sflag:s16], $0x3E80  }
0x6b: {  	[sflag:s16] =	ssyncset.done $0x0  }
0x6c: {  	[sflag:s16] =	ssyncadd.s32 $0xFFFFC180  }
0x6d: {  	_ =	swait.ge [sflag:s16], $0x3E80  }
0x6e: {  	[sflag:s16] =	ssyncset.done $0x0  }
0x6f: {  	[sflag:s16] =	ssyncadd.s32 $0xFFFFC180  }
0x70: {  	_ =	swait.ge [sflag:s16], $0x3E80  }
0x71: {  	[sflag:s16] =	ssyncset.done $0x0  }
0x72: {  	[sflag:s16] =	ssyncadd.s32 $0xFFFFC180  }
0x73: {  	_ =	swait.ge [sflag:s16], $0x3E80  }
0x74: {  	[sflag:s16] =	ssyncset.done $0x0  }
0x75: {  	s4 =	rddreg [dreg:$0xc];
	[sflag:s16] =	ssyncadd.s32 $0xFFFFC180  }
.LBB2_31:
0x76: {  	s5 =	rddreg [dreg:$0x8]  }
0x77: {  	[bflag:$0x0] =	sbarrier.arrive $0xFFFF;
	s4 =	sadd.s32 s4, s5  }
0x78: {  	[hbm:s4], [sflag:s7] =	dma.local [spmem:s20], $0x2800  }
0x79: {  	_ =	swait.ge [sflag:s31], $0x2800  }
0x7a: {  	s19 =	sadd.s32 $0x1, s19;
	s20 =	rddreg [dreg:$0x15]  }
0x7b: {  	p1 =	sne.s32 s19, s20  }
.Ltmp1:
0x7c: {  	_ = 	snop;
	(pc) =	sbr.rel @!p1 .LBB2_32-.Ltmp1, $3  }
0x7d: {  	_ =	sdelay $0x1  }
0x7e: {  	[sflag:s31] =	ssyncset.done $0x0  }
0x7f: {  	s14 =	simm.s32 $0x800;
	[sflag:s31] =	ssyncadd.s32 $0xFFFFD800  }
.LBB2_1:
0x80: {  	[dreg:$0x1d] =	wrdreg s19  }
0x81: {  	s4 =	rddreg [dreg:$0xd]  }
0x82: {  	s19 =	rddreg [dreg:$0x9];
	s5 =	sshrl.u32 s4, $0x3  }
0x83: {  	[dreg:$0x1e] =	wrdreg s5  }
0x84: {  	[spmem:s5], [sflag:s7] =	dma.local [hbm:s19], $0x2800  }
0x85: {  	_ =	swait.ge [sflag:s31], $0x2800  }
0x86: {  	[sflag:s31] =	ssyncset.done $0x0  }
0x87: {  	[sflag:s31] =	ssyncadd.s32 $0xFFFFD800  }
0x88: {  	[bflag:$0x0] =	sbarrier.arrive $0xFFFF  }
.Ltmp2:
0x89: {  	s20 =	rddreg [dreg:$0xf];
	(pc) =	sbr.rel @p0 .LBB2_7-.Ltmp2, $4  }
0x8a: {  	[tilespmem:s14], [sflag:$0x4] =	stream.linear.gather [hbm4b:s20+s2], $0x80, $0x38;
	[tilespmem:$0x1C900] =	vst v63  }
0x8b: {  	_ =	swait.ge [sflag:s31], $0x80  }
0x8c: {  	[sflag:s31] =	ssyncset.done $0x0  }
0x8d: {  	[sflag:s31] =	ssyncadd.s32 $0xFFFFFF80  }
0x8e: {  	s5 =	rddreg [dreg:$0x6]  }
0x8f: {  	[tilespmem:s11], [sflag:$0x1] =	stream.indirect.gather [hbm4b:s5+s3], $0x80, s14, s3, $0xb8;
	[tilespmem:$0x1C900] =	vst v63  }
0x90: {  	s4 =	rddreg [dreg:$0x19];
	s7 =	simm.s32 $0x880  }
0x91: {  	[tilespmem:s7], [sflag:$0x2] =	stream.linear.gather [hbm4b:s4+s2], $0x80, $0x38;
	[tilespmem:$0x1C900] =	vst v63  }
0x92: {  	s4 =	simm.s32 $0x1  }
0x93: {  	_ =	swait.ge [sflag:s4], $0x3E80  }
0x94: {  	[sflag:s4] =	ssyncset.done $0x0  }
0x95: {  	s6 =	rddreg [dreg:$0x12];
	[sflag:s4] =	ssyncadd.s32 $0xFFFFC180  }
0x96: {  	[tilespmem:s2], [sflag:$0x4] =	stream.linear.gather [hbm4b:s6+s2], $0x800, $0x38;
	[tilespmem:$0x1C900] =	vst v63  }
0x97: {  	_ =	swait.ge [sflag:s31], $0x800  }
0x98: {  	[sflag:s31] =	ssyncset.done $0x0  }
0x99: {  	[sflag:s31] =	ssyncadd.s32 $0xFFFFF800  }
0x9a: {  	_ =	swait.ge [sflag:s16], $0x80  }
0x9b: {  	[sflag:s16] =	ssyncset.done $0x0  }
0x9c: {  	s20 =	simm.s32 $0x4900;
	[sflag:s16] =	ssyncadd.s32 $0xFFFFFF80  }
0x9d: {  	[tilespmem:s20], [sflag:$0x1] =	stream.indirect.gather [hbm4b:s5+s3], $0x80, s7, s3, $0xb8;
	[tilespmem:$0x1C900] =	vst v63  }
0x9e: {  	_ = 	snop  }
0x9f: {  	[spmem:s1] =	stream.indirect.scatter.add.f32 [tilespmem:s11], [sflag:$0x3], $0x80, s2, s3, $0xb8;
	[tilespmem:$0x1C900] =	vst v63  }
0xa0: {  	s24 =	rddreg [dreg:$0x16]  }
0xa1: {  	[tilespmem:s14], [sflag:$0x2] =	stream.linear.gather [hbm4b:s24+s2], $0x80, $0x38;
	[tilespmem:$0x1C900] =	vst v63  }
0xa2: {  	s5 =	rddreg [dreg:$0x1b];
	s14 =	simm.s32 $0x180  }
.LBB2_3:
0xa3: {  	s6 =	simm.s32 $0x1  }
0xa4: {  	_ =	swait.ge [sflag:s6], $0x3E80  }
0xa5: {  	[sflag:s6] =	ssyncset.done $0x0  }
0xa6: {  	s24 =	simm.s32 $0x3;
	[sflag:s6] =	ssyncadd.s32 $0xFFFFC180  }
0xa7: {  	s8 =	sand.u32 $0xF, s4;
	_ =	swait.ge [sflag:s24], $0x3E80  }
0xa8: {  	p1 =	sne.s32 s8, $0x0;
	[sflag:s24] =	ssyncset.done $0x0  }
0xa9: {  	p2 =	seq.s32 s4, $0x4F;
	s6 =	simm.s32 @!p1 $0x0;
	[sflag:s24] =	ssyncadd.s32 $0xFFFFC180  }
0xaa: {  	[tilespmem:s6], [sflag:$0x4] =	stream.linear.gather @!p1 [hbm4b:s5+s6], $0x800, $0x38;
	[tilespmem:$0x1C900] =	vst v63  }
.Ltmp3:
0xab: {  	_ = 	snop;
	(pc) =	sbr.rel @p2 .LBB2_4-.Ltmp3, $4  }
0xac: {  	s6 =	simm.s32 @!p1 $0x4  }
0xad: {  	s7 =	sand.u32 $0x1, s4;
	_ =	swait.ge @!p1 [sflag:s6], $0x800  }
0xae: {  	s19 =	sshll.u32 s7, $0xE;
	[sflag:s6] =	ssyncset.done @!p1 $0x0  }
0xaf: {  	[sflag:s6] =	ssyncadd.s32 @!p1 $0xFFFFF800;
	s6 =	sor.u32 $0x900, s19  }
0xb0: {  	s19 =	sxor.u32 $0x1, s7  }
0xb1: {  	_ =	swait.ge [sflag:s16], $0x80;
	s20 =	sshll.u32 s19, $0x7  }
0xb2: {  	[sflag:s16] =	ssyncset.done $0x0;
	s19 =	sshll.u32 s19, $0xE;
	s24 =	rddreg [dreg:$0x6]  }
0xb3: {  	s20 =	sor.u32 $0x800, s20;
	[sflag:s16] =	ssyncadd.s32 $0xFFFFFF80;
	s19 =	sor.u32 $0x900, s19  }
0xb4: {  	[tilespmem:s19], [sflag:$0x1] =	stream.indirect.gather [hbm4b:s24+s3], $0x80, s20, s3, $0xb8;
	[tilespmem:$0x1C900] =	vst v63  }
0xb5: {  	s8 =	sshll.u32 s8, $0x7;
	p1 =	sgt.u32 s4, $0x4D  }
0xb6: {  	[spmem:s1] =	stream.indirect.scatter.add.f32 [tilespmem:s6], [sflag:$0x3], $0x80, s8, s3, $0xb8;
	[tilespmem:$0x1C900] =	vst v63  }
0xb7: {  	s6 =	sand.u32 @!p1 $0x7C00, s14;
	s8 =	rddreg [dreg:$0x8]  }
0xb8: {  	s6 =	sadd.s32 @!p1 s8, s6;
	s8 =	sand.u32 @!p1 $0x380, s14  }
0xb9: {  	s4 =	sadd.s32 $0x1, s4;
	s6 =	sor.u32 @!p1 s8, s6  }
0xba: {  	s7 =	sshll.u32 @!p1 s7, $0x7;
	s8 =	rddreg [dreg:$0x4];
	s6 =	sshrl.u32 @!p1 s6, $0x3  }
0xbb: {  	s7 =	sor.u32 @!p1 $0x800, s7;
	s6 =	sadd.s32 @!p1 s8, s6;
	s8 =	simm.s32 @!p1 $0x0  }
0xbc: {  	[tilespmem:s7], [sflag:$0x2] =	stream.linear.gather @!p1 [hbm4b:s6+s8], $0x80, $0x38;
	[tilespmem:$0x1C900] =	vst v63  }
0xbd: {  	p1 =	seq.s32 s4, $0x50  }
.Ltmp4:
0xbe: {  	_ = 	snop;
	(pc) =	sbr.rel @!p1 .LBB2_3-.Ltmp4, $2  }
0xbf: {  	_ =	sdelay $0x2  }
0xc0: {  	s5 =	sadd.s32 $0x10, s5;
	s14 =	sadd.s32 $0x80, s14  }
.Ltmp5:
0xc1: {  	(pc) =	sbr.rel .LBB2_13-.Ltmp5, $4  }
0xc2: {  	s4 =	rddreg [dreg:$0x11]  }
0xc3: {  	s24 =	rddreg [dreg:$0x7]  }
0xc4: {  	s5 =	rddreg [dreg:$0xe]  }
0xc5: {  	s7 =	simm.s32 $0x800;
	s8 =	rddreg [dreg:$0x1e]  }
.LBB2_7:
0xc6: {  	[tilespmem:s11], [sflag:$0x1] =	stream.indirect.gather [hbm4b:s24+s3], $0x80, s14, s3, $0xb8;
	[tilespmem:$0x1C900] =	vst v63  }
0xc7: {  	s4 =	rddreg [dreg:$0x19];
	s6 =	simm.s32 $0x880  }
0xc8: {  	[tilespmem:s6], [sflag:$0x2] =	stream.linear.gather [hbm4b:s4+s2], $0x80, $0x38;
	[tilespmem:$0x1C900] =	vst v63  }
0xc9: {  	s4 =	simm.s32 $0x1  }
0xca: {  	_ =	swait.ge [sflag:s4], $0x3E80  }
0xcb: {  	[sflag:s4] =	ssyncset.done $0x0  }
0xcc: {  	s5 =	rddreg [dreg:$0x12];
	[sflag:s4] =	ssyncadd.s32 $0xFFFFC180  }
0xcd: {  	[tilespmem:s2], [sflag:$0x4] =	stream.linear.gather [hbm4b:s5+s2], $0x800, $0x38;
	[tilespmem:$0x1C900] =	vst v63  }
0xce: {  	_ =	swait.ge [sflag:s31], $0x800  }
0xcf: {  	[sflag:s31] =	ssyncset.done $0x0  }
0xd0: {  	[sflag:s31] =	ssyncadd.s32 $0xFFFFF800  }
0xd1: {  	_ =	swait.ge [sflag:s16], $0x80  }
0xd2: {  	[sflag:s16] =	ssyncset.done $0x0  }
0xd3: {  	s19 =	simm.s32 $0x4900;
	[sflag:s16] =	ssyncadd.s32 $0xFFFFFF80  }
0xd4: {  	[tilespmem:s19], [sflag:$0x1] =	stream.indirect.gather [hbm4b:s24+s3], $0x80, s6, s3, $0xb8;
	[tilespmem:$0x1C900] =	vst v63  }
0xd5: {  	_ = 	snop  }
0xd6: {  	[spmem:s1] =	stream.indirect.scatter.add.f32 [tilespmem:s11], [sflag:$0x3], $0x80, s2, s3, $0xb8;
	[tilespmem:$0x1C900] =	vst v63  }
0xd7: {  	s20 =	rddreg [dreg:$0x16]  }
0xd8: {  	[tilespmem:s14], [sflag:$0x2] =	stream.linear.gather [hbm4b:s20+s2], $0x80, $0x38;
	[tilespmem:$0x1C900] =	vst v63  }
0xd9: {  	s5 =	rddreg [dreg:$0x1b];
	s14 =	simm.s32 $0x180  }
.LBB2_8:
0xda: {  	s6 =	simm.s32 $0x1  }
0xdb: {  	_ =	swait.ge [sflag:s6], $0x3E80  }
0xdc: {  	[sflag:s6] =	ssyncset.done $0x0  }
0xdd: {  	s20 =	simm.s32 $0x3;
	[sflag:s6] =	ssyncadd.s32 $0xFFFFC180  }
0xde: {  	s8 =	sand.u32 $0xF, s4;
	_ =	swait.ge [sflag:s20], $0x3E80  }
0xdf: {  	p1 =	sne.s32 s8, $0x0;
	[sflag:s20] =	ssyncset.done $0x0  }
0xe0: {  	p2 =	seq.s32 s4, $0x4F;
	s6 =	simm.s32 @!p1 $0x0;
	[sflag:s20] =	ssyncadd.s32 $0xFFFFC180  }
0xe1: {  	[tilespmem:s6], [sflag:$0x4] =	stream.linear.gather @!p1 [hbm4b:s5+s6], $0x800, $0x38;
	[tilespmem:$0x1C900] =	vst v63  }
.Ltmp6:
0xe2: {  	_ = 	snop;
	(pc) =	sbr.rel @p2 .LBB2_9-.Ltmp6, $4  }
0xe3: {  	s6 =	simm.s32 @!p1 $0x4  }
0xe4: {  	s7 =	sand.u32 $0x1, s4;
	_ =	swait.ge @!p1 [sflag:s6], $0x800  }
0xe5: {  	s19 =	sshll.u32 s7, $0xE;
	[sflag:s6] =	ssyncset.done @!p1 $0x0  }
0xe6: {  	[sflag:s6] =	ssyncadd.s32 @!p1 $0xFFFFF800;
	s6 =	sor.u32 $0x900, s19  }
0xe7: {  	s19 =	sxor.u32 $0x1, s7;
	_ =	swait.ge [sflag:s16], $0x80  }
0xe8: {  	s20 =	sshll.u32 s19, $0x7;
	[sflag:s16] =	ssyncset.done $0x0;
	s19 =	sshll.u32 s19, $0xE  }
0xe9: {  	s20 =	sor.u32 $0x800, s20;
	[sflag:s16] =	ssyncadd.s32 $0xFFFFFF80;
	s19 =	sor.u32 $0x900, s19  }
0xea: {  	[tilespmem:s19], [sflag:$0x1] =	stream.indirect.gather [hbm4b:s24+s3], $0x80, s20, s3, $0xb8;
	[tilespmem:$0x1C900] =	vst v63  }
0xeb: {  	s8 =	sshll.u32 s8, $0x7;
	p1 =	sgt.u32 s4, $0x4D  }
0xec: {  	[spmem:s1] =	stream.indirect.scatter.add.f32 [tilespmem:s6], [sflag:$0x3], $0x80, s8, s3, $0xb8;
	[tilespmem:$0x1C900] =	vst v63  }
0xed: {  	s6 =	sand.u32 @!p1 $0x7C00, s14;
	s8 =	rddreg [dreg:$0x8]  }
0xee: {  	s6 =	sadd.s32 @!p1 s8, s6;
	s8 =	sand.u32 @!p1 $0x380, s14  }
0xef: {  	s4 =	sadd.s32 $0x1, s4;
	s6 =	sor.u32 @!p1 s8, s6  }
0xf0: {  	s7 =	sshll.u32 @!p1 s7, $0x7;
	s8 =	rddreg [dreg:$0x4];
	s6 =	sshrl.u32 @!p1 s6, $0x3  }
0xf1: {  	s7 =	sor.u32 @!p1 $0x800, s7;
	s6 =	sadd.s32 @!p1 s8, s6;
	s8 =	simm.s32 @!p1 $0x0  }
0xf2: {  	[tilespmem:s7], [sflag:$0x2] =	stream.linear.gather @!p1 [hbm4b:s6+s8], $0x80, $0x38;
	[tilespmem:$0x1C900] =	vst v63  }
0xf3: {  	p1 =	seq.s32 s4, $0x50  }
.Ltmp7:
0xf4: {  	_ = 	snop;
	(pc) =	sbr.rel @!p1 .LBB2_8-.Ltmp7, $2  }
0xf5: {  	_ =	sdelay $0x2  }
0xf6: {  	s5 =	sadd.s32 $0x10, s5;
	s14 =	sadd.s32 $0x80, s14  }
.Ltmp8:
0xf7: {  	(pc) =	sbr.rel .LBB2_13-.Ltmp8, $4  }
0xf8: {  	_ = 	snop  }
0xf9: {  	s4 =	rddreg [dreg:$0x10]  }
0xfa: {  	s5 =	rddreg [dreg:$0xe]  }
0xfb: {  	s7 =	simm.s32 $0x800;
	s8 =	rddreg [dreg:$0x1e]  }
.LBB2_4:
.Ltmp9:
0xfc: {  	(pc) =	sbr.rel .LBB2_10-.Ltmp9, $4  }
0xfd: {  	s4 =	rddreg [dreg:$0x11]  }
0xfe: {  	s24 =	rddreg [dreg:$0x7]  }
0xff: {  	s5 =	rddreg [dreg:$0xe]  }
0x100: {  	s8 =	rddreg [dreg:$0x1e]  }
.LBB2_9:
0x101: {  	s4 =	rddreg [dreg:$0x10]  }
0x102: {  	s5 =	rddreg [dreg:$0xe]  }
0x103: {  	s8 =	rddreg [dreg:$0x1e]  }
.LBB2_10:
0x104: {  	[spmem:s1] =	stream.indirect.scatter.add.f32 [tilespmem:s6], [sflag:$0x3], $0x80, s10, s3, $0xb8;
	[tilespmem:$0x1C900] =	vst v63  }
0x105: {  	s7 =	simm.s32 $0x800  }
.LBB2_13:
0x106: {  	s6 =	simm.s32 $0x3  }
0x107: {  	_ =	swait.ge [sflag:s6], $0x3E80  }
0x108: {  	[sflag:s6] =	ssyncset.done $0x0  }
0x109: {  	[sflag:s6] =	ssyncadd.s32 $0xFFFFC180  }
0x10a: {  	[bflag:$0x0] =	sbarrier.arrive $0xFFFF  }
0x10b: {  	[hbm:s4], [sflag:s5] =	dma.local [spmem:s8], $0x2800  }
0x10c: {  	_ =	swait.ge [sflag:s31], $0x2800  }
0x10d: {  	[sflag:s31] =	ssyncset.done $0x0  }
0x10e: {  	s19 =	rddreg [dreg:$0x9];
	[sflag:s31] =	ssyncadd.s32 $0xFFFFD800  }
0x10f: {  	[spmem:s8], [sflag:s5] =	dma.local [hbm:s19], $0x2800  }
0x110: {  	_ =	swait.ge [sflag:s31], $0x2800  }
0x111: {  	[sflag:s31] =	ssyncset.done $0x0  }
0x112: {  	[sflag:s31] =	ssyncadd.s32 $0xFFFFD800  }
0x113: {  	[bflag:$0x0] =	sbarrier.arrive $0xFFFF  }
.Ltmp10:
0x114: {  	s20 =	rddreg [dreg:$0x12];
	(pc) =	sbr.rel @p0 .LBB2_19-.Ltmp10, $4  }
0x115: {  	[tilespmem:s7], [sflag:$0x4] =	stream.linear.gather [hbm4b:s20+s2], $0x80, $0x38;
	[tilespmem:$0x1C900] =	vst v63  }
0x116: {  	_ =	swait.ge [sflag:s31], $0x80  }
0x117: {  	[sflag:s31] =	ssyncset.done $0x0  }
0x118: {  	[sflag:s31] =	ssyncadd.s32 $0xFFFFFF80  }
0x119: {  	s5 =	rddreg [dreg:$0x6]  }
0x11a: {  	[tilespmem:s11], [sflag:$0x1] =	stream.indirect.gather [hbm4b:s5+s3], $0x80, s7, s3, $0xb8;
	[tilespmem:$0x1C900] =	vst v63  }
0x11b: {  	s4 =	rddreg [dreg:$0x1a];
	s8 =	simm.s32 $0x880  }
0x11c: {  	[tilespmem:s8], [sflag:$0x2] =	stream.linear.gather [hbm4b:s4+s2], $0x80, $0x38;
	[tilespmem:$0x1C900] =	vst v63  }
0x11d: {  	s4 =	simm.s32 $0x1  }
0x11e: {  	_ =	swait.ge [sflag:s4], $0x3E80  }
0x11f: {  	[sflag:s4] =	ssyncset.done $0x0  }
0x120: {  	s6 =	rddreg [dreg:$0xf];
	[sflag:s4] =	ssyncadd.s32 $0xFFFFC180  }
0x121: {  	[tilespmem:s2], [sflag:$0x4] =	stream.linear.gather [hbm4b:s6+s2], $0x800, $0x38;
	[tilespmem:$0x1C900] =	vst v63  }
0x122: {  	_ =	swait.ge [sflag:s31], $0x800  }
0x123: {  	[sflag:s31] =	ssyncset.done $0x0  }
0x124: {  	[sflag:s31] =	ssyncadd.s32 $0xFFFFF800  }
0x125: {  	_ =	swait.ge [sflag:s16], $0x80  }
0x126: {  	[sflag:s16] =	ssyncset.done $0x0  }
0x127: {  	s20 =	simm.s32 $0x4900;
	[sflag:s16] =	ssyncadd.s32 $0xFFFFFF80  }
0x128: {  	[tilespmem:s20], [sflag:$0x1] =	stream.indirect.gather [hbm4b:s5+s3], $0x80, s8, s3, $0xb8;
	[tilespmem:$0x1C900] =	vst v63  }
0x129: {  	s24 =	rddreg [dreg:$0x17]  }
0x12a: {  	[spmem:s1] =	stream.indirect.scatter.add.f32 [tilespmem:s11], [sflag:$0x3], $0x80, s2, s3, $0xb8;
	[tilespmem:$0x1C900] =	vst v63  }
0x12b: {  	s14 =	simm.s32 $0x180;
	s5 =	rddreg [dreg:$0x1c]  }
0x12c: {  	[tilespmem:s7], [sflag:$0x2] =	stream.linear.gather [hbm4b:s24+s2], $0x80, $0x38;
	[tilespmem:$0x1C900] =	vst v63  }
.LBB2_15:
0x12d: {  	s6 =	simm.s32 $0x1  }
0x12e: {  	_ =	swait.ge [sflag:s6], $0x3E80  }
0x12f: {  	[sflag:s6] =	ssyncset.done $0x0  }
0x130: {  	s24 =	simm.s32 $0x3;
	[sflag:s6] =	ssyncadd.s32 $0xFFFFC180  }
0x131: {  	s8 =	sand.u32 $0xF, s4;
	_ =	swait.ge [sflag:s24], $0x3E80  }
0x132: {  	p1 =	sne.s32 s8, $0x0;
	[sflag:s24] =	ssyncset.done $0x0  }
0x133: {  	p2 =	seq.s32 s4, $0x4F;
	s6 =	simm.s32 @!p1 $0x0;
	[sflag:s24] =	ssyncadd.s32 $0xFFFFC180  }
0x134: {  	[tilespmem:s6], [sflag:$0x4] =	stream.linear.gather @!p1 [hbm4b:s5+s6], $0x800, $0x38;
	[tilespmem:$0x1C900] =	vst v63  }
.Ltmp11:
0x135: {  	_ = 	snop;
	(pc) =	sbr.rel @p2 .LBB2_16-.Ltmp11, $4  }
0x136: {  	s6 =	simm.s32 @!p1 $0x4  }
0x137: {  	s7 =	sand.u32 $0x1, s4;
	_ =	swait.ge @!p1 [sflag:s6], $0x800  }
0x138: {  	s19 =	sshll.u32 s7, $0xE;
	[sflag:s6] =	ssyncset.done @!p1 $0x0  }
0x139: {  	[sflag:s6] =	ssyncadd.s32 @!p1 $0xFFFFF800;
	s6 =	sor.u32 $0x900, s19  }
0x13a: {  	s19 =	sxor.u32 $0x1, s7  }
0x13b: {  	_ =	swait.ge [sflag:s16], $0x80;
	s20 =	sshll.u32 s19, $0x7  }
0x13c: {  	[sflag:s16] =	ssyncset.done $0x0;
	s19 =	sshll.u32 s19, $0xE;
	s24 =	rddreg [dreg:$0x6]  }
0x13d: {  	s20 =	sor.u32 $0x800, s20;
	[sflag:s16] =	ssyncadd.s32 $0xFFFFFF80;
	s19 =	sor.u32 $0x900, s19  }
0x13e: {  	[tilespmem:s19], [sflag:$0x1] =	stream.indirect.gather [hbm4b:s24+s3], $0x80, s20, s3, $0xb8;
	[tilespmem:$0x1C900] =	vst v63  }
0x13f: {  	s8 =	sshll.u32 s8, $0x7;
	p1 =	sgt.u32 s4, $0x4D  }
0x140: {  	[spmem:s1] =	stream.indirect.scatter.add.f32 [tilespmem:s6], [sflag:$0x3], $0x80, s8, s3, $0xb8;
	[tilespmem:$0x1C900] =	vst v63  }
0x141: {  	s6 =	sand.u32 @!p1 $0x7C00, s14;
	s8 =	rddreg [dreg:$0x8]  }
0x142: {  	s6 =	sadd.s32 @!p1 s8, s6;
	s8 =	sand.u32 @!p1 $0x380, s14  }
0x143: {  	s4 =	sadd.s32 $0x1, s4;
	s6 =	sor.u32 @!p1 s8, s6  }
0x144: {  	s7 =	sshll.u32 @!p1 s7, $0x7;
	s8 =	rddreg [dreg:$0x5];
	s6 =	sshrl.u32 @!p1 s6, $0x3  }
0x145: {  	s7 =	sor.u32 @!p1 $0x800, s7;
	s6 =	sadd.s32 @!p1 s8, s6;
	s8 =	simm.s32 @!p1 $0x0  }
0x146: {  	[tilespmem:s7], [sflag:$0x2] =	stream.linear.gather @!p1 [hbm4b:s6+s8], $0x80, $0x38;
	[tilespmem:$0x1C900] =	vst v63  }
0x147: {  	p1 =	seq.s32 s4, $0x50  }
.Ltmp12:
0x148: {  	_ = 	snop;
	(pc) =	sbr.rel @!p1 .LBB2_15-.Ltmp12, $2  }
0x149: {  	_ =	sdelay $0x2  }
0x14a: {  	s5 =	sadd.s32 $0x10, s5;
	s14 =	sadd.s32 $0x80, s14  }
0x14b: {  	s4 =	rddreg [dreg:$0x14]  }
.Ltmp13:
0x14c: {  	s24 =	rddreg [dreg:$0x7];
	(pc) =	sbr.rel .LBB2_24-.Ltmp13, $4  }
0x14d: {  	s7 =	rddreg [dreg:$0xe]  }
0x14e: {  	s8 =	rddreg [dreg:$0x18]  }
0x14f: {  	s19 =	rddreg [dreg:$0x1d]  }
0x150: {  	s20 =	rddreg [dreg:$0x1e]  }
.LBB2_19:
0x151: {  	[tilespmem:s11], [sflag:$0x1] =	stream.indirect.gather [hbm4b:s24+s3], $0x80, s7, s3, $0xb8;
	[tilespmem:$0x1C900] =	vst v63  }
0x152: {  	s4 =	rddreg [dreg:$0x1a];
	s6 =	simm.s32 $0x880  }
0x153: {  	[tilespmem:s6], [sflag:$0x2] =	stream.linear.gather [hbm4b:s4+s2], $0x80, $0x38;
	[tilespmem:$0x1C900] =	vst v63  }
0x154: {  	s4 =	simm.s32 $0x1  }
0x155: {  	_ =	swait.ge [sflag:s4], $0x3E80  }
0x156: {  	[sflag:s4] =	ssyncset.done $0x0  }
0x157: {  	s5 =	rddreg [dreg:$0xf];
	[sflag:s4] =	ssyncadd.s32 $0xFFFFC180  }
0x158: {  	[tilespmem:s2], [sflag:$0x4] =	stream.linear.gather [hbm4b:s5+s2], $0x800, $0x38;
	[tilespmem:$0x1C900] =	vst v63  }
0x159: {  	_ =	swait.ge [sflag:s31], $0x800  }
0x15a: {  	[sflag:s31] =	ssyncset.done $0x0  }
0x15b: {  	[sflag:s31] =	ssyncadd.s32 $0xFFFFF800  }
0x15c: {  	_ =	swait.ge [sflag:s16], $0x80  }
0x15d: {  	[sflag:s16] =	ssyncset.done $0x0  }
0x15e: {  	s19 =	simm.s32 $0x4900;
	[sflag:s16] =	ssyncadd.s32 $0xFFFFFF80  }
0x15f: {  	[tilespmem:s19], [sflag:$0x1] =	stream.indirect.gather [hbm4b:s24+s3], $0x80, s6, s3, $0xb8;
	[tilespmem:$0x1C900] =	vst v63  }
0x160: {  	s20 =	rddreg [dreg:$0x17]  }
0x161: {  	[spmem:s1] =	stream.indirect.scatter.add.f32 [tilespmem:s11], [sflag:$0x3], $0x80, s2, s3, $0xb8;
	[tilespmem:$0x1C900] =	vst v63  }
0x162: {  	s14 =	simm.s32 $0x180;
	s5 =	rddreg [dreg:$0x1c]  }
0x163: {  	[tilespmem:s7], [sflag:$0x2] =	stream.linear.gather [hbm4b:s20+s2], $0x80, $0x38;
	[tilespmem:$0x1C900] =	vst v63  }
.LBB2_20:
0x164: {  	s6 =	simm.s32 $0x1  }
0x165: {  	_ =	swait.ge [sflag:s6], $0x3E80  }
0x166: {  	[sflag:s6] =	ssyncset.done $0x0  }
0x167: {  	s20 =	simm.s32 $0x3;
	[sflag:s6] =	ssyncadd.s32 $0xFFFFC180  }
0x168: {  	s8 =	sand.u32 $0xF, s4;
	_ =	swait.ge [sflag:s20], $0x3E80  }
0x169: {  	p1 =	sne.s32 s8, $0x0;
	[sflag:s20] =	ssyncset.done $0x0  }
0x16a: {  	p2 =	seq.s32 s4, $0x4F;
	s6 =	simm.s32 @!p1 $0x0;
	[sflag:s20] =	ssyncadd.s32 $0xFFFFC180  }
0x16b: {  	[tilespmem:s6], [sflag:$0x4] =	stream.linear.gather @!p1 [hbm4b:s5+s6], $0x800, $0x38;
	[tilespmem:$0x1C900] =	vst v63  }
.Ltmp14:
0x16c: {  	_ = 	snop;
	(pc) =	sbr.rel @p2 .LBB2_21-.Ltmp14, $4  }
0x16d: {  	s6 =	simm.s32 @!p1 $0x4  }
0x16e: {  	s7 =	sand.u32 $0x1, s4;
	_ =	swait.ge @!p1 [sflag:s6], $0x800  }
0x16f: {  	s19 =	sshll.u32 s7, $0xE;
	[sflag:s6] =	ssyncset.done @!p1 $0x0  }
0x170: {  	[sflag:s6] =	ssyncadd.s32 @!p1 $0xFFFFF800;
	s6 =	sor.u32 $0x900, s19  }
0x171: {  	s19 =	sxor.u32 $0x1, s7;
	_ =	swait.ge [sflag:s16], $0x80  }
0x172: {  	s20 =	sshll.u32 s19, $0x7;
	[sflag:s16] =	ssyncset.done $0x0;
	s19 =	sshll.u32 s19, $0xE  }
0x173: {  	s20 =	sor.u32 $0x800, s20;
	[sflag:s16] =	ssyncadd.s32 $0xFFFFFF80;
	s19 =	sor.u32 $0x900, s19  }
0x174: {  	[tilespmem:s19], [sflag:$0x1] =	stream.indirect.gather [hbm4b:s24+s3], $0x80, s20, s3, $0xb8;
	[tilespmem:$0x1C900] =	vst v63  }
0x175: {  	s8 =	sshll.u32 s8, $0x7;
	p1 =	sgt.u32 s4, $0x4D  }
0x176: {  	[spmem:s1] =	stream.indirect.scatter.add.f32 [tilespmem:s6], [sflag:$0x3], $0x80, s8, s3, $0xb8;
	[tilespmem:$0x1C900] =	vst v63  }
0x177: {  	s6 =	sand.u32 @!p1 $0x7C00, s14;
	s8 =	rddreg [dreg:$0x8]  }
0x178: {  	s6 =	sadd.s32 @!p1 s8, s6;
	s8 =	sand.u32 @!p1 $0x380, s14  }
0x179: {  	s4 =	sadd.s32 $0x1, s4;
	s6 =	sor.u32 @!p1 s8, s6  }
0x17a: {  	s7 =	sshll.u32 @!p1 s7, $0x7;
	s8 =	rddreg [dreg:$0x5];
	s6 =	sshrl.u32 @!p1 s6, $0x3  }
0x17b: {  	s7 =	sor.u32 @!p1 $0x800, s7;
	s6 =	sadd.s32 @!p1 s8, s6;
	s8 =	simm.s32 @!p1 $0x0  }
0x17c: {  	[tilespmem:s7], [sflag:$0x2] =	stream.linear.gather @!p1 [hbm4b:s6+s8], $0x80, $0x38;
	[tilespmem:$0x1C900] =	vst v63  }
0x17d: {  	p1 =	seq.s32 s4, $0x50  }
.Ltmp15:
0x17e: {  	_ = 	snop;
	(pc) =	sbr.rel @!p1 .LBB2_20-.Ltmp15, $2  }
0x17f: {  	_ =	sdelay $0x2  }
0x180: {  	s5 =	sadd.s32 $0x10, s5;
	s14 =	sadd.s32 $0x80, s14  }
.Ltmp16:
0x181: {  	s4 =	rddreg [dreg:$0x13];
	(pc) =	sbr.rel .LBB2_24-.Ltmp16, $4  }
0x182: {  	s7 =	rddreg [dreg:$0xe]  }
0x183: {  	s8 =	rddreg [dreg:$0x18]  }
0x184: {  	s19 =	rddreg [dreg:$0x1d]  }
0x185: {  	s20 =	rddreg [dreg:$0x1e]  }
.LBB2_16:
0x186: {  	s4 =	rddreg [dreg:$0x14]  }
0x187: {  	s24 =	rddreg [dreg:$0x7]  }
.Ltmp17:
0x188: {  	s7 =	rddreg [dreg:$0xe];
	(pc) =	sbr.rel .LBB2_24-.Ltmp17, $4  }
0x189: {  	s8 =	rddreg [dreg:$0x18]  }
0x18a: {  	s19 =	rddreg [dreg:$0x1d]  }
0x18b: {  	s20 =	rddreg [dreg:$0x1e]  }
0x18c: {  	[spmem:s1] =	stream.indirect.scatter.add.f32 [tilespmem:s6], [sflag:$0x3], $0x80, s10, s3, $0xb8;
	[tilespmem:$0x1C900] =	vst v63  }
.LBB2_21:
0x18d: {  	s4 =	rddreg [dreg:$0x13]  }
0x18e: {  	s7 =	rddreg [dreg:$0xe]  }
0x18f: {  	s8 =	rddreg [dreg:$0x18]  }
0x190: {  	s19 =	rddreg [dreg:$0x1d]  }
0x191: {  	s20 =	rddreg [dreg:$0x1e]  }
0x192: {  	[spmem:s1] =	stream.indirect.scatter.add.f32 [tilespmem:s6], [sflag:$0x3], $0x80, s10, s3, $0xb8;
	[tilespmem:$0x1C900] =	vst v63  }
.LBB2_24:
0x193: {  	s5 =	simm.s32 $0x3  }
0x194: {  	_ =	swait.ge [sflag:s5], $0x3E80  }
0x195: {  	[sflag:s5] =	ssyncset.done $0x0  }
0x196: {  	[sflag:s5] =	ssyncadd.s32 $0xFFFFC180  }
0x197: {  	[bflag:$0x0] =	sbarrier.arrive $0xFFFF  }
0x198: {  	[hbm:s4], [sflag:s7] =	dma.local [spmem:s20], $0x2800  }
0x199: {  	_ =	swait.ge [sflag:s31], $0x2800  }
0x19a: {  	[sflag:s31] =	ssyncset.done $0x0  }
0x19b: {  	s5 =	rddreg [dreg:$0x9];
	[sflag:s31] =	ssyncadd.s32 $0xFFFFD800  }
0x19c: {  	[spmem:s20], [sflag:s7] =	dma.local [hbm:s5], $0x2800  }
0x19d: {  	_ =	swait.ge [sflag:s31], $0x2800  }
0x19e: {  	[sflag:s31] =	ssyncset.done $0x0  }
0x19f: {  	s6 =	simm.s32 $0x0;
	s14 =	rddreg [dreg:$0xa];
	[sflag:s31] =	ssyncadd.s32 $0xFFFFD800  }
0x1a0: {  	[tilespmem:s11], [sflag:$0x4] =	stream.linear.gather [hbm4b:s14+s6], $0x3E80, $0x38;
	[tilespmem:$0x1C900] =	vst v63  }
.Ltmp18:
0x1a1: {  	_ =	swait.ge [sflag:s31], $0x3E80;
	(pc) =	sbr.rel @p0 .LBB2_28-.Ltmp18, $3  }
0x1a2: {  	[sflag:s31] =	ssyncset.done $0x0  }
0x1a3: {  	[sflag:s31] =	ssyncadd.s32 $0xFFFFC180  }
0x1a4: {  	[bflag:$0x0] =	sbarrier.arrive $0xFFFF;
	_ =	sdelay $0x1  }
0x1a5: {  	s4 =	sadd.s32 $0x0, s8  }
0x1a6: {  	[tilespmem:s2], [sflag:$0x4] =	stream.linear.gather [hbm4b:s4+s2], $0x800, $0x38;
	[tilespmem:$0x1C900] =	vst v63  }
0x1a7: {  	_ =	swait.ge [sflag:s31], $0x800  }
0x1a8: {  	[sflag:s31] =	ssyncset.done $0x0  }
0x1a9: {  	[sflag:s31] =	ssyncadd.s32 $0xFFFFF800  }
0x1aa: {  	[spmem:s1] =	stream.indirect.scatter.add.f32 [tilespmem:s11], [sflag:$0x2], $0x80, s2, s3, $0xb8;
	[tilespmem:$0x1C900] =	vst v63  }
0x1ab: {  	_ = 	snop  }
0x1ac: {  	[spmem:s1] =	stream.indirect.scatter.add.f32 [tilespmem:s11], [sflag:$0x2], $0x80, s13, s3, $0xb8;
	[tilespmem:$0x1C900] =	vst v63  }
0x1ad: {  	_ = 	snop  }
0x1ae: {  	[spmem:s1] =	stream.indirect.scatter.add.f32 [tilespmem:s11], [sflag:$0x2], $0x80, s21, s3, $0xb8;
	[tilespmem:$0x1C900] =	vst v63  }
0x1af: {  	_ = 	snop  }
0x1b0: {  	[spmem:s1] =	stream.indirect.scatter.add.f32 [tilespmem:s11], [sflag:$0x2], $0x80, s17, s3, $0xb8;
	[tilespmem:$0x1C900] =	vst v63  }
0x1b1: {  	_ = 	snop  }
0x1b2: {  	[spmem:s1] =	stream.indirect.scatter.add.f32 [tilespmem:s11], [sflag:$0x2], $0x80, s22, s3, $0xb8;
	[tilespmem:$0x1C900] =	vst v63  }
0x1b3: {  	_ = 	snop  }
0x1b4: {  	[spmem:s1] =	stream.indirect.scatter.add.f32 [tilespmem:s11], [sflag:$0x2], $0x80, s23, s3, $0xb8;
	[tilespmem:$0x1C900] =	vst v63  }
0x1b5: {  	_ = 	snop  }
0x1b6: {  	[spmem:s1] =	stream.indirect.scatter.add.f32 [tilespmem:s11], [sflag:$0x2], $0x80, s26, s3, $0xb8;
	[tilespmem:$0x1C900] =	vst v63  }
0x1b7: {  	_ = 	snop  }
0x1b8: {  	[spmem:s1] =	stream.indirect.scatter.add.f32 [tilespmem:s11], [sflag:$0x2], $0x80, s28, s3, $0xb8;
	[tilespmem:$0x1C900] =	vst v63  }
0x1b9: {  	_ = 	snop  }
0x1ba: {  	[spmem:s1] =	stream.indirect.scatter.add.f32 [tilespmem:s11], [sflag:$0x2], $0x80, s29, s3, $0xb8;
	[tilespmem:$0x1C900] =	vst v63  }
0x1bb: {  	_ = 	snop  }
0x1bc: {  	[spmem:s1] =	stream.indirect.scatter.add.f32 [tilespmem:s11], [sflag:$0x2], $0x80, s30, s3, $0xb8;
	[tilespmem:$0x1C900] =	vst v63  }
0x1bd: {  	_ = 	snop  }
0x1be: {  	[spmem:s1] =	stream.indirect.scatter.add.f32 [tilespmem:s11], [sflag:$0x2], $0x80, s12, s3, $0xb8;
	[tilespmem:$0x1C900] =	vst v63  }
0x1bf: {  	_ = 	snop  }
0x1c0: {  	[spmem:s1] =	stream.indirect.scatter.add.f32 [tilespmem:s11], [sflag:$0x2], $0x80, s15, s3, $0xb8;
	[tilespmem:$0x1C900] =	vst v63  }
0x1c1: {  	_ = 	snop  }
0x1c2: {  	[spmem:s1] =	stream.indirect.scatter.add.f32 [tilespmem:s11], [sflag:$0x2], $0x80, s18, s3, $0xb8;
	[tilespmem:$0x1C900] =	vst v63  }
0x1c3: {  	_ = 	snop  }
0x1c4: {  	[spmem:s1] =	stream.indirect.scatter.add.f32 [tilespmem:s11], [sflag:$0x2], $0x80, s9, s3, $0xb8;
	[tilespmem:$0x1C900] =	vst v63  }
0x1c5: {  	_ = 	snop  }
0x1c6: {  	[spmem:s1] =	stream.indirect.scatter.add.f32 [tilespmem:s11], [sflag:$0x2], $0x80, s0, s3, $0xb8;
	[tilespmem:$0x1C900] =	vst v63  }
0x1c7: {  	_ = 	snop  }
0x1c8: {  	[spmem:s1] =	stream.indirect.scatter.add.f32 [tilespmem:s11], [sflag:$0x2], $0x80, s10, s3, $0xb8;
	[tilespmem:$0x1C900] =	vst v63  }
0x1c9: {  	_ =	swait.ge [sflag:s16], $0x3E80  }
0x1ca: {  	[sflag:s16] =	ssyncset.done $0x0  }
0x1cb: {  	[sflag:s16] =	ssyncadd.s32 $0xFFFFC180  }
0x1cc: {  	_ =	swait.ge [sflag:s16], $0x3E80  }
0x1cd: {  	[sflag:s16] =	ssyncset.done $0x0  }
0x1ce: {  	[sflag:s16] =	ssyncadd.s32 $0xFFFFC180  }
0x1cf: {  	_ =	swait.ge [sflag:s16], $0x3E80  }
0x1d0: {  	[sflag:s16] =	ssyncset.done $0x0  }
0x1d1: {  	[sflag:s16] =	ssyncadd.s32 $0xFFFFC180  }
0x1d2: {  	_ =	swait.ge [sflag:s16], $0x3E80  }
0x1d3: {  	[sflag:s16] =	ssyncset.done $0x0  }
0x1d4: {  	[sflag:s16] =	ssyncadd.s32 $0xFFFFC180  }
0x1d5: {  	_ =	swait.ge [sflag:s16], $0x3E80  }
0x1d6: {  	[sflag:s16] =	ssyncset.done $0x0  }
0x1d7: {  	[sflag:s16] =	ssyncadd.s32 $0xFFFFC180  }
0x1d8: {  	_ =	swait.ge [sflag:s16], $0x3E80  }
0x1d9: {  	[sflag:s16] =	ssyncset.done $0x0  }
0x1da: {  	[sflag:s16] =	ssyncadd.s32 $0xFFFFC180  }
0x1db: {  	_ =	swait.ge [sflag:s16], $0x3E80  }
0x1dc: {  	[sflag:s16] =	ssyncset.done $0x0  }
0x1dd: {  	[sflag:s16] =	ssyncadd.s32 $0xFFFFC180  }
0x1de: {  	_ =	swait.ge [sflag:s16], $0x3E80  }
0x1df: {  	[sflag:s16] =	ssyncset.done $0x0  }
0x1e0: {  	[sflag:s16] =	ssyncadd.s32 $0xFFFFC180  }
0x1e1: {  	_ =	swait.ge [sflag:s16], $0x3E80  }
0x1e2: {  	[sflag:s16] =	ssyncset.done $0x0  }
0x1e3: {  	[sflag:s16] =	ssyncadd.s32 $0xFFFFC180  }
0x1e4: {  	_ =	swait.ge [sflag:s16], $0x3E80  }
0x1e5: {  	[sflag:s16] =	ssyncset.done $0x0  }
0x1e6: {  	[sflag:s16] =	ssyncadd.s32 $0xFFFFC180  }
0x1e7: {  	_ =	swait.ge [sflag:s16], $0x3E80  }
0x1e8: {  	[sflag:s16] =	ssyncset.done $0x0  }
0x1e9: {  	[sflag:s16] =	ssyncadd.s32 $0xFFFFC180  }
0x1ea: {  	_ =	swait.ge [sflag:s16], $0x3E80  }
0x1eb: {  	[sflag:s16] =	ssyncset.done $0x0  }
0x1ec: {  	[sflag:s16] =	ssyncadd.s32 $0xFFFFC180  }
0x1ed: {  	_ =	swait.ge [sflag:s16], $0x3E80  }
0x1ee: {  	[sflag:s16] =	ssyncset.done $0x0  }
0x1ef: {  	[sflag:s16] =	ssyncadd.s32 $0xFFFFC180  }
0x1f0: {  	_ =	swait.ge [sflag:s16], $0x3E80  }
0x1f1: {  	[sflag:s16] =	ssyncset.done $0x0  }
0x1f2: {  	[sflag:s16] =	ssyncadd.s32 $0xFFFFC180  }
0x1f3: {  	_ =	swait.ge [sflag:s16], $0x3E80  }
0x1f4: {  	[sflag:s16] =	ssyncset.done $0x0  }
0x1f5: {  	[sflag:s16] =	ssyncadd.s32 $0xFFFFC180  }
0x1f6: {  	_ =	swait.ge [sflag:s16], $0x3E80  }
0x1f7: {  	s14 =	simm.s32 $0x100;
	s5 =	simm.s32 $0x200;
	[sflag:s16] =	ssyncset.done $0x0  }
.LBB2_26:
0x1f8: {  	s6 =	sadd.s32 s14, s8  }
0x1f9: {  	[sflag:s16] =	ssyncadd.s32 $0xFFFFC180;
	s14 =	smov.u32 s5;
	s4 =	sadd.s32 $0x100, s5  }
0x1fa: {  	[tilespmem:s2], [sflag:$0x4] =	stream.linear.gather [hbm4b:s6+s2], $0x800, $0x38;
	[tilespmem:$0x1C900] =	vst v63  }
0x1fb: {  	p1 =	seq.s32 s5, $0x400;
	_ =	swait.ge [sflag:s31], $0x800  }
0x1fc: {  	[sflag:s31] =	ssyncset.done $0x0  }
0x1fd: {  	[sflag:s31] =	ssyncadd.s32 $0xFFFFF800  }
0x1fe: {  	[spmem:s1] =	stream.indirect.scatter.add.f32 [tilespmem:s11], [sflag:$0x2], $0x80, s2, s3, $0xb8;
	[tilespmem:$0x1C900] =	vst v63  }
0x1ff: {  	_ = 	snop  }
0x200: {  	[spmem:s1] =	stream.indirect.scatter.add.f32 [tilespmem:s11], [sflag:$0x2], $0x80, s13, s3, $0xb8;
	[tilespmem:$0x1C900] =	vst v63  }
0x201: {  	_ = 	snop  }
0x202: {  	[spmem:s1] =	stream.indirect.scatter.add.f32 [tilespmem:s11], [sflag:$0x2], $0x80, s21, s3, $0xb8;
	[tilespmem:$0x1C900] =	vst v63  }
0x203: {  	_ = 	snop  }
0x204: {  	[spmem:s1] =	stream.indirect.scatter.add.f32 [tilespmem:s11], [sflag:$0x2], $0x80, s17, s3, $0xb8;
	[tilespmem:$0x1C900] =	vst v63  }
0x205: {  	_ = 	snop  }
0x206: {  	[spmem:s1] =	stream.indirect.scatter.add.f32 [tilespmem:s11], [sflag:$0x2], $0x80, s22, s3, $0xb8;
	[tilespmem:$0x1C900] =	vst v63  }
0x207: {  	_ = 	snop  }
0x208: {  	[spmem:s1] =	stream.indirect.scatter.add.f32 [tilespmem:s11], [sflag:$0x2], $0x80, s23, s3, $0xb8;
	[tilespmem:$0x1C900] =	vst v63  }
0x209: {  	_ = 	snop  }
0x20a: {  	[spmem:s1] =	stream.indirect.scatter.add.f32 [tilespmem:s11], [sflag:$0x2], $0x80, s26, s3, $0xb8;
	[tilespmem:$0x1C900] =	vst v63  }
0x20b: {  	_ = 	snop  }
0x20c: {  	[spmem:s1] =	stream.indirect.scatter.add.f32 [tilespmem:s11], [sflag:$0x2], $0x80, s28, s3, $0xb8;
	[tilespmem:$0x1C900] =	vst v63  }
0x20d: {  	_ = 	snop  }
0x20e: {  	[spmem:s1] =	stream.indirect.scatter.add.f32 [tilespmem:s11], [sflag:$0x2], $0x80, s29, s3, $0xb8;
	[tilespmem:$0x1C900] =	vst v63  }
0x20f: {  	_ = 	snop  }
0x210: {  	[spmem:s1] =	stream.indirect.scatter.add.f32 [tilespmem:s11], [sflag:$0x2], $0x80, s30, s3, $0xb8;
	[tilespmem:$0x1C900] =	vst v63  }
0x211: {  	_ = 	snop  }
0x212: {  	[spmem:s1] =	stream.indirect.scatter.add.f32 [tilespmem:s11], [sflag:$0x2], $0x80, s12, s3, $0xb8;
	[tilespmem:$0x1C900] =	vst v63  }
0x213: {  	_ = 	snop  }
0x214: {  	[spmem:s1] =	stream.indirect.scatter.add.f32 [tilespmem:s11], [sflag:$0x2], $0x80, s15, s3, $0xb8;
	[tilespmem:$0x1C900] =	vst v63  }
0x215: {  	_ = 	snop  }
0x216: {  	[spmem:s1] =	stream.indirect.scatter.add.f32 [tilespmem:s11], [sflag:$0x2], $0x80, s18, s3, $0xb8;
	[tilespmem:$0x1C900] =	vst v63  }
0x217: {  	_ = 	snop  }
0x218: {  	[spmem:s1] =	stream.indirect.scatter.add.f32 [tilespmem:s11], [sflag:$0x2], $0x80, s9, s3, $0xb8;
	[tilespmem:$0x1C900] =	vst v63  }
0x219: {  	_ = 	snop  }
0x21a: {  	[spmem:s1] =	stream.indirect.scatter.add.f32 [tilespmem:s11], [sflag:$0x2], $0x80, s0, s3, $0xb8;
	[tilespmem:$0x1C900] =	vst v63  }
0x21b: {  	_ = 	snop  }
0x21c: {  	[spmem:s1] =	stream.indirect.scatter.add.f32 [tilespmem:s11], [sflag:$0x2], $0x80, s10, s3, $0xb8;
	[tilespmem:$0x1C900] =	vst v63  }
0x21d: {  	_ =	swait.ge [sflag:s16], $0x3E80  }
0x21e: {  	[sflag:s16] =	ssyncset.done $0x0  }
0x21f: {  	[sflag:s16] =	ssyncadd.s32 $0xFFFFC180  }
0x220: {  	_ =	swait.ge [sflag:s16], $0x3E80  }
0x221: {  	[sflag:s16] =	ssyncset.done $0x0  }
0x222: {  	[sflag:s16] =	ssyncadd.s32 $0xFFFFC180  }
0x223: {  	_ =	swait.ge [sflag:s16], $0x3E80  }
0x224: {  	[sflag:s16] =	ssyncset.done $0x0  }
0x225: {  	[sflag:s16] =	ssyncadd.s32 $0xFFFFC180  }
0x226: {  	_ =	swait.ge [sflag:s16], $0x3E80  }
0x227: {  	[sflag:s16] =	ssyncset.done $0x0  }
0x228: {  	[sflag:s16] =	ssyncadd.s32 $0xFFFFC180  }
0x229: {  	_ =	swait.ge [sflag:s16], $0x3E80  }
0x22a: {  	[sflag:s16] =	ssyncset.done $0x0  }
0x22b: {  	[sflag:s16] =	ssyncadd.s32 $0xFFFFC180  }
0x22c: {  	_ =	swait.ge [sflag:s16], $0x3E80  }
0x22d: {  	[sflag:s16] =	ssyncset.done $0x0  }
0x22e: {  	[sflag:s16] =	ssyncadd.s32 $0xFFFFC180  }
0x22f: {  	_ =	swait.ge [sflag:s16], $0x3E80  }
0x230: {  	[sflag:s16] =	ssyncset.done $0x0  }
0x231: {  	[sflag:s16] =	ssyncadd.s32 $0xFFFFC180  }
0x232: {  	_ =	swait.ge [sflag:s16], $0x3E80  }
0x233: {  	[sflag:s16] =	ssyncset.done $0x0  }
0x234: {  	[sflag:s16] =	ssyncadd.s32 $0xFFFFC180  }
0x235: {  	_ =	swait.ge [sflag:s16], $0x3E80  }
0x236: {  	[sflag:s16] =	ssyncset.done $0x0  }
0x237: {  	[sflag:s16] =	ssyncadd.s32 $0xFFFFC180  }
0x238: {  	_ =	swait.ge [sflag:s16], $0x3E80  }
0x239: {  	[sflag:s16] =	ssyncset.done $0x0  }
0x23a: {  	[sflag:s16] =	ssyncadd.s32 $0xFFFFC180  }
0x23b: {  	_ =	swait.ge [sflag:s16], $0x3E80  }
0x23c: {  	[sflag:s16] =	ssyncset.done $0x0  }
0x23d: {  	[sflag:s16] =	ssyncadd.s32 $0xFFFFC180  }
0x23e: {  	_ =	swait.ge [sflag:s16], $0x3E80  }
0x23f: {  	[sflag:s16] =	ssyncset.done $0x0  }
0x240: {  	[sflag:s16] =	ssyncadd.s32 $0xFFFFC180  }
0x241: {  	_ =	swait.ge [sflag:s16], $0x3E80  }
0x242: {  	[sflag:s16] =	ssyncset.done $0x0  }
0x243: {  	[sflag:s16] =	ssyncadd.s32 $0xFFFFC180  }
0x244: {  	_ =	swait.ge [sflag:s16], $0x3E80  }
0x245: {  	[sflag:s16] =	ssyncset.done $0x0  }
0x246: {  	[sflag:s16] =	ssyncadd.s32 $0xFFFFC180  }
.Ltmp19:
0x247: {  	_ =	swait.ge [sflag:s16], $0x3E80;
	(pc) =	sbr.rel @!p1 .LBB2_26-.Ltmp19, $4  }
0x248: {  	[sflag:s16] =	ssyncset.done $0x0  }
0x249: {  	[sflag:s16] =	ssyncadd.s32 $0xFFFFC180  }
0x24a: {  	_ =	swait.ge [sflag:s16], $0x3E80  }
0x24b: {  	s5 =	smov.u32 s4;
	[sflag:s16] =	ssyncset.done $0x0  }
0x24c: {  	s4 =	sadd.s32 s14, s8;
	[sflag:s16] =	ssyncadd.s32 $0xFFFFC180  }
0x24d: {  	[tilespmem:s2], [sflag:$0x4] =	stream.linear.gather [hbm4b:s4+s2], $0x800, $0x38;
	[tilespmem:$0x1C900] =	vst v63  }
0x24e: {  	_ =	swait.ge [sflag:s31], $0x800  }
0x24f: {  	[sflag:s31] =	ssyncset.done $0x0  }
0x250: {  	[sflag:s31] =	ssyncadd.s32 $0xFFFFF800  }
0x251: {  	[spmem:s1] =	stream.indirect.scatter.add.f32 [tilespmem:s11], [sflag:$0x2], $0x80, s2, s3, $0xb8;
	[tilespmem:$0x1C900] =	vst v63  }
0x252: {  	_ = 	snop  }
0x253: {  	[spmem:s1] =	stream.indirect.scatter.add.f32 [tilespmem:s11], [sflag:$0x2], $0x80, s13, s3, $0xb8;
	[tilespmem:$0x1C900] =	vst v63  }
0x254: {  	_ = 	snop  }
0x255: {  	[spmem:s1] =	stream.indirect.scatter.add.f32 [tilespmem:s11], [sflag:$0x2], $0x80, s21, s3, $0xb8;
	[tilespmem:$0x1C900] =	vst v63  }
0x256: {  	_ = 	snop  }
0x257: {  	[spmem:s1] =	stream.indirect.scatter.add.f32 [tilespmem:s11], [sflag:$0x2], $0x80, s17, s3, $0xb8;
	[tilespmem:$0x1C900] =	vst v63  }
0x258: {  	_ = 	snop  }
0x259: {  	[spmem:s1] =	stream.indirect.scatter.add.f32 [tilespmem:s11], [sflag:$0x2], $0x80, s22, s3, $0xb8;
	[tilespmem:$0x1C900] =	vst v63  }
0x25a: {  	_ = 	snop  }
0x25b: {  	[spmem:s1] =	stream.indirect.scatter.add.f32 [tilespmem:s11], [sflag:$0x2], $0x80, s23, s3, $0xb8;
	[tilespmem:$0x1C900] =	vst v63  }
0x25c: {  	_ = 	snop  }
0x25d: {  	[spmem:s1] =	stream.indirect.scatter.add.f32 [tilespmem:s11], [sflag:$0x2], $0x80, s26, s3, $0xb8;
	[tilespmem:$0x1C900] =	vst v63  }
0x25e: {  	_ = 	snop  }
0x25f: {  	[spmem:s1] =	stream.indirect.scatter.add.f32 [tilespmem:s11], [sflag:$0x2], $0x80, s28, s3, $0xb8;
	[tilespmem:$0x1C900] =	vst v63  }
0x260: {  	_ = 	snop  }
0x261: {  	[spmem:s1] =	stream.indirect.scatter.add.f32 [tilespmem:s11], [sflag:$0x2], $0x80, s29, s3, $0xb8;
	[tilespmem:$0x1C900] =	vst v63  }
0x262: {  	_ = 	snop  }
0x263: {  	[spmem:s1] =	stream.indirect.scatter.add.f32 [tilespmem:s11], [sflag:$0x2], $0x80, s30, s3, $0xb8;
	[tilespmem:$0x1C900] =	vst v63  }
0x264: {  	_ = 	snop  }
0x265: {  	[spmem:s1] =	stream.indirect.scatter.add.f32 [tilespmem:s11], [sflag:$0x2], $0x80, s12, s3, $0xb8;
	[tilespmem:$0x1C900] =	vst v63  }
0x266: {  	_ = 	snop  }
0x267: {  	[spmem:s1] =	stream.indirect.scatter.add.f32 [tilespmem:s11], [sflag:$0x2], $0x80, s15, s3, $0xb8;
	[tilespmem:$0x1C900] =	vst v63  }
0x268: {  	_ = 	snop  }
0x269: {  	[spmem:s1] =	stream.indirect.scatter.add.f32 [tilespmem:s11], [sflag:$0x2], $0x80, s18, s3, $0xb8;
	[tilespmem:$0x1C900] =	vst v63  }
0x26a: {  	_ = 	snop  }
0x26b: {  	[spmem:s1] =	stream.indirect.scatter.add.f32 [tilespmem:s11], [sflag:$0x2], $0x80, s9, s3, $0xb8;
	[tilespmem:$0x1C900] =	vst v63  }
0x26c: {  	_ = 	snop  }
0x26d: {  	[spmem:s1] =	stream.indirect.scatter.add.f32 [tilespmem:s11], [sflag:$0x2], $0x80, s0, s3, $0xb8;
	[tilespmem:$0x1C900] =	vst v63  }
0x26e: {  	_ = 	snop  }
0x26f: {  	[spmem:s1] =	stream.indirect.scatter.add.f32 [tilespmem:s11], [sflag:$0x2], $0x80, s10, s3, $0xb8;
	[tilespmem:$0x1C900] =	vst v63  }
0x270: {  	_ =	swait.ge [sflag:s16], $0x3E80  }
0x271: {  	[sflag:s16] =	ssyncset.done $0x0  }
0x272: {  	[sflag:s16] =	ssyncadd.s32 $0xFFFFC180  }
0x273: {  	_ =	swait.ge [sflag:s16], $0x3E80  }
0x274: {  	[sflag:s16] =	ssyncset.done $0x0  }
0x275: {  	[sflag:s16] =	ssyncadd.s32 $0xFFFFC180  }
0x276: {  	_ =	swait.ge [sflag:s16], $0x3E80  }
0x277: {  	[sflag:s16] =	ssyncset.done $0x0  }
0x278: {  	[sflag:s16] =	ssyncadd.s32 $0xFFFFC180  }
0x279: {  	_ =	swait.ge [sflag:s16], $0x3E80  }
0x27a: {  	[sflag:s16] =	ssyncset.done $0x0  }
0x27b: {  	[sflag:s16] =	ssyncadd.s32 $0xFFFFC180  }
0x27c: {  	_ =	swait.ge [sflag:s16], $0x3E80  }
0x27d: {  	[sflag:s16] =	ssyncset.done $0x0  }
0x27e: {  	[sflag:s16] =	ssyncadd.s32 $0xFFFFC180  }
0x27f: {  	_ =	swait.ge [sflag:s16], $0x3E80  }
0x280: {  	[sflag:s16] =	ssyncset.done $0x0  }
0x281: {  	[sflag:s16] =	ssyncadd.s32 $0xFFFFC180  }
0x282: {  	_ =	swait.ge [sflag:s16], $0x3E80  }
0x283: {  	[sflag:s16] =	ssyncset.done $0x0  }
0x284: {  	[sflag:s16] =	ssyncadd.s32 $0xFFFFC180  }
0x285: {  	_ =	swait.ge [sflag:s16], $0x3E80  }
0x286: {  	[sflag:s16] =	ssyncset.done $0x0  }
0x287: {  	[sflag:s16] =	ssyncadd.s32 $0xFFFFC180  }
0x288: {  	_ =	swait.ge [sflag:s16], $0x3E80  }
0x289: {  	[sflag:s16] =	ssyncset.done $0x0  }
0x28a: {  	[sflag:s16] =	ssyncadd.s32 $0xFFFFC180  }
0x28b: {  	_ =	swait.ge [sflag:s16], $0x3E80  }
0x28c: {  	[sflag:s16] =	ssyncset.done $0x0  }
0x28d: {  	[sflag:s16] =	ssyncadd.s32 $0xFFFFC180  }
0x28e: {  	_ =	swait.ge [sflag:s16], $0x3E80  }
0x28f: {  	[sflag:s16] =	ssyncset.done $0x0  }
0x290: {  	[sflag:s16] =	ssyncadd.s32 $0xFFFFC180  }
0x291: {  	_ =	swait.ge [sflag:s16], $0x3E80  }
0x292: {  	[sflag:s16] =	ssyncset.done $0x0  }
0x293: {  	[sflag:s16] =	ssyncadd.s32 $0xFFFFC180  }
0x294: {  	_ =	swait.ge [sflag:s16], $0x3E80  }
0x295: {  	[sflag:s16] =	ssyncset.done $0x0  }
0x296: {  	[sflag:s16] =	ssyncadd.s32 $0xFFFFC180  }
0x297: {  	_ =	swait.ge [sflag:s16], $0x3E80  }
0x298: {  	[sflag:s16] =	ssyncset.done $0x0  }
0x299: {  	[sflag:s16] =	ssyncadd.s32 $0xFFFFC180  }
0x29a: {  	_ =	swait.ge [sflag:s16], $0x3E80  }
.Ltmp20:
0x29b: {  	[sflag:s16] =	ssyncset.done $0x0;
	(pc) =	sbr.rel .LBB2_31-.Ltmp20, $4  }
0x29c: {  	[sflag:s16] =	ssyncadd.s32 $0xFFFFC180  }
0x29d: {  	_ =	swait.ge [sflag:s16], $0x3E80  }
0x29e: {  	[sflag:s16] =	ssyncset.done $0x0  }
0x29f: {  	s4 =	rddreg [dreg:$0xb];
	[sflag:s16] =	ssyncadd.s32 $0xFFFFC180  }
.LBB2_28:
0x2a0: {  	s4 =	sadd.s32 $0x0, s25  }
0x2a1: {  	[tilespmem:s2], [sflag:$0x4] =	stream.linear.gather [hbm4b:s4+s2], $0x800, $0x38;
	[tilespmem:$0x1C900] =	vst v63  }
0x2a2: {  	_ =	swait.ge [sflag:s31], $0x800  }
0x2a3: {  	[sflag:s31] =	ssyncset.done $0x0  }
0x2a4: {  	[sflag:s31] =	ssyncadd.s32 $0xFFFFF800  }
0x2a5: {  	[spmem:s1] =	stream.indirect.scatter.add.f32 [tilespmem:s11], [sflag:$0x2], $0x80, s2, s3, $0xb8;
	[tilespmem:$0x1C900] =	vst v63  }
0x2a6: {  	_ = 	snop  }
0x2a7: {  	[spmem:s1] =	stream.indirect.scatter.add.f32 [tilespmem:s11], [sflag:$0x2], $0x80, s13, s3, $0xb8;
	[tilespmem:$0x1C900] =	vst v63  }
0x2a8: {  	_ = 	snop  }
0x2a9: {  	[spmem:s1] =	stream.indirect.scatter.add.f32 [tilespmem:s11], [sflag:$0x2], $0x80, s21, s3, $0xb8;
	[tilespmem:$0x1C900] =	vst v63  }
0x2aa: {  	_ = 	snop  }
0x2ab: {  	[spmem:s1] =	stream.indirect.scatter.add.f32 [tilespmem:s11], [sflag:$0x2], $0x80, s17, s3, $0xb8;
	[tilespmem:$0x1C900] =	vst v63  }
0x2ac: {  	_ = 	snop  }
0x2ad: {  	[spmem:s1] =	stream.indirect.scatter.add.f32 [tilespmem:s11], [sflag:$0x2], $0x80, s22, s3, $0xb8;
	[tilespmem:$0x1C900] =	vst v63  }
0x2ae: {  	_ = 	snop  }
0x2af: {  	[spmem:s1] =	stream.indirect.scatter.add.f32 [tilespmem:s11], [sflag:$0x2], $0x80, s23, s3, $0xb8;
	[tilespmem:$0x1C900] =	vst v63  }
0x2b0: {  	_ = 	snop  }
0x2b1: {  	[spmem:s1] =	stream.indirect.scatter.add.f32 [tilespmem:s11], [sflag:$0x2], $0x80, s26, s3, $0xb8;
	[tilespmem:$0x1C900] =	vst v63  }
0x2b2: {  	_ = 	snop  }
0x2b3: {  	[spmem:s1] =	stream.indirect.scatter.add.f32 [tilespmem:s11], [sflag:$0x2], $0x80, s28, s3, $0xb8;
	[tilespmem:$0x1C900] =	vst v63  }
0x2b4: {  	_ = 	snop  }
0x2b5: {  	[spmem:s1] =	stream.indirect.scatter.add.f32 [tilespmem:s11], [sflag:$0x2], $0x80, s29, s3, $0xb8;
	[tilespmem:$0x1C900] =	vst v63  }
0x2b6: {  	_ = 	snop  }
0x2b7: {  	[spmem:s1] =	stream.indirect.scatter.add.f32 [tilespmem:s11], [sflag:$0x2], $0x80, s30, s3, $0xb8;
	[tilespmem:$0x1C900] =	vst v63  }
0x2b8: {  	_ = 	snop  }
0x2b9: {  	[spmem:s1] =	stream.indirect.scatter.add.f32 [tilespmem:s11], [sflag:$0x2], $0x80, s12, s3, $0xb8;
	[tilespmem:$0x1C900] =	vst v63  }
0x2ba: {  	_ = 	snop  }
0x2bb: {  	[spmem:s1] =	stream.indirect.scatter.add.f32 [tilespmem:s11], [sflag:$0x2], $0x80, s15, s3, $0xb8;
	[tilespmem:$0x1C900] =	vst v63  }
0x2bc: {  	_ = 	snop  }
0x2bd: {  	[spmem:s1] =	stream.indirect.scatter.add.f32 [tilespmem:s11], [sflag:$0x2], $0x80, s18, s3, $0xb8;
	[tilespmem:$0x1C900] =	vst v63  }
0x2be: {  	_ = 	snop  }
0x2bf: {  	[spmem:s1] =	stream.indirect.scatter.add.f32 [tilespmem:s11], [sflag:$0x2], $0x80, s9, s3, $0xb8;
	[tilespmem:$0x1C900] =	vst v63  }
0x2c0: {  	_ = 	snop  }
0x2c1: {  	[spmem:s1] =	stream.indirect.scatter.add.f32 [tilespmem:s11], [sflag:$0x2], $0x80, s0, s3, $0xb8;
	[tilespmem:$0x1C900] =	vst v63  }
0x2c2: {  	_ = 	snop  }
0x2c3: {  	[spmem:s1] =	stream.indirect.scatter.add.f32 [tilespmem:s11], [sflag:$0x2], $0x80, s10, s3, $0xb8;
	[tilespmem:$0x1C900] =	vst v63  }
0x2c4: {  	_ =	swait.ge [sflag:s16], $0x3E80  }
0x2c5: {  	[sflag:s16] =	ssyncset.done $0x0  }
0x2c6: {  	[sflag:s16] =	ssyncadd.s32 $0xFFFFC180  }
0x2c7: {  	_ =	swait.ge [sflag:s16], $0x3E80  }
0x2c8: {  	[sflag:s16] =	ssyncset.done $0x0  }
0x2c9: {  	[sflag:s16] =	ssyncadd.s32 $0xFFFFC180  }
0x2ca: {  	_ =	swait.ge [sflag:s16], $0x3E80  }
0x2cb: {  	[sflag:s16] =	ssyncset.done $0x0  }
0x2cc: {  	[sflag:s16] =	ssyncadd.s32 $0xFFFFC180  }
0x2cd: {  	_ =	swait.ge [sflag:s16], $0x3E80  }
0x2ce: {  	[sflag:s16] =	ssyncset.done $0x0  }
0x2cf: {  	[sflag:s16] =	ssyncadd.s32 $0xFFFFC180  }
0x2d0: {  	_ =	swait.ge [sflag:s16], $0x3E80  }
0x2d1: {  	[sflag:s16] =	ssyncset.done $0x0  }
0x2d2: {  	[sflag:s16] =	ssyncadd.s32 $0xFFFFC180  }
0x2d3: {  	_ =	swait.ge [sflag:s16], $0x3E80  }
0x2d4: {  	[sflag:s16] =	ssyncset.done $0x0  }
0x2d5: {  	[sflag:s16] =	ssyncadd.s32 $0xFFFFC180  }
0x2d6: {  	_ =	swait.ge [sflag:s16], $0x3E80  }
0x2d7: {  	[sflag:s16] =	ssyncset.done $0x0  }
0x2d8: {  	[sflag:s16] =	ssyncadd.s32 $0xFFFFC180  }
0x2d9: {  	_ =	swait.ge [sflag:s16], $0x3E80  }
0x2da: {  	[sflag:s16] =	ssyncset.done $0x0  }
0x2db: {  	[sflag:s16] =	ssyncadd.s32 $0xFFFFC180  }
0x2dc: {  	_ =	swait.ge [sflag:s16], $0x3E80  }
0x2dd: {  	[sflag:s16] =	ssyncset.done $0x0  }
0x2de: {  	[sflag:s16] =	ssyncadd.s32 $0xFFFFC180  }
0x2df: {  	_ =	swait.ge [sflag:s16], $0x3E80  }
0x2e0: {  	[sflag:s16] =	ssyncset.done $0x0  }
0x2e1: {  	[sflag:s16] =	ssyncadd.s32 $0xFFFFC180  }
0x2e2: {  	_ =	swait.ge [sflag:s16], $0x3E80  }
0x2e3: {  	[sflag:s16] =	ssyncset.done $0x0  }
0x2e4: {  	[sflag:s16] =	ssyncadd.s32 $0xFFFFC180  }
0x2e5: {  	_ =	swait.ge [sflag:s16], $0x3E80  }
0x2e6: {  	[sflag:s16] =	ssyncset.done $0x0  }
0x2e7: {  	[sflag:s16] =	ssyncadd.s32 $0xFFFFC180  }
0x2e8: {  	_ =	swait.ge [sflag:s16], $0x3E80  }
0x2e9: {  	[sflag:s16] =	ssyncset.done $0x0  }
0x2ea: {  	[sflag:s16] =	ssyncadd.s32 $0xFFFFC180  }
0x2eb: {  	_ =	swait.ge [sflag:s16], $0x3E80  }
0x2ec: {  	[sflag:s16] =	ssyncset.done $0x0  }
0x2ed: {  	[sflag:s16] =	ssyncadd.s32 $0xFFFFC180  }
0x2ee: {  	_ =	swait.ge [sflag:s16], $0x3E80  }
0x2ef: {  	[sflag:s16] =	ssyncset.done $0x0  }
0x2f0: {  	[sflag:s16] =	ssyncadd.s32 $0xFFFFC180  }
0x2f1: {  	_ =	swait.ge [sflag:s16], $0x3E80  }
0x2f2: {  	s14 =	simm.s32 $0x100;
	s5 =	simm.s32 $0x200;
	[sflag:s16] =	ssyncset.done $0x0  }
.LBB2_29:
0x2f3: {  	s6 =	sadd.s32 s14, s25  }
0x2f4: {  	[sflag:s16] =	ssyncadd.s32 $0xFFFFC180;
	s14 =	smov.u32 s5;
	s4 =	sadd.s32 $0x100, s5  }
0x2f5: {  	[tilespmem:s2], [sflag:$0x4] =	stream.linear.gather [hbm4b:s6+s2], $0x800, $0x38;
	[tilespmem:$0x1C900] =	vst v63  }
0x2f6: {  	p1 =	sne.s32 s5, $0x400;
	_ =	swait.ge [sflag:s31], $0x800  }
0x2f7: {  	[sflag:s31] =	ssyncset.done $0x0  }
0x2f8: {  	[sflag:s31] =	ssyncadd.s32 $0xFFFFF800  }
0x2f9: {  	[spmem:s1] =	stream.indirect.scatter.add.f32 [tilespmem:s11], [sflag:$0x2], $0x80, s2, s3, $0xb8;
	[tilespmem:$0x1C900] =	vst v63  }
0x2fa: {  	_ = 	snop  }
0x2fb: {  	[spmem:s1] =	stream.indirect.scatter.add.f32 [tilespmem:s11], [sflag:$0x2], $0x80, s13, s3, $0xb8;
	[tilespmem:$0x1C900] =	vst v63  }
0x2fc: {  	_ = 	snop  }
0x2fd: {  	[spmem:s1] =	stream.indirect.scatter.add.f32 [tilespmem:s11], [sflag:$0x2], $0x80, s21, s3, $0xb8;
	[tilespmem:$0x1C900] =	vst v63  }
0x2fe: {  	_ = 	snop  }
0x2ff: {  	[spmem:s1] =	stream.indirect.scatter.add.f32 [tilespmem:s11], [sflag:$0x2], $0x80, s17, s3, $0xb8;
	[tilespmem:$0x1C900] =	vst v63  }
0x300: {  	_ = 	snop  }
0x301: {  	[spmem:s1] =	stream.indirect.scatter.add.f32 [tilespmem:s11], [sflag:$0x2], $0x80, s22, s3, $0xb8;
	[tilespmem:$0x1C900] =	vst v63  }
0x302: {  	_ = 	snop  }
0x303: {  	[spmem:s1] =	stream.indirect.scatter.add.f32 [tilespmem:s11], [sflag:$0x2], $0x80, s23, s3, $0xb8;
	[tilespmem:$0x1C900] =	vst v63  }
0x304: {  	_ = 	snop  }
0x305: {  	[spmem:s1] =	stream.indirect.scatter.add.f32 [tilespmem:s11], [sflag:$0x2], $0x80, s26, s3, $0xb8;
	[tilespmem:$0x1C900] =	vst v63  }
0x306: {  	_ = 	snop  }
0x307: {  	[spmem:s1] =	stream.indirect.scatter.add.f32 [tilespmem:s11], [sflag:$0x2], $0x80, s28, s3, $0xb8;
	[tilespmem:$0x1C900] =	vst v63  }
0x308: {  	_ = 	snop  }
0x309: {  	[spmem:s1] =	stream.indirect.scatter.add.f32 [tilespmem:s11], [sflag:$0x2], $0x80, s29, s3, $0xb8;
	[tilespmem:$0x1C900] =	vst v63  }
0x30a: {  	_ = 	snop  }
0x30b: {  	[spmem:s1] =	stream.indirect.scatter.add.f32 [tilespmem:s11], [sflag:$0x2], $0x80, s30, s3, $0xb8;
	[tilespmem:$0x1C900] =	vst v63  }
0x30c: {  	_ = 	snop  }
0x30d: {  	[spmem:s1] =	stream.indirect.scatter.add.f32 [tilespmem:s11], [sflag:$0x2], $0x80, s12, s3, $0xb8;
	[tilespmem:$0x1C900] =	vst v63  }
0x30e: {  	_ = 	snop  }
0x30f: {  	[spmem:s1] =	stream.indirect.scatter.add.f32 [tilespmem:s11], [sflag:$0x2], $0x80, s15, s3, $0xb8;
	[tilespmem:$0x1C900] =	vst v63  }
0x310: {  	_ = 	snop  }
0x311: {  	[spmem:s1] =	stream.indirect.scatter.add.f32 [tilespmem:s11], [sflag:$0x2], $0x80, s18, s3, $0xb8;
	[tilespmem:$0x1C900] =	vst v63  }
0x312: {  	_ = 	snop  }
0x313: {  	[spmem:s1] =	stream.indirect.scatter.add.f32 [tilespmem:s11], [sflag:$0x2], $0x80, s9, s3, $0xb8;
	[tilespmem:$0x1C900] =	vst v63  }
0x314: {  	_ = 	snop  }
0x315: {  	[spmem:s1] =	stream.indirect.scatter.add.f32 [tilespmem:s11], [sflag:$0x2], $0x80, s0, s3, $0xb8;
	[tilespmem:$0x1C900] =	vst v63  }
0x316: {  	_ = 	snop  }
0x317: {  	[spmem:s1] =	stream.indirect.scatter.add.f32 [tilespmem:s11], [sflag:$0x2], $0x80, s10, s3, $0xb8;
	[tilespmem:$0x1C900] =	vst v63  }
0x318: {  	_ =	swait.ge [sflag:s16], $0x3E80  }
0x319: {  	[sflag:s16] =	ssyncset.done $0x0  }
0x31a: {  	[sflag:s16] =	ssyncadd.s32 $0xFFFFC180  }
0x31b: {  	_ =	swait.ge [sflag:s16], $0x3E80  }
0x31c: {  	[sflag:s16] =	ssyncset.done $0x0  }
0x31d: {  	[sflag:s16] =	ssyncadd.s32 $0xFFFFC180  }
0x31e: {  	_ =	swait.ge [sflag:s16], $0x3E80  }
0x31f: {  	[sflag:s16] =	ssyncset.done $0x0  }
0x320: {  	[sflag:s16] =	ssyncadd.s32 $0xFFFFC180  }
0x321: {  	_ =	swait.ge [sflag:s16], $0x3E80  }
0x322: {  	[sflag:s16] =	ssyncset.done $0x0  }
0x323: {  	[sflag:s16] =	ssyncadd.s32 $0xFFFFC180  }
0x324: {  	_ =	swait.ge [sflag:s16], $0x3E80  }
0x325: {  	[sflag:s16] =	ssyncset.done $0x0  }
0x326: {  	[sflag:s16] =	ssyncadd.s32 $0xFFFFC180  }
0x327: {  	_ =	swait.ge [sflag:s16], $0x3E80  }
0x328: {  	[sflag:s16] =	ssyncset.done $0x0  }
0x329: {  	[sflag:s16] =	ssyncadd.s32 $0xFFFFC180  }
0x32a: {  	_ =	swait.ge [sflag:s16], $0x3E80  }
0x32b: {  	[sflag:s16] =	ssyncset.done $0x0  }
0x32c: {  	[sflag:s16] =	ssyncadd.s32 $0xFFFFC180  }
0x32d: {  	_ =	swait.ge [sflag:s16], $0x3E80  }
0x32e: {  	[sflag:s16] =	ssyncset.done $0x0  }
0x32f: {  	[sflag:s16] =	ssyncadd.s32 $0xFFFFC180  }
0x330: {  	_ =	swait.ge [sflag:s16], $0x3E80  }
0x331: {  	[sflag:s16] =	ssyncset.done $0x0  }
0x332: {  	[sflag:s16] =	ssyncadd.s32 $0xFFFFC180  }
0x333: {  	_ =	swait.ge [sflag:s16], $0x3E80  }
0x334: {  	[sflag:s16] =	ssyncset.done $0x0  }
0x335: {  	[sflag:s16] =	ssyncadd.s32 $0xFFFFC180  }
0x336: {  	_ =	swait.ge [sflag:s16], $0x3E80  }
0x337: {  	[sflag:s16] =	ssyncset.done $0x0  }
0x338: {  	[sflag:s16] =	ssyncadd.s32 $0xFFFFC180  }
0x339: {  	_ =	swait.ge [sflag:s16], $0x3E80  }
0x33a: {  	[sflag:s16] =	ssyncset.done $0x0  }
0x33b: {  	[sflag:s16] =	ssyncadd.s32 $0xFFFFC180  }
0x33c: {  	_ =	swait.ge [sflag:s16], $0x3E80  }
0x33d: {  	[sflag:s16] =	ssyncset.done $0x0  }
0x33e: {  	[sflag:s16] =	ssyncadd.s32 $0xFFFFC180  }
0x33f: {  	_ =	swait.ge [sflag:s16], $0x3E80  }
0x340: {  	[sflag:s16] =	ssyncset.done $0x0  }
0x341: {  	[sflag:s16] =	ssyncadd.s32 $0xFFFFC180  }
.Ltmp21:
0x342: {  	_ =	swait.ge [sflag:s16], $0x3E80;
	(pc) =	sbr.rel @p1 .LBB2_29-.Ltmp21, $4  }
0x343: {  	[sflag:s16] =	ssyncset.done $0x0  }
0x344: {  	[sflag:s16] =	ssyncadd.s32 $0xFFFFC180  }
0x345: {  	_ =	swait.ge [sflag:s16], $0x3E80  }
0x346: {  	s5 =	smov.u32 s4;
	[sflag:s16] =	ssyncset.done $0x0  }
.Ltmp22:
0x347: {  	_ = 	snop;
	(pc) =	sbr.rel .LBB2_30-.Ltmp22, $1  }
0x348: {  	_ =	sdelay $0x3  }
.LBB2_32:
0x349: {  	_ =	sfence.sel $0x180000  }
0x34a: {  	[bflag:$0x0] =	sbarrier.arrive $0xFFFF  }
0x34b: {  	_ =	strace $0x90000047  }
0x34c: {  	s0 =	stileid.u32;
	[bflag:$0x2] =	sbarrier.arrive $0xFFFF  }
0x34d: {  	p0 =	sne.s32 s0, $0x0;
	s0 =	rddreg [dreg:$0x3]  }
0x34e: {  	s0 =	sadd.s32 @!p0 $0x100000, s0  }
0x34f: {  	[sflag:s0] =	ssyncadd.tile.s32 @!p0 $0x1;
	_ =	shalt  }
.Lfunc_end2:
_tile_overlayer_lowered:
.L_overlay_start_2:
0x350: {  	(tag) =	ssettag $0x2  }
0x351: {  	s0 =	rddreg [dreg:$0x0];
	s2 =	stileid.u32  }
0x352: {  	s1 =	rddreg [dreg:$0x1];
	p0 =	sne.s32 s2, $0x0  }
0x353: {  	s3 =	rddreg [dreg:$0x2];
	[bflag:$0x3] =	sbarrier.arrive $0xFFFF;
	s2 =	simm.s32 @!p0 $0x1C04  }
0x354: {  	[timem:s3], [sflag:s2] =	dma.local @!p0 [hbm:s0], s1  }
0x355: {  	s0 =	simm.s32 @!p0 $0x4  }
0x356: {  	_ =	swait.ge @!p0 [sflag:s0], s1  }
0x357: {  	s1 =	ssub.s32 @!p0 $0x0, s1;
	[sflag:s0] =	ssyncset.done @!p0 $0x0  }
0x358: {  	[sflag:s0] =	ssyncadd.s32 @!p0 s1  }
0x359: {  	[bflag:$0x3] =	sbarrier.arrive $0xFFFF  }
0x35a: {  	_ =	shalt  }

</sc_bundles>
